<compile_context>
chip_gen: v7x
topology: tpu7x:2x2x1
jax: 0.10.2.dev20260603
libtpu: 0.0.44.dev20260713+nightly
codegen_flags: <defaults>
</compile_context>

<pallas_src>
import functools

import jax
import jax.numpy as jnp
import numpy as np
from jax import lax
from jax.experimental import pallas as pl
from jax.experimental.pallas import tpu as pltpu
from jax.experimental.pallas import tpu_sc as plsc

N = 10000
E = 320000
D = 128
ED = 16
NEUR = 64
C = 8
B = D // C

NC = 2
NS = 16
NW = NC * NS
EW = E // NW
K = 80
CH = EW // K
RPT = 624
TAIL = N - NS * RPT
ZR = 48
CP = 208
G = 5
CHG = CH // G

_T1 = 1000
_G1 = N // _T1
_T3 = 384
_G3 = (N + _T3 - 1) // _T3
_CPAD = _G3 * _T3

_l = np.arange(D)
_i = np.arange(B)
_m = np.arange(D)
_S_np = ((_i[None, :, None] == (_l % B)[:, None, None])
         & ((_m // B)[None, None, :] == (_l // B)[:, None, None]))
_S = _S_np.reshape(D, B * D).astype(np.float32)


def _permute_w2(W2, b2):
    W2p = W2.reshape(NEUR, C, B, B).transpose(0, 2, 1, 3).reshape(NEUR, B * D)
    b2p = b2.reshape(C, B, B).transpose(1, 0, 2).reshape(1, B * D)
    return W2p, b2p


def _block_mm(x_in, ea_ref, W1_ref, b1_ref, W2p_ref, b2p_ref, S_ref, rows):
    h = jnp.maximum(
        jnp.dot(ea_ref[...], W1_ref[...], preferred_element_type=jnp.float32)
        + b1_ref[...], 0.0)
    wfull = jnp.dot(h, W2p_ref[...], preferred_element_type=jnp.float32) + b2p_ref[...]
    xb = jnp.dot(x_in.astype(jnp.bfloat16), S_ref[...],
                 preferred_element_type=jnp.float32)
    p = xb * wfull
    acc = jnp.zeros((rows, D), jnp.float32)
    for i in range(B):
        acc = acc + p[:, i * D:(i + 1) * D]
    return acc


def _phase1_body(x_ref, ea_ref, W1_ref, b1_ref, W2p_ref, b2p_ref, S_ref, out_ref):
    out_ref[...] = _block_mm(x_ref[...], ea_ref, W1_ref, b1_ref, W2p_ref,
                             b2p_ref, S_ref, _T1).astype(jnp.bfloat16)


def _phase3_body(parts_ref, cnt_ref, ea_ref, W1_ref, b1_ref, W2p_ref, b2p_ref,
                 S_ref, mixWT_ref, mixb_ref, out_ref):
    tot = jnp.sum(cnt_ref[...], axis=(0, 1)).reshape(1, _T3)
    cnt = jnp.transpose(tot)
    v = (parts_ref[0].astype(jnp.float32) + parts_ref[1].astype(jnp.float32)
         ) / jnp.maximum(cnt, 1.0)
    acc = _block_mm(v, ea_ref, W1_ref, b1_ref, W2p_ref, b2p_ref, S_ref, _T3)
    out_ref[...] = jnp.dot(acc, mixWT_ref[...],
                           preferred_element_type=jnp.float32) + mixb_ref[...]


def _sc_edge_body(kyv_hbm, src_hbm, dst_hbm, outp_hbm, outc_hbm,
                  src_v0, dst_v0, src_v1, dst_v1, rows_a, rows_b, cnt_v,
                  acc_sh, sem_a, sem_b, sem_i0, sem_i1):
    cid = lax.axis_index("c")
    sid = lax.axis_index("s")
    wid = sid * NC + cid

    def _zc(r, _):
        cnt_v[pl.ds(r * 16, 16)] = jnp.zeros((16,), jnp.float32)
        return 0
    lax.fori_loop(0, N // 16, _zc, 0)

    def _zr(r, _):
        def _zl(c, _):
            rows_a[r, pl.ds(c * 32, 32)] = jnp.zeros((32,), jnp.bfloat16)
            return 0
        lax.fori_loop(0, D // 32, _zl, 0)
        return 0
    lax.fori_loop(0, ZR, _zr, 0)
    base = sid * RPT
    for q in range(RPT // ZR):
        pltpu.sync_copy(rows_a.at[pl.ds(0, ZR)], acc_sh.at[pl.ds(base + q * ZR, ZR)])
    @pl.when(sid == NS - 1)
    def _():
        pltpu.sync_copy(rows_a.at[pl.ds(0, TAIL)], acc_sh.at[pl.ds(NS * RPT, TAIL)])
    plsc.subcore_barrier()

    ibufs = [(src_v0, dst_v0, sem_i0), (src_v1, dst_v1, sem_i1)]
    pltpu.async_copy(src_hbm.at[wid, pl.ds(0, CHG)], src_v0, sem_i0)
    pltpu.async_copy(dst_hbm.at[wid, pl.ds(0, CHG)], dst_v0, sem_i0)
    for g in range(G):
        src_v, dst_v, sem_i = ibufs[g % 2]
        pltpu.make_async_copy(src_hbm.at[wid, pl.ds(g * CHG, CHG)], src_v, sem_i).wait()
        pltpu.make_async_copy(dst_hbm.at[wid, pl.ds(g * CHG, CHG)], dst_v, sem_i).wait()
        if g + 1 < G:
            nsrc, ndst, nsem = ibufs[(g + 1) % 2]
            pltpu.async_copy(src_hbm.at[wid, pl.ds((g + 1) * CHG, CHG)], nsrc, nsem)
            pltpu.async_copy(dst_hbm.at[wid, pl.ds((g + 1) * CHG, CHG)], ndst, nsem)
        pltpu.async_copy(kyv_hbm.at[src_v.at[0]], rows_a, sem_a)

        def _step(j, _):
            even = lax.rem(j, 2) == 0
            @pl.when(jnp.logical_and(j + 1 < CHG, even))
            def _():
                pltpu.async_copy(kyv_hbm.at[src_v.at[j + 1]], rows_b, sem_b)
            @pl.when(jnp.logical_and(j + 1 < CHG, jnp.logical_not(even)))
            def _():
                pltpu.async_copy(kyv_hbm.at[src_v.at[j + 1]], rows_a, sem_a)
            for v in range(K // 16):
                ii = dst_v[j, pl.ds(v * 16, 16)]
                plsc.addupdate_scatter(cnt_v, [ii], jnp.ones((16,), jnp.float32))
            @pl.when(even)
            def _():
                pltpu.make_async_copy(kyv_hbm.at[src_v.at[j]], rows_a, sem_a).wait()
                pltpu.sync_copy(rows_a, acc_sh.at[dst_v.at[j]], add=True)
            @pl.when(jnp.logical_not(even))
            def _():
                pltpu.make_async_copy(kyv_hbm.at[src_v.at[j]], rows_b, sem_b).wait()
                pltpu.sync_copy(rows_b, acc_sh.at[dst_v.at[j]], add=True)
            return 0

        lax.fori_loop(0, CHG, _step, 0, unroll=False)
    plsc.subcore_barrier()

    for q in range(RPT // CP):
        pltpu.sync_copy(acc_sh.at[pl.ds(base + q * CP, CP)],
                        outp_hbm.at[cid, pl.ds(base + q * CP, CP)])
    @pl.when(sid == NS - 1)
    def _():
        pltpu.sync_copy(acc_sh.at[pl.ds(NS * RPT, TAIL)],
                        outp_hbm.at[cid, pl.ds(NS * RPT, TAIL)])
    pltpu.sync_copy(cnt_v, outc_hbm.at[pl.ds(wid * N, N)])


def _sc_edge_pass(kyv, src, dst):
    mesh = plsc.VectorSubcoreMesh(core_axis_name="c", subcore_axis_name="s")
    fn = pl.kernel(
        _sc_edge_body,
        out_type=(jax.ShapeDtypeStruct((NC, N, D), jnp.bfloat16),
                  jax.ShapeDtypeStruct((NW * N,), jnp.float32)),
        mesh=mesh,
        scratch_types=[
            pltpu.VMEM((CHG, K), jnp.int32),
            pltpu.VMEM((CHG, K), jnp.int32),
            pltpu.VMEM((CHG, K), jnp.int32),
            pltpu.VMEM((CHG, K), jnp.int32),
            pltpu.VMEM((K, D), jnp.bfloat16),
            pltpu.VMEM((K, D), jnp.bfloat16),
            pltpu.VMEM((N,), jnp.float32),
            pltpu.VMEM_SHARED((N, D), jnp.bfloat16),
            pltpu.SemaphoreType.DMA,
            pltpu.SemaphoreType.DMA,
            pltpu.SemaphoreType.DMA,
            pltpu.SemaphoreType.DMA,
        ],
        compiler_params=pltpu.CompilerParams(needs_layout_passes=False,
                                             use_tc_tiling_on_sc=False),
    )
    return fn(kyv, src, dst)


@jax.jit
def kernel(x, edge_index, edge_attr,
           k1_W1, k1_b1, k1_W2, k1_b2,
           k2_W1, k2_b1, k2_W2, k2_b2,
           mix_W, mix_b):
    W2p1, b2p1 = _permute_w2(k1_W2, k1_b2)
    W2p2, b2p2 = _permute_w2(k2_W2, k2_b2)
    S_bf = jnp.asarray(_S, dtype=jnp.bfloat16)
    src = edge_index[1].reshape(NW, CH, K)
    dst = edge_index[0].reshape(NW, CH, K)

    full = lambda s: pl.BlockSpec(s, lambda i: (0,) * len(s))
    kyv = pl.pallas_call(
        _phase1_body,
        grid=(_G1,),
        in_specs=[
            pl.BlockSpec((_T1, D), lambda i: (i, 0)),
            pl.BlockSpec((_T1, ED), lambda i: (i, 0)),
            full((ED, NEUR)),
            full((1, NEUR)),
            full((NEUR, B * D)),
            full((1, B * D)),
            full((D, B * D)),
        ],
        out_specs=pl.BlockSpec((_T1, D), lambda i: (i, 0)),
        out_shape=jax.ShapeDtypeStruct((N, D), jnp.bfloat16),
    )(x, edge_attr, k1_W1, k1_b1.reshape(1, NEUR), W2p1, b2p1, S_bf)

    parts, cnts = _sc_edge_pass(kyv, src, dst)
    cnts = jnp.pad(cnts.reshape(NW, N), ((0, 0), (0, _CPAD - N))
                   ).reshape(NW, _G3, _T3).transpose(1, 0, 2)

    out = pl.pallas_call(
        _phase3_body,
        grid=(_G3,),
        in_specs=[
            pl.BlockSpec((NC, _T3, D), lambda i: (0, i, 0)),
            pl.BlockSpec((1, NW, _T3), lambda i: (i, 0, 0)),
            pl.BlockSpec((_T3, ED), lambda i: (i, 0)),
            full((ED, NEUR)),
            full((1, NEUR)),
            full((NEUR, B * D)),
            full((1, B * D)),
            full((D, B * D)),
            full((D, D)),
            full((1, D)),
        ],
        out_specs=pl.BlockSpec((_T3, D), lambda i: (i, 0)),
        out_shape=jax.ShapeDtypeStruct((N, D), jnp.float32),
    )(parts, cnts, edge_attr, k2_W1, k2_b1.reshape(1, NEUR), W2p2, b2p2, S_bf,
      mix_W.T, mix_b.reshape(1, D))
    return out

# --- scband reference (transcript-rebuilt; emitter-appended) ---
"""Pipeline reference for scband-separable-convolution-50852412785139 (READ-ONLY COPY).

The authoritative reference and input builder live on the scoring server;
editing this copy changes nothing except your own understanding.
"""

import jax, jax.numpy as jnp
import numpy as np

N = 10000      # nodes
E = 320000     # edges
D = 128        # in_dim == out_dim
ED = 16        # edge_dim
NEUR = 64      # kernel MLP hidden
C = 8          # num_channels (BlockKernel)
B = D // C     # block size per channel


def _kernel_mlp(ea, W1, b1, W2, b2):
    # BlockKernel: MLP edge_dim -> neurons -> C*B*B, reshaped to per-node block weights
    h = jnp.maximum(ea @ W1 + b1, 0.0)
    w = h @ W2 + b2
    return w.reshape(-1, C, B, B)


def _block_matmul(x, weights):
    # x: (N, D) -> (N, C, 1, B) @ (N, C, B, B) -> (N, C, 1, B) -> (N, D)
    n = x.shape[0]
    return jnp.matmul(x.reshape(n, C, 1, B), weights).reshape(n, -1)


def setup_inputs(seed: int = 0) -> dict:
    key = jax.random.key(seed)
    ks = jax.random.split(key, 16)
    inp = {}
    inp["x"] = jax.random.normal(ks[0], (N, D), dtype=jnp.float32)
    inp["edge_index"] = jax.random.randint(ks[1], (2, E), 0, N, dtype=jnp.int32)
    inp["edge_attr"] = jax.random.normal(ks[2], (N, ED), dtype=jnp.float32)
    # kernel1 params
    inp["k1_W1"] = jax.random.normal(ks[3], (ED, NEUR), dtype=jnp.float32) * (1.0 / np.sqrt(ED))
    inp["k1_b1"] = jnp.zeros((NEUR,), dtype=jnp.float32)
    inp["k1_W2"] = jax.random.normal(ks[4], (NEUR, C * B * B), dtype=jnp.float32) * (1.0 / np.sqrt(NEUR))
    inp["k1_b2"] = jnp.zeros((C * B * B,), dtype=jnp.float32)
    # kernel2 params
    inp["k2_W1"] = jax.random.normal(ks[5], (ED, NEUR), dtype=jnp.float32) * (1.0 / np.sqrt(ED))
    inp["k2_b1"] = jnp.zeros((NEUR,), dtype=jnp.float32)
    inp["k2_W2"] = jax.random.normal(ks[6], (NEUR, C * B * B), dtype=jnp.float32) * (1.0 / np.sqrt(NEUR))
    inp["k2_b2"] = jnp.zeros((C * B * B,), dtype=jnp.float32)
    # mix Linear(out_dim, out_dim)
    inp["mix_W"] = jax.random.normal(ks[7], (D, D), dtype=jnp.float32) * (1.0 / np.sqrt(D))
    inp["mix_b"] = jnp.zeros((D,), dtype=jnp.float32)
    return inp


def reference(x, edge_index, edge_attr,
              k1_W1, k1_b1, k1_W2, k1_b2,
              k2_W1, k2_b1, k2_W2, k2_b2,
              mix_W, mix_b):
    # kernel1 sees detached edge_attr (no grad difference in fwd-only)
    weights_y = _kernel_mlp(jax.lax.stop_gradient(edge_attr), k1_W1, k1_b1, k1_W2, k1_b2)
    weights_x = _kernel_mlp(edge_attr, k2_W1, k2_b1, k2_W2, k2_b2)
    ky_v = _block_matmul(x, weights_y)                      # (N, D)
    gathered = jnp.take(ky_v, edge_index[1], axis=0)        # (E, D) gather by src
    sums = jax.ops.segment_sum(gathered, edge_index[0], num_segments=N)
    counts = jax.ops.segment_sum(jnp.ones((E,), jnp.float32), edge_index[0], num_segments=N)
    v_conv_y = sums / jnp.maximum(counts, 1.0)[:, None]     # scatter_mean
    v_conv = _block_matmul(v_conv_y, weights_x) @ mix_W.T + mix_b
    return v_conv

if __name__ == "__main__":
    import jax
    _d = setup_inputs()
    print(jax.jit(kernel)(*tuple(_d.values())))

</pallas_src>

<mosaic_0001>
#map = affine_map<(d0, d1) -> (0, 0)>
#map1 = affine_map<(d0, d1) -> (0, 0, 0)>
#map2 = affine_map<(d0, d1) -> (0)>
module attributes {stable_mosaic.version = 14 : i64} {
  func.func @_sc_edge_body(%arg0: i32, %arg1: i32, %arg2: memref<10000x128xbf16, #tpu.memory_space<hbm>>, %arg3: memref<32x125x80xi32, #tpu.memory_space<hbm>>, %arg4: memref<32x125x80xi32, #tpu.memory_space<hbm>>, %arg5: memref<2x10000x128xbf16, #tpu.memory_space<hbm>>, %arg6: memref<320000xf32, #tpu.memory_space<hbm>>, %arg7: memref<25x80xi32, #tpu.memory_space<vmem>>, %arg8: memref<25x80xi32, #tpu.memory_space<vmem>>, %arg9: memref<25x80xi32, #tpu.memory_space<vmem>>, %arg10: memref<25x80xi32, #tpu.memory_space<vmem>>, %arg11: memref<80x128xbf16, #tpu.memory_space<vmem>>, %arg12: memref<80x128xbf16, #tpu.memory_space<vmem>>, %arg13: memref<10000xf32, #tpu.memory_space<vmem>>, %arg14: memref<10000x128xbf16, #tpu.memory_space<vmem_shared>>, %arg15: memref<!tpu.dma_semaphore, #tpu.memory_space<semaphore_mem>>, %arg16: memref<!tpu.dma_semaphore, #tpu.memory_space<semaphore_mem>>, %arg17: memref<!tpu.dma_semaphore, #tpu.memory_space<semaphore_mem>>, %arg18: memref<!tpu.dma_semaphore, #tpu.memory_space<semaphore_mem>>) attributes {dimension_semantics = [#tpu.dimension_semantics<core_parallel>, #tpu.dimension_semantics<subcore_parallel>], iteration_bounds = array<i64: 2, 16>, scalar_prefetch = 0 : i64, scratch_operands = 12 : i64, tpu.core_type = #tpu.core_type<sc_vector_subcore>, window_params = [{transform_indices = #map}, {transform_indices = #map1}, {transform_indices = #map1}, {transform_indices = #map1}, {transform_indices = #map2}]} {
    %mul3A = arith.constant 2 : i32
    %mul3A_0 = arith.muli %arg1, %mul3A : i32
    %add3A = arith.addi %mul3A_0, %arg0 : i32
    %scan3A = arith.constant 0 : i32
    %scan3A_1 = arith.constant 0 : i32
    %scan3A_2 = arith.constant 625 : i32
    %scan3A_3 = arith.addi %scan3A_1, %scan3A_2 : i32
    %scan3A_4 = arith.constant 1 : i32
    %scan3A_5 = scf.for %scan3A_292 = %scan3A_1 to %scan3A_3 step %scan3A_4 iter_args(%scan3A_293 = %scan3A) -> (i32)  : i32 {
      %broadcast_in_dim3A = arith.constant 0.000000e+00 : f32
      %broadcast_in_dim3A_294 = vector.broadcast %broadcast_in_dim3A : f32 to vector<16xf32>
      %mul3A_295 = arith.constant 16 : i32
      %mul3A_296 = arith.muli %scan3A_292, %mul3A_295 : i32
      %swap3A = arith.index_cast %mul3A_296 : i32 to index
      %swap3A_297 = tpu.vector_load %arg13[%swap3A] {strides = array<i32>} : memref<10000xf32, #tpu.memory_space<vmem>>, vector<16xf32>,
      tpu.vector_store %arg13[%swap3A], %broadcast_in_dim3A_294 {strides = array<i32>} : memref<10000xf32, #tpu.memory_space<vmem>>, vector<16xf32>,
      %scan3A_298 = arith.constant 0 : i32
      scf.yield %scan3A_298 : i32
    }
    %scan3A_6 = arith.constant 625 : i32
    %scan3A_7 = arith.constant 0 : i32
    %scan3A_8 = arith.constant 0 : i32
    %scan3A_9 = arith.constant 48 : i32
    %scan3A_10 = arith.addi %scan3A_8, %scan3A_9 : i32
    %scan3A_11 = arith.constant 1 : i32
    %scan3A_12 = scf.for %scan3A_292 = %scan3A_8 to %scan3A_10 step %scan3A_11 iter_args(%scan3A_293 = %scan3A_7) -> (i32)  : i32 {
      %scan3A_294 = arith.constant 0 : i32
      %scan3A_295 = arith.constant 0 : i32
      %scan3A_296 = arith.constant 4 : i32
      %scan3A_297 = arith.addi %scan3A_295, %scan3A_296 : i32
      %scan3A_298 = arith.constant 1 : i32
      %scan3A_299 = scf.for %scan3A_302 = %scan3A_295 to %scan3A_297 step %scan3A_298 iter_args(%scan3A_303 = %scan3A_294) -> (i32)  : i32 {
        %broadcast_in_dim3A = arith.constant 0.000000e+00 : bf16
        %broadcast_in_dim3A_304 = vector.broadcast %broadcast_in_dim3A : bf16 to vector<32xbf16>
        %mul3A_305 = arith.constant 32 : i32
        %mul3A_306 = arith.muli %scan3A_302, %mul3A_305 : i32
        %swap3A = arith.index_cast %scan3A_292 : i32 to index
        %swap3A_307 = arith.index_cast %mul3A_306 : i32 to index
        %swap3A_308 = tpu.vector_load %arg11[%swap3A, %swap3A_307] {strides = array<i32>} : memref<80x128xbf16, #tpu.memory_space<vmem>>, vector<32xbf16>,
        tpu.vector_store %arg11[%swap3A, %swap3A_307], %broadcast_in_dim3A_304 {strides = array<i32>} : memref<80x128xbf16, #tpu.memory_space<vmem>>, vector<32xbf16>,
        %scan3A_309 = arith.constant 0 : i32
        scf.yield %scan3A_309 : i32
      }
      %scan3A_300 = arith.constant 4 : i32
      %scan3A_301 = arith.constant 0 : i32
      scf.yield %scan3A_301 : i32
    }
    %scan3A_13 = arith.constant 48 : i32
    %mul3A_14 = arith.constant 624 : i32
    %mul3A_15 = arith.muli %arg1, %mul3A_14 : i32
    %add3A_16 = arith.constant 0 : i32
    %add3A_17 = arith.addi %mul3A_15, %add3A_16 : i32
    "tpu.region"() ({
      %run_scoped3A = tpu.sem_alloc : memref<!tpu.dma_semaphore, #tpu.memory_space<semaphore_mem>>
      %dma_start3A_292 = arith.constant 0 : i32
      %dma_start3A_293 = arith.constant 0 : i32
      %dma_start3A_294 = tpu.memref_slice %arg11[%dma_start3A_292, %dma_start3A_293] : memref<80x128xbf16, #tpu.memory_space<vmem>> -> memref<48x128xbf16, #tpu.memory_space<vmem>>
      %dma_start3A_295 = arith.constant 0 : i32
      %dma_start3A_296 = tpu.memref_slice %arg14[%add3A_17, %dma_start3A_295] : memref<10000x128xbf16, #tpu.memory_space<vmem_shared>> -> memref<48x128xbf16, #tpu.memory_space<vmem_shared>>
      %dma_start3A_297 = arith.constant 0 : i32
      %dma_start3A_298 = tpu.memref_slice %arg14[%add3A_17, %dma_start3A_297] : memref<10000x128xbf16, #tpu.memory_space<vmem_shared>> -> memref<48x128xbf16, #tpu.memory_space<vmem_shared>>
      %dma_start3A_299 = arith.constant 0 : i32
      %dma_start3A_300 = arith.constant 0 : i32
      %dma_start3A_301 = tpu.memref_slice %arg11[%dma_start3A_299, %dma_start3A_300] : memref<80x128xbf16, #tpu.memory_space<vmem>> -> memref<48x128xbf16, #tpu.memory_space<vmem>>
      tpu.enqueue_dma source(%dma_start3A_301 : memref<48x128xbf16, #tpu.memory_space<vmem>>) target(%dma_start3A_298 : memref<48x128xbf16, #tpu.memory_space<vmem_shared>>) target_semaphore(%run_scoped3A : memref<!tpu.dma_semaphore, #tpu.memory_space<semaphore_mem>>)
      %dma_wait3A_302 = arith.constant 0 : i32
      %dma_wait3A_303 = arith.constant 0 : i32
      %dma_wait3A_304 = tpu.memref_slice %arg11[%dma_wait3A_302, %dma_wait3A_303] : memref<80x128xbf16, #tpu.memory_space<vmem>> -> memref<48x128xbf16, #tpu.memory_space<vmem>>
      %dma_wait3A_305 = arith.constant 0 : i32
      %dma_wait3A_306 = tpu.memref_slice %arg14[%add3A_17, %dma_wait3A_305] : memref<10000x128xbf16, #tpu.memory_space<vmem_shared>> -> memref<48x128xbf16, #tpu.memory_space<vmem_shared>>
      %dma_wait3A_307 = arith.constant 0 : i32
      %dma_wait3A_308 = tpu.memref_slice %arg14[%add3A_17, %dma_wait3A_307] : memref<10000x128xbf16, #tpu.memory_space<vmem_shared>> -> memref<48x128xbf16, #tpu.memory_space<vmem_shared>>
      %dma_wait3A_309 = arith.constant 0 : i32
      %dma_wait3A_310 = arith.constant 0 : i32
      %dma_wait3A_311 = tpu.memref_slice %arg11[%dma_wait3A_309, %dma_wait3A_310] : memref<80x128xbf16, #tpu.memory_space<vmem>> -> memref<48x128xbf16, #tpu.memory_space<vmem>>
      tpu.wait_dma2 semaphore(%run_scoped3A : memref<!tpu.dma_semaphore, #tpu.memory_space<semaphore_mem>>) src(%dma_wait3A_311 : memref<48x128xbf16, #tpu.memory_space<vmem>>) dst(%dma_wait3A_308 : memref<48x128xbf16, #tpu.memory_space<vmem_shared>>)
      tpu.yield
    }) : () -> ()
    %add3A_18 = arith.constant 48 : i32
    %add3A_19 = arith.addi %mul3A_15, %add3A_18 : i32
    "tpu.region"() ({
      %run_scoped3A = tpu.sem_alloc : memref<!tpu.dma_semaphore, #tpu.memory_space<semaphore_mem>>
      %dma_start3A_292 = arith.constant 0 : i32
      %dma_start3A_293 = arith.constant 0 : i32
      %dma_start3A_294 = tpu.memref_slice %arg11[%dma_start3A_292, %dma_start3A_293] : memref<80x128xbf16, #tpu.memory_space<vmem>> -> memref<48x128xbf16, #tpu.memory_space<vmem>>
      %dma_start3A_295 = arith.constant 0 : i32
      %dma_start3A_296 = tpu.memref_slice %arg14[%add3A_19, %dma_start3A_295] : memref<10000x128xbf16, #tpu.memory_space<vmem_shared>> -> memref<48x128xbf16, #tpu.memory_space<vmem_shared>>
      %dma_start3A_297 = arith.constant 0 : i32
      %dma_start3A_298 = tpu.memref_slice %arg14[%add3A_19, %dma_start3A_297] : memref<10000x128xbf16, #tpu.memory_space<vmem_shared>> -> memref<48x128xbf16, #tpu.memory_space<vmem_shared>>
      %dma_start3A_299 = arith.constant 0 : i32
      %dma_start3A_300 = arith.constant 0 : i32
      %dma_start3A_301 = tpu.memref_slice %arg11[%dma_start3A_299, %dma_start3A_300] : memref<80x128xbf16, #tpu.memory_space<vmem>> -> memref<48x128xbf16, #tpu.memory_space<vmem>>
      tpu.enqueue_dma source(%dma_start3A_301 : memref<48x128xbf16, #tpu.memory_space<vmem>>) target(%dma_start3A_298 : memref<48x128xbf16, #tpu.memory_space<vmem_shared>>) target_semaphore(%run_scoped3A : memref<!tpu.dma_semaphore, #tpu.memory_space<semaphore_mem>>)
      %dma_wait3A_302 = arith.constant 0 : i32
      %dma_wait3A_303 = arith.constant 0 : i32
      %dma_wait3A_304 = tpu.memref_slice %arg11[%dma_wait3A_302, %dma_wait3A_303] : memref<80x128xbf16, #tpu.memory_space<vmem>> -> memref<48x128xbf16, #tpu.memory_space<vmem>>
      %dma_wait3A_305 = arith.constant 0 : i32
      %dma_wait3A_306 = tpu.memref_slice %arg14[%add3A_19, %dma_wait3A_305] : memref<10000x128xbf16, #tpu.memory_space<vmem_shared>> -> memref<48x128xbf16, #tpu.memory_space<vmem_shared>>
      %dma_wait3A_307 = arith.constant 0 : i32
      %dma_wait3A_308 = tpu.memref_slice %arg14[%add3A_19, %dma_wait3A_307] : memref<10000x128xbf16, #tpu.memory_space<vmem_shared>> -> memref<48x128xbf16, #tpu.memory_space<vmem_shared>>
      %dma_wait3A_309 = arith.constant 0 : i32
      %dma_wait3A_310 = arith.constant 0 : i32
      %dma_wait3A_311 = tpu.memref_slice %arg11[%dma_wait3A_309, %dma_wait3A_310] : memref<80x128xbf16, #tpu.memory_space<vmem>> -> memref<48x128xbf16, #tpu.memory_space<vmem>>
      tpu.wait_dma2 semaphore(%run_scoped3A : memref<!tpu.dma_semaphore, #tpu.memory_space<semaphore_mem>>) src(%dma_wait3A_311 : memref<48x128xbf16, #tpu.memory_space<vmem>>) dst(%dma_wait3A_308 : memref<48x128xbf16, #tpu.memory_space<vmem_shared>>)
      tpu.yield
    }) : () -> ()
    %add3A_20 = arith.constant 96 : i32
    %add3A_21 = arith.addi %mul3A_15, %add3A_20 : i32
    "tpu.region"() ({
      %run_scoped3A = tpu.sem_alloc : memref<!tpu.dma_semaphore, #tpu.memory_space<semaphore_mem>>
      %dma_start3A_292 = arith.constant 0 : i32
      %dma_start3A_293 = arith.constant 0 : i32
      %dma_start3A_294 = tpu.memref_slice %arg11[%dma_start3A_292, %dma_start3A_293] : memref<80x128xbf16, #tpu.memory_space<vmem>> -> memref<48x128xbf16, #tpu.memory_space<vmem>>
      %dma_start3A_295 = arith.constant 0 : i32
      %dma_start3A_296 = tpu.memref_slice %arg14[%add3A_21, %dma_start3A_295] : memref<10000x128xbf16, #tpu.memory_space<vmem_shared>> -> memref<48x128xbf16, #tpu.memory_space<vmem_shared>>
      %dma_start3A_297 = arith.constant 0 : i32
      %dma_start3A_298 = tpu.memref_slice %arg14[%add3A_21, %dma_start3A_297] : memref<10000x128xbf16, #tpu.memory_space<vmem_shared>> -> memref<48x128xbf16, #tpu.memory_space<vmem_shared>>
      %dma_start3A_299 = arith.constant 0 : i32
      %dma_start3A_300 = arith.constant 0 : i32
      %dma_start3A_301 = tpu.memref_slice %arg11[%dma_start3A_299, %dma_start3A_300] : memref<80x128xbf16, #tpu.memory_space<vmem>> -> memref<48x128xbf16, #tpu.memory_space<vmem>>
      tpu.enqueue_dma source(%dma_start3A_301 : memref<48x128xbf16, #tpu.memory_space<vmem>>) target(%dma_start3A_298 : memref<48x128xbf16, #tpu.memory_space<vmem_shared>>) target_semaphore(%run_scoped3A : memref<!tpu.dma_semaphore, #tpu.memory_space<semaphore_mem>>)
      %dma_wait3A_302 = arith.constant 0 : i32
      %dma_wait3A_303 = arith.constant 0 : i32
      %dma_wait3A_304 = tpu.memref_slice %arg11[%dma_wait3A_302, %dma_wait3A_303] : memref<80x128xbf16, #tpu.memory_space<vmem>> -> memref<48x128xbf16, #tpu.memory_space<vmem>>
      %dma_wait3A_305 = arith.constant 0 : i32
      %dma_wait3A_306 = tpu.memref_slice %arg14[%add3A_21, %dma_wait3A_305] : memref<10000x128xbf16, #tpu.memory_space<vmem_shared>> -> memref<48x128xbf16, #tpu.memory_space<vmem_shared>>
      %dma_wait3A_307 = arith.constant 0 : i32
      %dma_wait3A_308 = tpu.memref_slice %arg14[%add3A_21, %dma_wait3A_307] : memref<10000x128xbf16, #tpu.memory_space<vmem_shared>> -> memref<48x128xbf16, #tpu.memory_space<vmem_shared>>
      %dma_wait3A_309 = arith.constant 0 : i32
      %dma_wait3A_310 = arith.constant 0 : i32
      %dma_wait3A_311 = tpu.memref_slice %arg11[%dma_wait3A_309, %dma_wait3A_310] : memref<80x128xbf16, #tpu.memory_space<vmem>> -> memref<48x128xbf16, #tpu.memory_space<vmem>>
      tpu.wait_dma2 semaphore(%run_scoped3A : memref<!tpu.dma_semaphore, #tpu.memory_space<semaphore_mem>>) src(%dma_wait3A_311 : memref<48x128xbf16, #tpu.memory_space<vmem>>) dst(%dma_wait3A_308 : memref<48x128xbf16, #tpu.memory_space<vmem_shared>>)
      tpu.yield
    }) : () -> ()
    %add3A_22 = arith.constant 144 : i32
    %add3A_23 = arith.addi %mul3A_15, %add3A_22 : i32
    "tpu.region"() ({
      %run_scoped3A = tpu.sem_alloc : memref<!tpu.dma_semaphore, #tpu.memory_space<semaphore_mem>>
      %dma_start3A_292 = arith.constant 0 : i32
      %dma_start3A_293 = arith.constant 0 : i32
      %dma_start3A_294 = tpu.memref_slice %arg11[%dma_start3A_292, %dma_start3A_293] : memref<80x128xbf16, #tpu.memory_space<vmem>> -> memref<48x128xbf16, #tpu.memory_space<vmem>>
      %dma_start3A_295 = arith.constant 0 : i32
      %dma_start3A_296 = tpu.memref_slice %arg14[%add3A_23, %dma_start3A_295] : memref<10000x128xbf16, #tpu.memory_space<vmem_shared>> -> memref<48x128xbf16, #tpu.memory_space<vmem_shared>>
      %dma_start3A_297 = arith.constant 0 : i32
      %dma_start3A_298 = tpu.memref_slice %arg14[%add3A_23, %dma_start3A_297] : memref<10000x128xbf16, #tpu.memory_space<vmem_shared>> -> memref<48x128xbf16, #tpu.memory_space<vmem_shared>>
      %dma_start3A_299 = arith.constant 0 : i32
      %dma_start3A_300 = arith.constant 0 : i32
      %dma_start3A_301 = tpu.memref_slice %arg11[%dma_start3A_299, %dma_start3A_300] : memref<80x128xbf16, #tpu.memory_space<vmem>> -> memref<48x128xbf16, #tpu.memory_space<vmem>>
      tpu.enqueue_dma source(%dma_start3A_301 : memref<48x128xbf16, #tpu.memory_space<vmem>>) target(%dma_start3A_298 : memref<48x128xbf16, #tpu.memory_space<vmem_shared>>) target_semaphore(%run_scoped3A : memref<!tpu.dma_semaphore, #tpu.memory_space<semaphore_mem>>)
      %dma_wait3A_302 = arith.constant 0 : i32
      %dma_wait3A_303 = arith.constant 0 : i32
      %dma_wait3A_304 = tpu.memref_slice %arg11[%dma_wait3A_302, %dma_wait3A_303] : memref<80x128xbf16, #tpu.memory_space<vmem>> -> memref<48x128xbf16, #tpu.memory_space<vmem>>
      %dma_wait3A_305 = arith.constant 0 : i32
      %dma_wait3A_306 = tpu.memref_slice %arg14[%add3A_23, %dma_wait3A_305] : memref<10000x128xbf16, #tpu.memory_space<vmem_shared>> -> memref<48x128xbf16, #tpu.memory_space<vmem_shared>>
      %dma_wait3A_307 = arith.constant 0 : i32
      %dma_wait3A_308 = tpu.memref_slice %arg14[%add3A_23, %dma_wait3A_307] : memref<10000x128xbf16, #tpu.memory_space<vmem_shared>> -> memref<48x128xbf16, #tpu.memory_space<vmem_shared>>
      %dma_wait3A_309 = arith.constant 0 : i32
      %dma_wait3A_310 = arith.constant 0 : i32
      %dma_wait3A_311 = tpu.memref_slice %arg11[%dma_wait3A_309, %dma_wait3A_310] : memref<80x128xbf16, #tpu.memory_space<vmem>> -> memref<48x128xbf16, #tpu.memory_space<vmem>>
      tpu.wait_dma2 semaphore(%run_scoped3A : memref<!tpu.dma_semaphore, #tpu.memory_space<semaphore_mem>>) src(%dma_wait3A_311 : memref<48x128xbf16, #tpu.memory_space<vmem>>) dst(%dma_wait3A_308 : memref<48x128xbf16, #tpu.memory_space<vmem_shared>>)
      tpu.yield
    }) : () -> ()
    %add3A_24 = arith.constant 192 : i32
    %add3A_25 = arith.addi %mul3A_15, %add3A_24 : i32
    "tpu.region"() ({
      %run_scoped3A = tpu.sem_alloc : memref<!tpu.dma_semaphore, #tpu.memory_space<semaphore_mem>>
      %dma_start3A_292 = arith.constant 0 : i32
      %dma_start3A_293 = arith.constant 0 : i32
      %dma_start3A_294 = tpu.memref_slice %arg11[%dma_start3A_292, %dma_start3A_293] : memref<80x128xbf16, #tpu.memory_space<vmem>> -> memref<48x128xbf16, #tpu.memory_space<vmem>>
      %dma_start3A_295 = arith.constant 0 : i32
      %dma_start3A_296 = tpu.memref_slice %arg14[%add3A_25, %dma_start3A_295] : memref<10000x128xbf16, #tpu.memory_space<vmem_shared>> -> memref<48x128xbf16, #tpu.memory_space<vmem_shared>>
      %dma_start3A_297 = arith.constant 0 : i32
      %dma_start3A_298 = tpu.memref_slice %arg14[%add3A_25, %dma_start3A_297] : memref<10000x128xbf16, #tpu.memory_space<vmem_shared>> -> memref<48x128xbf16, #tpu.memory_space<vmem_shared>>
      %dma_start3A_299 = arith.constant 0 : i32
      %dma_start3A_300 = arith.constant 0 : i32
      %dma_start3A_301 = tpu.memref_slice %arg11[%dma_start3A_299, %dma_start3A_300] : memref<80x128xbf16, #tpu.memory_space<vmem>> -> memref<48x128xbf16, #tpu.memory_space<vmem>>
      tpu.enqueue_dma source(%dma_start3A_301 : memref<48x128xbf16, #tpu.memory_space<vmem>>) target(%dma_start3A_298 : memref<48x128xbf16, #tpu.memory_space<vmem_shared>>) target_semaphore(%run_scoped3A : memref<!tpu.dma_semaphore, #tpu.memory_space<semaphore_mem>>)
      %dma_wait3A_302 = arith.constant 0 : i32
      %dma_wait3A_303 = arith.constant 0 : i32
      %dma_wait3A_304 = tpu.memref_slice %arg11[%dma_wait3A_302, %dma_wait3A_303] : memref<80x128xbf16, #tpu.memory_space<vmem>> -> memref<48x128xbf16, #tpu.memory_space<vmem>>
      %dma_wait3A_305 = arith.constant 0 : i32
      %dma_wait3A_306 = tpu.memref_slice %arg14[%add3A_25, %dma_wait3A_305] : memref<10000x128xbf16, #tpu.memory_space<vmem_shared>> -> memref<48x128xbf16, #tpu.memory_space<vmem_shared>>
      %dma_wait3A_307 = arith.constant 0 : i32
      %dma_wait3A_308 = tpu.memref_slice %arg14[%add3A_25, %dma_wait3A_307] : memref<10000x128xbf16, #tpu.memory_space<vmem_shared>> -> memref<48x128xbf16, #tpu.memory_space<vmem_shared>>
      %dma_wait3A_309 = arith.constant 0 : i32
      %dma_wait3A_310 = arith.constant 0 : i32
      %dma_wait3A_311 = tpu.memref_slice %arg11[%dma_wait3A_309, %dma_wait3A_310] : memref<80x128xbf16, #tpu.memory_space<vmem>> -> memref<48x128xbf16, #tpu.memory_space<vmem>>
      tpu.wait_dma2 semaphore(%run_scoped3A : memref<!tpu.dma_semaphore, #tpu.memory_space<semaphore_mem>>) src(%dma_wait3A_311 : memref<48x128xbf16, #tpu.memory_space<vmem>>) dst(%dma_wait3A_308 : memref<48x128xbf16, #tpu.memory_space<vmem_shared>>)
      tpu.yield
    }) : () -> ()
    %add3A_26 = arith.constant 240 : i32
    %add3A_27 = arith.addi %mul3A_15, %add3A_26 : i32
    "tpu.region"() ({
      %run_scoped3A = tpu.sem_alloc : memref<!tpu.dma_semaphore, #tpu.memory_space<semaphore_mem>>
      %dma_start3A_292 = arith.constant 0 : i32
      %dma_start3A_293 = arith.constant 0 : i32
      %dma_start3A_294 = tpu.memref_slice %arg11[%dma_start3A_292, %dma_start3A_293] : memref<80x128xbf16, #tpu.memory_space<vmem>> -> memref<48x128xbf16, #tpu.memory_space<vmem>>
      %dma_start3A_295 = arith.constant 0 : i32
      %dma_start3A_296 = tpu.memref_slice %arg14[%add3A_27, %dma_start3A_295] : memref<10000x128xbf16, #tpu.memory_space<vmem_shared>> -> memref<48x128xbf16, #tpu.memory_space<vmem_shared>>
      %dma_start3A_297 = arith.constant 0 : i32
      %dma_start3A_298 = tpu.memref_slice %arg14[%add3A_27, %dma_start3A_297] : memref<10000x128xbf16, #tpu.memory_space<vmem_shared>> -> memref<48x128xbf16, #tpu.memory_space<vmem_shared>>
      %dma_start3A_299 = arith.constant 0 : i32
      %dma_start3A_300 = arith.constant 0 : i32
      %dma_start3A_301 = tpu.memref_slice %arg11[%dma_start3A_299, %dma_start3A_300] : memref<80x128xbf16, #tpu.memory_space<vmem>> -> memref<48x128xbf16, #tpu.memory_space<vmem>>
      tpu.enqueue_dma source(%dma_start3A_301 : memref<48x128xbf16, #tpu.memory_space<vmem>>) target(%dma_start3A_298 : memref<48x128xbf16, #tpu.memory_space<vmem_shared>>) target_semaphore(%run_scoped3A : memref<!tpu.dma_semaphore, #tpu.memory_space<semaphore_mem>>)
      %dma_wait3A_302 = arith.constant 0 : i32
      %dma_wait3A_303 = arith.constant 0 : i32
      %dma_wait3A_304 = tpu.memref_slice %arg11[%dma_wait3A_302, %dma_wait3A_303] : memref<80x128xbf16, #tpu.memory_space<vmem>> -> memref<48x128xbf16, #tpu.memory_space<vmem>>
      %dma_wait3A_305 = arith.constant 0 : i32
      %dma_wait3A_306 = tpu.memref_slice %arg14[%add3A_27, %dma_wait3A_305] : memref<10000x128xbf16, #tpu.memory_space<vmem_shared>> -> memref<48x128xbf16, #tpu.memory_space<vmem_shared>>
      %dma_wait3A_307 = arith.constant 0 : i32
      %dma_wait3A_308 = tpu.memref_slice %arg14[%add3A_27, %dma_wait3A_307] : memref<10000x128xbf16, #tpu.memory_space<vmem_shared>> -> memref<48x128xbf16, #tpu.memory_space<vmem_shared>>
      %dma_wait3A_309 = arith.constant 0 : i32
      %dma_wait3A_310 = arith.constant 0 : i32
      %dma_wait3A_311 = tpu.memref_slice %arg11[%dma_wait3A_309, %dma_wait3A_310] : memref<80x128xbf16, #tpu.memory_space<vmem>> -> memref<48x128xbf16, #tpu.memory_space<vmem>>
      tpu.wait_dma2 semaphore(%run_scoped3A : memref<!tpu.dma_semaphore, #tpu.memory_space<semaphore_mem>>) src(%dma_wait3A_311 : memref<48x128xbf16, #tpu.memory_space<vmem>>) dst(%dma_wait3A_308 : memref<48x128xbf16, #tpu.memory_space<vmem_shared>>)
      tpu.yield
    }) : () -> ()
    %add3A_28 = arith.constant 288 : i32
    %add3A_29 = arith.addi %mul3A_15, %add3A_28 : i32
    "tpu.region"() ({
      %run_scoped3A = tpu.sem_alloc : memref<!tpu.dma_semaphore, #tpu.memory_space<semaphore_mem>>
      %dma_start3A_292 = arith.constant 0 : i32
      %dma_start3A_293 = arith.constant 0 : i32
      %dma_start3A_294 = tpu.memref_slice %arg11[%dma_start3A_292, %dma_start3A_293] : memref<80x128xbf16, #tpu.memory_space<vmem>> -> memref<48x128xbf16, #tpu.memory_space<vmem>>
      %dma_start3A_295 = arith.constant 0 : i32
      %dma_start3A_296 = tpu.memref_slice %arg14[%add3A_29, %dma_start3A_295] : memref<10000x128xbf16, #tpu.memory_space<vmem_shared>> -> memref<48x128xbf16, #tpu.memory_space<vmem_shared>>
      %dma_start3A_297 = arith.constant 0 : i32
      %dma_start3A_298 = tpu.memref_slice %arg14[%add3A_29, %dma_start3A_297] : memref<10000x128xbf16, #tpu.memory_space<vmem_shared>> -> memref<48x128xbf16, #tpu.memory_space<vmem_shared>>
      %dma_start3A_299 = arith.constant 0 : i32
      %dma_start3A_300 = arith.constant 0 : i32
      %dma_start3A_301 = tpu.memref_slice %arg11[%dma_start3A_299, %dma_start3A_300] : memref<80x128xbf16, #tpu.memory_space<vmem>> -> memref<48x128xbf16, #tpu.memory_space<vmem>>
      tpu.enqueue_dma source(%dma_start3A_301 : memref<48x128xbf16, #tpu.memory_space<vmem>>) target(%dma_start3A_298 : memref<48x128xbf16, #tpu.memory_space<vmem_shared>>) target_semaphore(%run_scoped3A : memref<!tpu.dma_semaphore, #tpu.memory_space<semaphore_mem>>)
      %dma_wait3A_302 = arith.constant 0 : i32
      %dma_wait3A_303 = arith.constant 0 : i32
      %dma_wait3A_304 = tpu.memref_slice %arg11[%dma_wait3A_302, %dma_wait3A_303] : memref<80x128xbf16, #tpu.memory_space<vmem>> -> memref<48x128xbf16, #tpu.memory_space<vmem>>
      %dma_wait3A_305 = arith.constant 0 : i32
      %dma_wait3A_306 = tpu.memref_slice %arg14[%add3A_29, %dma_wait3A_305] : memref<10000x128xbf16, #tpu.memory_space<vmem_shared>> -> memref<48x128xbf16, #tpu.memory_space<vmem_shared>>
      %dma_wait3A_307 = arith.constant 0 : i32
      %dma_wait3A_308 = tpu.memref_slice %arg14[%add3A_29, %dma_wait3A_307] : memref<10000x128xbf16, #tpu.memory_space<vmem_shared>> -> memref<48x128xbf16, #tpu.memory_space<vmem_shared>>
      %dma_wait3A_309 = arith.constant 0 : i32
      %dma_wait3A_310 = arith.constant 0 : i32
      %dma_wait3A_311 = tpu.memref_slice %arg11[%dma_wait3A_309, %dma_wait3A_310] : memref<80x128xbf16, #tpu.memory_space<vmem>> -> memref<48x128xbf16, #tpu.memory_space<vmem>>
      tpu.wait_dma2 semaphore(%run_scoped3A : memref<!tpu.dma_semaphore, #tpu.memory_space<semaphore_mem>>) src(%dma_wait3A_311 : memref<48x128xbf16, #tpu.memory_space<vmem>>) dst(%dma_wait3A_308 : memref<48x128xbf16, #tpu.memory_space<vmem_shared>>)
      tpu.yield
    }) : () -> ()
    %add3A_30 = arith.constant 336 : i32
    %add3A_31 = arith.addi %mul3A_15, %add3A_30 : i32
    "tpu.region"() ({
      %run_scoped3A = tpu.sem_alloc : memref<!tpu.dma_semaphore, #tpu.memory_space<semaphore_mem>>
      %dma_start3A_292 = arith.constant 0 : i32
      %dma_start3A_293 = arith.constant 0 : i32
      %dma_start3A_294 = tpu.memref_slice %arg11[%dma_start3A_292, %dma_start3A_293] : memref<80x128xbf16, #tpu.memory_space<vmem>> -> memref<48x128xbf16, #tpu.memory_space<vmem>>
      %dma_start3A_295 = arith.constant 0 : i32
      %dma_start3A_296 = tpu.memref_slice %arg14[%add3A_31, %dma_start3A_295] : memref<10000x128xbf16, #tpu.memory_space<vmem_shared>> -> memref<48x128xbf16, #tpu.memory_space<vmem_shared>>
      %dma_start3A_297 = arith.constant 0 : i32
      %dma_start3A_298 = tpu.memref_slice %arg14[%add3A_31, %dma_start3A_297] : memref<10000x128xbf16, #tpu.memory_space<vmem_shared>> -> memref<48x128xbf16, #tpu.memory_space<vmem_shared>>
      %dma_start3A_299 = arith.constant 0 : i32
      %dma_start3A_300 = arith.constant 0 : i32
      %dma_start3A_301 = tpu.memref_slice %arg11[%dma_start3A_299, %dma_start3A_300] : memref<80x128xbf16, #tpu.memory_space<vmem>> -> memref<48x128xbf16, #tpu.memory_space<vmem>>
      tpu.enqueue_dma source(%dma_start3A_301 : memref<48x128xbf16, #tpu.memory_space<vmem>>) target(%dma_start3A_298 : memref<48x128xbf16, #tpu.memory_space<vmem_shared>>) target_semaphore(%run_scoped3A : memref<!tpu.dma_semaphore, #tpu.memory_space<semaphore_mem>>)
      %dma_wait3A_302 = arith.constant 0 : i32
      %dma_wait3A_303 = arith.constant 0 : i32
      %dma_wait3A_304 = tpu.memref_slice %arg11[%dma_wait3A_302, %dma_wait3A_303] : memref<80x128xbf16, #tpu.memory_space<vmem>> -> memref<48x128xbf16, #tpu.memory_space<vmem>>
      %dma_wait3A_305 = arith.constant 0 : i32
      %dma_wait3A_306 = tpu.memref_slice %arg14[%add3A_31, %dma_wait3A_305] : memref<10000x128xbf16, #tpu.memory_space<vmem_shared>> -> memref<48x128xbf16, #tpu.memory_space<vmem_shared>>
      %dma_wait3A_307 = arith.constant 0 : i32
      %dma_wait3A_308 = tpu.memref_slice %arg14[%add3A_31, %dma_wait3A_307] : memref<10000x128xbf16, #tpu.memory_space<vmem_shared>> -> memref<48x128xbf16, #tpu.memory_space<vmem_shared>>
      %dma_wait3A_309 = arith.constant 0 : i32
      %dma_wait3A_310 = arith.constant 0 : i32
      %dma_wait3A_311 = tpu.memref_slice %arg11[%dma_wait3A_309, %dma_wait3A_310] : memref<80x128xbf16, #tpu.memory_space<vmem>> -> memref<48x128xbf16, #tpu.memory_space<vmem>>
      tpu.wait_dma2 semaphore(%run_scoped3A : memref<!tpu.dma_semaphore, #tpu.memory_space<semaphore_mem>>) src(%dma_wait3A_311 : memref<48x128xbf16, #tpu.memory_space<vmem>>) dst(%dma_wait3A_308 : memref<48x128xbf16, #tpu.memory_space<vmem_shared>>)
      tpu.yield
    }) : () -> ()
    %add3A_32 = arith.constant 384 : i32
    %add3A_33 = arith.addi %mul3A_15, %add3A_32 : i32
    "tpu.region"() ({
      %run_scoped3A = tpu.sem_alloc : memref<!tpu.dma_semaphore, #tpu.memory_space<semaphore_mem>>
      %dma_start3A_292 = arith.constant 0 : i32
      %dma_start3A_293 = arith.constant 0 : i32
      %dma_start3A_294 = tpu.memref_slice %arg11[%dma_start3A_292, %dma_start3A_293] : memref<80x128xbf16, #tpu.memory_space<vmem>> -> memref<48x128xbf16, #tpu.memory_space<vmem>>
      %dma_start3A_295 = arith.constant 0 : i32
      %dma_start3A_296 = tpu.memref_slice %arg14[%add3A_33, %dma_start3A_295] : memref<10000x128xbf16, #tpu.memory_space<vmem_shared>> -> memref<48x128xbf16, #tpu.memory_space<vmem_shared>>
      %dma_start3A_297 = arith.constant 0 : i32
      %dma_start3A_298 = tpu.memref_slice %arg14[%add3A_33, %dma_start3A_297] : memref<10000x128xbf16, #tpu.memory_space<vmem_shared>> -> memref<48x128xbf16, #tpu.memory_space<vmem_shared>>
      %dma_start3A_299 = arith.constant 0 : i32
      %dma_start3A_300 = arith.constant 0 : i32
      %dma_start3A_301 = tpu.memref_slice %arg11[%dma_start3A_299, %dma_start3A_300] : memref<80x128xbf16, #tpu.memory_space<vmem>> -> memref<48x128xbf16, #tpu.memory_space<vmem>>
      tpu.enqueue_dma source(%dma_start3A_301 : memref<48x128xbf16, #tpu.memory_space<vmem>>) target(%dma_start3A_298 : memref<48x128xbf16, #tpu.memory_space<vmem_shared>>) target_semaphore(%run_scoped3A : memref<!tpu.dma_semaphore, #tpu.memory_space<semaphore_mem>>)
      %dma_wait3A_302 = arith.constant 0 : i32
      %dma_wait3A_303 = arith.constant 0 : i32
      %dma_wait3A_304 = tpu.memref_slice %arg11[%dma_wait3A_302, %dma_wait3A_303] : memref<80x128xbf16, #tpu.memory_space<vmem>> -> memref<48x128xbf16, #tpu.memory_space<vmem>>
      %dma_wait3A_305 = arith.constant 0 : i32
      %dma_wait3A_306 = tpu.memref_slice %arg14[%add3A_33, %dma_wait3A_305] : memref<10000x128xbf16, #tpu.memory_space<vmem_shared>> -> memref<48x128xbf16, #tpu.memory_space<vmem_shared>>
      %dma_wait3A_307 = arith.constant 0 : i32
      %dma_wait3A_308 = tpu.memref_slice %arg14[%add3A_33, %dma_wait3A_307] : memref<10000x128xbf16, #tpu.memory_space<vmem_shared>> -> memref<48x128xbf16, #tpu.memory_space<vmem_shared>>
      %dma_wait3A_309 = arith.constant 0 : i32
      %dma_wait3A_310 = arith.constant 0 : i32
      %dma_wait3A_311 = tpu.memref_slice %arg11[%dma_wait3A_309, %dma_wait3A_310] : memref<80x128xbf16, #tpu.memory_space<vmem>> -> memref<48x128xbf16, #tpu.memory_space<vmem>>
      tpu.wait_dma2 semaphore(%run_scoped3A : memref<!tpu.dma_semaphore, #tpu.memory_space<semaphore_mem>>) src(%dma_wait3A_311 : memref<48x128xbf16, #tpu.memory_space<vmem>>) dst(%dma_wait3A_308 : memref<48x128xbf16, #tpu.memory_space<vmem_shared>>)
      tpu.yield
    }) : () -> ()
    %add3A_34 = arith.constant 432 : i32
    %add3A_35 = arith.addi %mul3A_15, %add3A_34 : i32
    "tpu.region"() ({
      %run_scoped3A = tpu.sem_alloc : memref<!tpu.dma_semaphore, #tpu.memory_space<semaphore_mem>>
      %dma_start3A_292 = arith.constant 0 : i32
      %dma_start3A_293 = arith.constant 0 : i32
      %dma_start3A_294 = tpu.memref_slice %arg11[%dma_start3A_292, %dma_start3A_293] : memref<80x128xbf16, #tpu.memory_space<vmem>> -> memref<48x128xbf16, #tpu.memory_space<vmem>>
      %dma_start3A_295 = arith.constant 0 : i32
      %dma_start3A_296 = tpu.memref_slice %arg14[%add3A_35, %dma_start3A_295] : memref<10000x128xbf16, #tpu.memory_space<vmem_shared>> -> memref<48x128xbf16, #tpu.memory_space<vmem_shared>>
      %dma_start3A_297 = arith.constant 0 : i32
      %dma_start3A_298 = tpu.memref_slice %arg14[%add3A_35, %dma_start3A_297] : memref<10000x128xbf16, #tpu.memory_space<vmem_shared>> -> memref<48x128xbf16, #tpu.memory_space<vmem_shared>>
      %dma_start3A_299 = arith.constant 0 : i32
      %dma_start3A_300 = arith.constant 0 : i32
      %dma_start3A_301 = tpu.memref_slice %arg11[%dma_start3A_299, %dma_start3A_300] : memref<80x128xbf16, #tpu.memory_space<vmem>> -> memref<48x128xbf16, #tpu.memory_space<vmem>>
      tpu.enqueue_dma source(%dma_start3A_301 : memref<48x128xbf16, #tpu.memory_space<vmem>>) target(%dma_start3A_298 : memref<48x128xbf16, #tpu.memory_space<vmem_shared>>) target_semaphore(%run_scoped3A : memref<!tpu.dma_semaphore, #tpu.memory_space<semaphore_mem>>)
      %dma_wait3A_302 = arith.constant 0 : i32
      %dma_wait3A_303 = arith.constant 0 : i32
      %dma_wait3A_304 = tpu.memref_slice %arg11[%dma_wait3A_302, %dma_wait3A_303] : memref<80x128xbf16, #tpu.memory_space<vmem>> -> memref<48x128xbf16, #tpu.memory_space<vmem>>
      %dma_wait3A_305 = arith.constant 0 : i32
      %dma_wait3A_306 = tpu.memref_slice %arg14[%add3A_35, %dma_wait3A_305] : memref<10000x128xbf16, #tpu.memory_space<vmem_shared>> -> memref<48x128xbf16, #tpu.memory_space<vmem_shared>>
      %dma_wait3A_307 = arith.constant 0 : i32
      %dma_wait3A_308 = tpu.memref_slice %arg14[%add3A_35, %dma_wait3A_307] : memref<10000x128xbf16, #tpu.memory_space<vmem_shared>> -> memref<48x128xbf16, #tpu.memory_space<vmem_shared>>
      %dma_wait3A_309 = arith.constant 0 : i32
      %dma_wait3A_310 = arith.constant 0 : i32
      %dma_wait3A_311 = tpu.memref_slice %arg11[%dma_wait3A_309, %dma_wait3A_310] : memref<80x128xbf16, #tpu.memory_space<vmem>> -> memref<48x128xbf16, #tpu.memory_space<vmem>>
      tpu.wait_dma2 semaphore(%run_scoped3A : memref<!tpu.dma_semaphore, #tpu.memory_space<semaphore_mem>>) src(%dma_wait3A_311 : memref<48x128xbf16, #tpu.memory_space<vmem>>) dst(%dma_wait3A_308 : memref<48x128xbf16, #tpu.memory_space<vmem_shared>>)
      tpu.yield
    }) : () -> ()
    %add3A_36 = arith.constant 480 : i32
    %add3A_37 = arith.addi %mul3A_15, %add3A_36 : i32
    "tpu.region"() ({
      %run_scoped3A = tpu.sem_alloc : memref<!tpu.dma_semaphore, #tpu.memory_space<semaphore_mem>>
      %dma_start3A_292 = arith.constant 0 : i32
      %dma_start3A_293 = arith.constant 0 : i32
      %dma_start3A_294 = tpu.memref_slice %arg11[%dma_start3A_292, %dma_start3A_293] : memref<80x128xbf16, #tpu.memory_space<vmem>> -> memref<48x128xbf16, #tpu.memory_space<vmem>>
      %dma_start3A_295 = arith.constant 0 : i32
      %dma_start3A_296 = tpu.memref_slice %arg14[%add3A_37, %dma_start3A_295] : memref<10000x128xbf16, #tpu.memory_space<vmem_shared>> -> memref<48x128xbf16, #tpu.memory_space<vmem_shared>>
      %dma_start3A_297 = arith.constant 0 : i32
      %dma_start3A_298 = tpu.memref_slice %arg14[%add3A_37, %dma_start3A_297] : memref<10000x128xbf16, #tpu.memory_space<vmem_shared>> -> memref<48x128xbf16, #tpu.memory_space<vmem_shared>>
      %dma_start3A_299 = arith.constant 0 : i32
      %dma_start3A_300 = arith.constant 0 : i32
      %dma_start3A_301 = tpu.memref_slice %arg11[%dma_start3A_299, %dma_start3A_300] : memref<80x128xbf16, #tpu.memory_space<vmem>> -> memref<48x128xbf16, #tpu.memory_space<vmem>>
      tpu.enqueue_dma source(%dma_start3A_301 : memref<48x128xbf16, #tpu.memory_space<vmem>>) target(%dma_start3A_298 : memref<48x128xbf16, #tpu.memory_space<vmem_shared>>) target_semaphore(%run_scoped3A : memref<!tpu.dma_semaphore, #tpu.memory_space<semaphore_mem>>)
      %dma_wait3A_302 = arith.constant 0 : i32
      %dma_wait3A_303 = arith.constant 0 : i32
      %dma_wait3A_304 = tpu.memref_slice %arg11[%dma_wait3A_302, %dma_wait3A_303] : memref<80x128xbf16, #tpu.memory_space<vmem>> -> memref<48x128xbf16, #tpu.memory_space<vmem>>
      %dma_wait3A_305 = arith.constant 0 : i32
      %dma_wait3A_306 = tpu.memref_slice %arg14[%add3A_37, %dma_wait3A_305] : memref<10000x128xbf16, #tpu.memory_space<vmem_shared>> -> memref<48x128xbf16, #tpu.memory_space<vmem_shared>>
      %dma_wait3A_307 = arith.constant 0 : i32
      %dma_wait3A_308 = tpu.memref_slice %arg14[%add3A_37, %dma_wait3A_307] : memref<10000x128xbf16, #tpu.memory_space<vmem_shared>> -> memref<48x128xbf16, #tpu.memory_space<vmem_shared>>
      %dma_wait3A_309 = arith.constant 0 : i32
      %dma_wait3A_310 = arith.constant 0 : i32
      %dma_wait3A_311 = tpu.memref_slice %arg11[%dma_wait3A_309, %dma_wait3A_310] : memref<80x128xbf16, #tpu.memory_space<vmem>> -> memref<48x128xbf16, #tpu.memory_space<vmem>>
      tpu.wait_dma2 semaphore(%run_scoped3A : memref<!tpu.dma_semaphore, #tpu.memory_space<semaphore_mem>>) src(%dma_wait3A_311 : memref<48x128xbf16, #tpu.memory_space<vmem>>) dst(%dma_wait3A_308 : memref<48x128xbf16, #tpu.memory_space<vmem_shared>>)
      tpu.yield
    }) : () -> ()
    %add3A_38 = arith.constant 528 : i32
    %add3A_39 = arith.addi %mul3A_15, %add3A_38 : i32
    "tpu.region"() ({
      %run_scoped3A = tpu.sem_alloc : memref<!tpu.dma_semaphore, #tpu.memory_space<semaphore_mem>>
      %dma_start3A_292 = arith.constant 0 : i32
      %dma_start3A_293 = arith.constant 0 : i32
      %dma_start3A_294 = tpu.memref_slice %arg11[%dma_start3A_292, %dma_start3A_293] : memref<80x128xbf16, #tpu.memory_space<vmem>> -> memref<48x128xbf16, #tpu.memory_space<vmem>>
      %dma_start3A_295 = arith.constant 0 : i32
      %dma_start3A_296 = tpu.memref_slice %arg14[%add3A_39, %dma_start3A_295] : memref<10000x128xbf16, #tpu.memory_space<vmem_shared>> -> memref<48x128xbf16, #tpu.memory_space<vmem_shared>>
      %dma_start3A_297 = arith.constant 0 : i32
      %dma_start3A_298 = tpu.memref_slice %arg14[%add3A_39, %dma_start3A_297] : memref<10000x128xbf16, #tpu.memory_space<vmem_shared>> -> memref<48x128xbf16, #tpu.memory_space<vmem_shared>>
      %dma_start3A_299 = arith.constant 0 : i32
      %dma_start3A_300 = arith.constant 0 : i32
      %dma_start3A_301 = tpu.memref_slice %arg11[%dma_start3A_299, %dma_start3A_300] : memref<80x128xbf16, #tpu.memory_space<vmem>> -> memref<48x128xbf16, #tpu.memory_space<vmem>>
      tpu.enqueue_dma source(%dma_start3A_301 : memref<48x128xbf16, #tpu.memory_space<vmem>>) target(%dma_start3A_298 : memref<48x128xbf16, #tpu.memory_space<vmem_shared>>) target_semaphore(%run_scoped3A : memref<!tpu.dma_semaphore, #tpu.memory_space<semaphore_mem>>)
      %dma_wait3A_302 = arith.constant 0 : i32
      %dma_wait3A_303 = arith.constant 0 : i32
      %dma_wait3A_304 = tpu.memref_slice %arg11[%dma_wait3A_302, %dma_wait3A_303] : memref<80x128xbf16, #tpu.memory_space<vmem>> -> memref<48x128xbf16, #tpu.memory_space<vmem>>
      %dma_wait3A_305 = arith.constant 0 : i32
      %dma_wait3A_306 = tpu.memref_slice %arg14[%add3A_39, %dma_wait3A_305] : memref<10000x128xbf16, #tpu.memory_space<vmem_shared>> -> memref<48x128xbf16, #tpu.memory_space<vmem_shared>>
      %dma_wait3A_307 = arith.constant 0 : i32
      %dma_wait3A_308 = tpu.memref_slice %arg14[%add3A_39, %dma_wait3A_307] : memref<10000x128xbf16, #tpu.memory_space<vmem_shared>> -> memref<48x128xbf16, #tpu.memory_space<vmem_shared>>
      %dma_wait3A_309 = arith.constant 0 : i32
      %dma_wait3A_310 = arith.constant 0 : i32
      %dma_wait3A_311 = tpu.memref_slice %arg11[%dma_wait3A_309, %dma_wait3A_310] : memref<80x128xbf16, #tpu.memory_space<vmem>> -> memref<48x128xbf16, #tpu.memory_space<vmem>>
      tpu.wait_dma2 semaphore(%run_scoped3A : memref<!tpu.dma_semaphore, #tpu.memory_space<semaphore_mem>>) src(%dma_wait3A_311 : memref<48x128xbf16, #tpu.memory_space<vmem>>) dst(%dma_wait3A_308 : memref<48x128xbf16, #tpu.memory_space<vmem_shared>>)
      tpu.yield
    }) : () -> ()
    %add3A_40 = arith.constant 576 : i32
    %add3A_41 = arith.addi %mul3A_15, %add3A_40 : i32
    "tpu.region"() ({
      %run_scoped3A = tpu.sem_alloc : memref<!tpu.dma_semaphore, #tpu.memory_space<semaphore_mem>>
      %dma_start3A_292 = arith.constant 0 : i32
      %dma_start3A_293 = arith.constant 0 : i32
      %dma_start3A_294 = tpu.memref_slice %arg11[%dma_start3A_292, %dma_start3A_293] : memref<80x128xbf16, #tpu.memory_space<vmem>> -> memref<48x128xbf16, #tpu.memory_space<vmem>>
      %dma_start3A_295 = arith.constant 0 : i32
      %dma_start3A_296 = tpu.memref_slice %arg14[%add3A_41, %dma_start3A_295] : memref<10000x128xbf16, #tpu.memory_space<vmem_shared>> -> memref<48x128xbf16, #tpu.memory_space<vmem_shared>>
      %dma_start3A_297 = arith.constant 0 : i32
      %dma_start3A_298 = tpu.memref_slice %arg14[%add3A_41, %dma_start3A_297] : memref<10000x128xbf16, #tpu.memory_space<vmem_shared>> -> memref<48x128xbf16, #tpu.memory_space<vmem_shared>>
      %dma_start3A_299 = arith.constant 0 : i32
      %dma_start3A_300 = arith.constant 0 : i32
      %dma_start3A_301 = tpu.memref_slice %arg11[%dma_start3A_299, %dma_start3A_300] : memref<80x128xbf16, #tpu.memory_space<vmem>> -> memref<48x128xbf16, #tpu.memory_space<vmem>>
      tpu.enqueue_dma source(%dma_start3A_301 : memref<48x128xbf16, #tpu.memory_space<vmem>>) target(%dma_start3A_298 : memref<48x128xbf16, #tpu.memory_space<vmem_shared>>) target_semaphore(%run_scoped3A : memref<!tpu.dma_semaphore, #tpu.memory_space<semaphore_mem>>)
      %dma_wait3A_302 = arith.constant 0 : i32
      %dma_wait3A_303 = arith.constant 0 : i32
      %dma_wait3A_304 = tpu.memref_slice %arg11[%dma_wait3A_302, %dma_wait3A_303] : memref<80x128xbf16, #tpu.memory_space<vmem>> -> memref<48x128xbf16, #tpu.memory_space<vmem>>
      %dma_wait3A_305 = arith.constant 0 : i32
      %dma_wait3A_306 = tpu.memref_slice %arg14[%add3A_41, %dma_wait3A_305] : memref<10000x128xbf16, #tpu.memory_space<vmem_shared>> -> memref<48x128xbf16, #tpu.memory_space<vmem_shared>>
      %dma_wait3A_307 = arith.constant 0 : i32
      %dma_wait3A_308 = tpu.memref_slice %arg14[%add3A_41, %dma_wait3A_307] : memref<10000x128xbf16, #tpu.memory_space<vmem_shared>> -> memref<48x128xbf16, #tpu.memory_space<vmem_shared>>
      %dma_wait3A_309 = arith.constant 0 : i32
      %dma_wait3A_310 = arith.constant 0 : i32
      %dma_wait3A_311 = tpu.memref_slice %arg11[%dma_wait3A_309, %dma_wait3A_310] : memref<80x128xbf16, #tpu.memory_space<vmem>> -> memref<48x128xbf16, #tpu.memory_space<vmem>>
      tpu.wait_dma2 semaphore(%run_scoped3A : memref<!tpu.dma_semaphore, #tpu.memory_space<semaphore_mem>>) src(%dma_wait3A_311 : memref<48x128xbf16, #tpu.memory_space<vmem>>) dst(%dma_wait3A_308 : memref<48x128xbf16, #tpu.memory_space<vmem_shared>>)
      tpu.yield
    }) : () -> ()
    %eq3A = arith.constant 15 : i32
    %eq3A_42 = arith.cmpi eq, %arg1, %eq3A : i32
    %convert_element_type3A = arith.extui %eq3A_42 : i1 to i32
    %cond3A = arith.constant 0 : i32
    %cond3A_43 = arith.cmpi ne, %convert_element_type3A, %cond3A : i32
    scf.if %cond3A_43 {
      "tpu.region"() ({
        %run_scoped3A = tpu.sem_alloc : memref<!tpu.dma_semaphore, #tpu.memory_space<semaphore_mem>>
        %dma_start3A_292 = arith.constant 0 : i32
        %dma_start3A_293 = arith.constant 0 : i32
        %dma_start3A_294 = tpu.memref_slice %arg11[%dma_start3A_292, %dma_start3A_293] : memref<80x128xbf16, #tpu.memory_space<vmem>> -> memref<16x128xbf16, #tpu.memory_space<vmem>>
        %dma_start3A_295 = arith.constant 9984 : i32
        %dma_start3A_296 = arith.constant 0 : i32
        %dma_start3A_297 = tpu.memref_slice %arg14[%dma_start3A_295, %dma_start3A_296] : memref<10000x128xbf16, #tpu.memory_space<vmem_shared>> -> memref<16x128xbf16, #tpu.memory_space<vmem_shared>>
        %dma_start3A_298 = arith.constant 9984 : i32
        %dma_start3A_299 = arith.constant 0 : i32
        %dma_start3A_300 = tpu.memref_slice %arg14[%dma_start3A_298, %dma_start3A_299] : memref<10000x128xbf16, #tpu.memory_space<vmem_shared>> -> memref<16x128xbf16, #tpu.memory_space<vmem_shared>>
        %dma_start3A_301 = arith.constant 0 : i32
        %dma_start3A_302 = arith.constant 0 : i32
        %dma_start3A_303 = tpu.memref_slice %arg11[%dma_start3A_301, %dma_start3A_302] : memref<80x128xbf16, #tpu.memory_space<vmem>> -> memref<16x128xbf16, #tpu.memory_space<vmem>>
        tpu.enqueue_dma source(%dma_start3A_303 : memref<16x128xbf16, #tpu.memory_space<vmem>>) target(%dma_start3A_300 : memref<16x128xbf16, #tpu.memory_space<vmem_shared>>) target_semaphore(%run_scoped3A : memref<!tpu.dma_semaphore, #tpu.memory_space<semaphore_mem>>)
        %dma_wait3A_304 = arith.constant 0 : i32
        %dma_wait3A_305 = arith.constant 0 : i32
        %dma_wait3A_306 = tpu.memref_slice %arg11[%dma_wait3A_304, %dma_wait3A_305] : memref<80x128xbf16, #tpu.memory_space<vmem>> -> memref<16x128xbf16, #tpu.memory_space<vmem>>
        %dma_wait3A_307 = arith.constant 9984 : i32
        %dma_wait3A_308 = arith.constant 0 : i32
        %dma_wait3A_309 = tpu.memref_slice %arg14[%dma_wait3A_307, %dma_wait3A_308] : memref<10000x128xbf16, #tpu.memory_space<vmem_shared>> -> memref<16x128xbf16, #tpu.memory_space<vmem_shared>>
        %dma_wait3A_310 = arith.constant 9984 : i32
        %dma_wait3A_311 = arith.constant 0 : i32
        %dma_wait3A_312 = tpu.memref_slice %arg14[%dma_wait3A_310, %dma_wait3A_311] : memref<10000x128xbf16, #tpu.memory_space<vmem_shared>> -> memref<16x128xbf16, #tpu.memory_space<vmem_shared>>
        %dma_wait3A_313 = arith.constant 0 : i32
        %dma_wait3A_314 = arith.constant 0 : i32
        %dma_wait3A_315 = tpu.memref_slice %arg11[%dma_wait3A_313, %dma_wait3A_314] : memref<80x128xbf16, #tpu.memory_space<vmem>> -> memref<16x128xbf16, #tpu.memory_space<vmem>>
        tpu.wait_dma2 semaphore(%run_scoped3A : memref<!tpu.dma_semaphore, #tpu.memory_space<semaphore_mem>>) src(%dma_wait3A_315 : memref<16x128xbf16, #tpu.memory_space<vmem>>) dst(%dma_wait3A_312 : memref<16x128xbf16, #tpu.memory_space<vmem_shared>>)
        tpu.yield
      }) : () -> ()
    } else {
    }
    %barrier3A = arith.constant 0 : index
    tpu.barrier barrier_id(%barrier3A)
    %dma_start3A = arith.constant 0 : i32
    %dma_start3A_44 = arith.constant 0 : i32
    %dma_start3A_45 = tpu.memref_slice %arg3[%add3A, %dma_start3A, %dma_start3A_44] : memref<32x125x80xi32, #tpu.memory_space<hbm>> -> memref<1x25x80xi32, #tpu.memory_space<hbm>>
    %dma_start3A_46 = tpu.memref_squeeze %dma_start3A_45 : memref<1x25x80xi32, #tpu.memory_space<hbm>> -> memref<25x80xi32, #tpu.memory_space<hbm>>
    %dma_start3A_47 = arith.constant 0 : i32
    %dma_start3A_48 = arith.constant 0 : i32
    %dma_start3A_49 = tpu.memref_slice %arg3[%add3A, %dma_start3A_47, %dma_start3A_48] : memref<32x125x80xi32, #tpu.memory_space<hbm>> -> memref<1x25x80xi32, #tpu.memory_space<hbm>>
    %dma_start3A_50 = tpu.memref_squeeze %dma_start3A_49 : memref<1x25x80xi32, #tpu.memory_space<hbm>> -> memref<25x80xi32, #tpu.memory_space<hbm>>
    tpu.enqueue_dma source(%dma_start3A_50 : memref<25x80xi32, #tpu.memory_space<hbm>>) target(%arg7 : memref<25x80xi32, #tpu.memory_space<vmem>>) target_semaphore(%arg17 : memref<!tpu.dma_semaphore, #tpu.memory_space<semaphore_mem>>)
    %dma_start3A_51 = arith.constant 0 : i32
    %dma_start3A_52 = arith.constant 0 : i32
    %dma_start3A_53 = tpu.memref_slice %arg4[%add3A, %dma_start3A_51, %dma_start3A_52] : memref<32x125x80xi32, #tpu.memory_space<hbm>> -> memref<1x25x80xi32, #tpu.memory_space<hbm>>
    %dma_start3A_54 = tpu.memref_squeeze %dma_start3A_53 : memref<1x25x80xi32, #tpu.memory_space<hbm>> -> memref<25x80xi32, #tpu.memory_space<hbm>>
    %dma_start3A_55 = arith.constant 0 : i32
    %dma_start3A_56 = arith.constant 0 : i32
    %dma_start3A_57 = tpu.memref_slice %arg4[%add3A, %dma_start3A_55, %dma_start3A_56] : memref<32x125x80xi32, #tpu.memory_space<hbm>> -> memref<1x25x80xi32, #tpu.memory_space<hbm>>
    %dma_start3A_58 = tpu.memref_squeeze %dma_start3A_57 : memref<1x25x80xi32, #tpu.memory_space<hbm>> -> memref<25x80xi32, #tpu.memory_space<hbm>>
    tpu.enqueue_dma source(%dma_start3A_58 : memref<25x80xi32, #tpu.memory_space<hbm>>) target(%arg8 : memref<25x80xi32, #tpu.memory_space<vmem>>) target_semaphore(%arg17 : memref<!tpu.dma_semaphore, #tpu.memory_space<semaphore_mem>>)
    %dma_wait3A = arith.constant 0 : i32
    %dma_wait3A_59 = arith.constant 0 : i32
    %dma_wait3A_60 = tpu.memref_slice %arg3[%add3A, %dma_wait3A, %dma_wait3A_59] : memref<32x125x80xi32, #tpu.memory_space<hbm>> -> memref<1x25x80xi32, #tpu.memory_space<hbm>>
    %dma_wait3A_61 = tpu.memref_squeeze %dma_wait3A_60 : memref<1x25x80xi32, #tpu.memory_space<hbm>> -> memref<25x80xi32, #tpu.memory_space<hbm>>
    %dma_wait3A_62 = arith.constant 0 : i32
    %dma_wait3A_63 = arith.constant 0 : i32
    %dma_wait3A_64 = tpu.memref_slice %arg3[%add3A, %dma_wait3A_62, %dma_wait3A_63] : memref<32x125x80xi32, #tpu.memory_space<hbm>> -> memref<1x25x80xi32, #tpu.memory_space<hbm>>
    %dma_wait3A_65 = tpu.memref_squeeze %dma_wait3A_64 : memref<1x25x80xi32, #tpu.memory_space<hbm>> -> memref<25x80xi32, #tpu.memory_space<hbm>>
    tpu.wait_dma2 semaphore(%arg17 : memref<!tpu.dma_semaphore, #tpu.memory_space<semaphore_mem>>) src(%dma_wait3A_65 : memref<25x80xi32, #tpu.memory_space<hbm>>) dst(%arg7 : memref<25x80xi32, #tpu.memory_space<vmem>>)
    %dma_wait3A_66 = arith.constant 0 : i32
    %dma_wait3A_67 = arith.constant 0 : i32
    %dma_wait3A_68 = tpu.memref_slice %arg4[%add3A, %dma_wait3A_66, %dma_wait3A_67] : memref<32x125x80xi32, #tpu.memory_space<hbm>> -> memref<1x25x80xi32, #tpu.memory_space<hbm>>
    %dma_wait3A_69 = tpu.memref_squeeze %dma_wait3A_68 : memref<1x25x80xi32, #tpu.memory_space<hbm>> -> memref<25x80xi32, #tpu.memory_space<hbm>>
    %dma_wait3A_70 = arith.constant 0 : i32
    %dma_wait3A_71 = arith.constant 0 : i32
    %dma_wait3A_72 = tpu.memref_slice %arg4[%add3A, %dma_wait3A_70, %dma_wait3A_71] : memref<32x125x80xi32, #tpu.memory_space<hbm>> -> memref<1x25x80xi32, #tpu.memory_space<hbm>>
    %dma_wait3A_73 = tpu.memref_squeeze %dma_wait3A_72 : memref<1x25x80xi32, #tpu.memory_space<hbm>> -> memref<25x80xi32, #tpu.memory_space<hbm>>
    tpu.wait_dma2 semaphore(%arg17 : memref<!tpu.dma_semaphore, #tpu.memory_space<semaphore_mem>>) src(%dma_wait3A_73 : memref<25x80xi32, #tpu.memory_space<hbm>>) dst(%arg8 : memref<25x80xi32, #tpu.memory_space<vmem>>)
    %dma_start3A_74 = arith.constant 25 : i32
    %dma_start3A_75 = arith.constant 0 : i32
    %dma_start3A_76 = tpu.memref_slice %arg3[%add3A, %dma_start3A_74, %dma_start3A_75] : memref<32x125x80xi32, #tpu.memory_space<hbm>> -> memref<1x25x80xi32, #tpu.memory_space<hbm>>
    %dma_start3A_77 = tpu.memref_squeeze %dma_start3A_76 : memref<1x25x80xi32, #tpu.memory_space<hbm>> -> memref<25x80xi32, #tpu.memory_space<hbm>>
    %dma_start3A_78 = arith.constant 25 : i32
    %dma_start3A_79 = arith.constant 0 : i32
    %dma_start3A_80 = tpu.memref_slice %arg3[%add3A, %dma_start3A_78, %dma_start3A_79] : memref<32x125x80xi32, #tpu.memory_space<hbm>> -> memref<1x25x80xi32, #tpu.memory_space<hbm>>
    %dma_start3A_81 = tpu.memref_squeeze %dma_start3A_80 : memref<1x25x80xi32, #tpu.memory_space<hbm>> -> memref<25x80xi32, #tpu.memory_space<hbm>>
    tpu.enqueue_dma source(%dma_start3A_81 : memref<25x80xi32, #tpu.memory_space<hbm>>) target(%arg9 : memref<25x80xi32, #tpu.memory_space<vmem>>) target_semaphore(%arg18 : memref<!tpu.dma_semaphore, #tpu.memory_space<semaphore_mem>>)
    %dma_start3A_82 = arith.constant 25 : i32
    %dma_start3A_83 = arith.constant 0 : i32
    %dma_start3A_84 = tpu.memref_slice %arg4[%add3A, %dma_start3A_82, %dma_start3A_83] : memref<32x125x80xi32, #tpu.memory_space<hbm>> -> memref<1x25x80xi32, #tpu.memory_space<hbm>>
    %dma_start3A_85 = tpu.memref_squeeze %dma_start3A_84 : memref<1x25x80xi32, #tpu.memory_space<hbm>> -> memref<25x80xi32, #tpu.memory_space<hbm>>
    %dma_start3A_86 = arith.constant 25 : i32
    %dma_start3A_87 = arith.constant 0 : i32
    %dma_start3A_88 = tpu.memref_slice %arg4[%add3A, %dma_start3A_86, %dma_start3A_87] : memref<32x125x80xi32, #tpu.memory_space<hbm>> -> memref<1x25x80xi32, #tpu.memory_space<hbm>>
    %dma_start3A_89 = tpu.memref_squeeze %dma_start3A_88 : memref<1x25x80xi32, #tpu.memory_space<hbm>> -> memref<25x80xi32, #tpu.memory_space<hbm>>
    tpu.enqueue_dma source(%dma_start3A_89 : memref<25x80xi32, #tpu.memory_space<hbm>>) target(%arg10 : memref<25x80xi32, #tpu.memory_space<vmem>>) target_semaphore(%arg18 : memref<!tpu.dma_semaphore, #tpu.memory_space<semaphore_mem>>)
    %dma_start3A_90 = arith.constant 0 : i32
    %dma_start3A_91 = arith.constant 0 : i32
    %dma_start3A_92 = tpu.memref_slice %arg7[%dma_start3A_90, %dma_start3A_91] : memref<25x80xi32, #tpu.memory_space<vmem>> -> memref<1x80xi32, #tpu.memory_space<vmem>>
    %dma_start3A_93 = tpu.memref_squeeze %dma_start3A_92 : memref<1x80xi32, #tpu.memory_space<vmem>> -> memref<80xi32, #tpu.memory_space<vmem>>
    %dma_start3A_94 = arith.constant 0 : i32
    %dma_start3A_95 = arith.constant 0 : i32
    %dma_start3A_96 = tpu.memref_slice %arg2[%dma_start3A_94, %dma_start3A_95] : memref<10000x128xbf16, #tpu.memory_space<hbm>> -> memref<10000x128xbf16, #tpu.memory_space<hbm>>
    tpu.enqueue_indirect_dma source(%dma_start3A_96 : memref<10000x128xbf16, #tpu.memory_space<hbm>>) target(%arg11 : memref<80x128xbf16, #tpu.memory_space<vmem>>) offsets(%dma_start3A_93 : memref<80xi32, #tpu.memory_space<vmem>>) semaphore(%arg15 : memref<!tpu.dma_semaphore, #tpu.memory_space<semaphore_mem>>)
    %scan3A_97 = arith.constant 0 : i32
    %scan3A_98 = arith.constant 0 : i32
    %scan3A_99 = arith.constant 25 : i32
    %scan3A_100 = arith.addi %scan3A_98, %scan3A_99 : i32
    %scan3A_101 = arith.constant 1 : i32
    %scan3A_102 = scf.for %scan3A_292 = %scan3A_98 to %scan3A_100 step %scan3A_101 iter_args(%scan3A_293 = %scan3A_97) -> (i32)  : i32 {
      %rem3A = arith.constant 2 : i32
      %rem3A_294 = arith.remsi %scan3A_292, %rem3A : i32
      %eq3A_295 = arith.constant 0 : i32
      %eq3A_296 = arith.cmpi eq, %rem3A_294, %eq3A_295 : i32
      %add3A_297 = arith.constant 1 : i32
      %add3A_298 = arith.addi %scan3A_292, %add3A_297 : i32
      %lt3A = arith.constant 25 : i32
      %lt3A_299 = arith.cmpi slt, %add3A_298, %lt3A : i32
      %and3A = arith.andi %lt3A_299, %eq3A_296 : i1
      %convert_element_type3A_300 = arith.extui %and3A : i1 to i32
      %cond3A_301 = arith.constant 0 : i32
      %cond3A_302 = arith.cmpi ne, %convert_element_type3A_300, %cond3A_301 : i32
      scf.if %cond3A_302 {
        %add3A_344 = arith.constant 1 : i32
        %add3A_345 = arith.addi %scan3A_292, %add3A_344 : i32
        %dma_start3A_346 = arith.constant 0 : i32
        %dma_start3A_347 = tpu.memref_slice %arg7[%add3A_345, %dma_start3A_346] : memref<25x80xi32, #tpu.memory_space<vmem>> -> memref<1x80xi32, #tpu.memory_space<vmem>>
        %dma_start3A_348 = tpu.memref_squeeze %dma_start3A_347 : memref<1x80xi32, #tpu.memory_space<vmem>> -> memref<80xi32, #tpu.memory_space<vmem>>
        %dma_start3A_349 = arith.constant 0 : i32
        %dma_start3A_350 = arith.constant 0 : i32
        %dma_start3A_351 = tpu.memref_slice %arg2[%dma_start3A_349, %dma_start3A_350] : memref<10000x128xbf16, #tpu.memory_space<hbm>> -> memref<10000x128xbf16, #tpu.memory_space<hbm>>
        tpu.enqueue_indirect_dma source(%dma_start3A_351 : memref<10000x128xbf16, #tpu.memory_space<hbm>>) target(%arg12 : memref<80x128xbf16, #tpu.memory_space<vmem>>) offsets(%dma_start3A_348 : memref<80xi32, #tpu.memory_space<vmem>>) semaphore(%arg16 : memref<!tpu.dma_semaphore, #tpu.memory_space<semaphore_mem>>)
      } else {
      }
      %add3A_303 = arith.constant 1 : i32
      %add3A_304 = arith.addi %scan3A_292, %add3A_303 : i32
      %lt3A_305 = arith.constant 25 : i32
      %lt3A_306 = arith.cmpi slt, %add3A_304, %lt3A_305 : i32
      %not3A = arith.constant true
      %not3A_307 = arith.xori %eq3A_296, %not3A : i1
      %and3A_308 = arith.andi %lt3A_306, %not3A_307 : i1
      %convert_element_type3A_309 = arith.extui %and3A_308 : i1 to i32
      %cond3A_310 = arith.constant 0 : i32
      %cond3A_311 = arith.cmpi ne, %convert_element_type3A_309, %cond3A_310 : i32
      scf.if %cond3A_311 {
        %add3A_344 = arith.constant 1 : i32
        %add3A_345 = arith.addi %scan3A_292, %add3A_344 : i32
        %dma_start3A_346 = arith.constant 0 : i32
        %dma_start3A_347 = tpu.memref_slice %arg7[%add3A_345, %dma_start3A_346] : memref<25x80xi32, #tpu.memory_space<vmem>> -> memref<1x80xi32, #tpu.memory_space<vmem>>
        %dma_start3A_348 = tpu.memref_squeeze %dma_start3A_347 : memref<1x80xi32, #tpu.memory_space<vmem>> -> memref<80xi32, #tpu.memory_space<vmem>>
        %dma_start3A_349 = arith.constant 0 : i32
        %dma_start3A_350 = arith.constant 0 : i32
        %dma_start3A_351 = tpu.memref_slice %arg2[%dma_start3A_349, %dma_start3A_350] : memref<10000x128xbf16, #tpu.memory_space<hbm>> -> memref<10000x128xbf16, #tpu.memory_space<hbm>>
        tpu.enqueue_indirect_dma source(%dma_start3A_351 : memref<10000x128xbf16, #tpu.memory_space<hbm>>) target(%arg11 : memref<80x128xbf16, #tpu.memory_space<vmem>>) offsets(%dma_start3A_348 : memref<80xi32, #tpu.memory_space<vmem>>) semaphore(%arg15 : memref<!tpu.dma_semaphore, #tpu.memory_space<semaphore_mem>>)
      } else {
      }
      %get3A = arith.index_cast %scan3A_292 : i32 to index
      %get3A_312 = arith.constant 0 : index
      %get3A_313 = tpu.vector_load %arg8[%get3A, %get3A_312] {strides = array<i32>} : memref<25x80xi32, #tpu.memory_space<vmem>>, vector<16xi32>,
      %broadcast_in_dim3A = arith.constant 1.000000e+00 : f32
      %broadcast_in_dim3A_314 = vector.broadcast %broadcast_in_dim3A : f32 to vector<16xf32>
      tpu.vector_store_idx %arg13[%get3A_313], %broadcast_in_dim3A_314 {add = true} : memref<10000xf32, #tpu.memory_space<vmem>>[vector<16xi32>], vector<16xf32>,
      %get3A_315 = arith.index_cast %scan3A_292 : i32 to index
      %get3A_316 = arith.constant 16 : index
      %get3A_317 = tpu.vector_load %arg8[%get3A_315, %get3A_316] {strides = array<i32>} : memref<25x80xi32, #tpu.memory_space<vmem>>, vector<16xi32>,
      %broadcast_in_dim3A_318 = arith.constant 1.000000e+00 : f32
      %broadcast_in_dim3A_319 = vector.broadcast %broadcast_in_dim3A_318 : f32 to vector<16xf32>
      tpu.vector_store_idx %arg13[%get3A_317], %broadcast_in_dim3A_319 {add = true} : memref<10000xf32, #tpu.memory_space<vmem>>[vector<16xi32>], vector<16xf32>,
      %get3A_320 = arith.index_cast %scan3A_292 : i32 to index
      %get3A_321 = arith.constant 32 : index
      %get3A_322 = tpu.vector_load %arg8[%get3A_320, %get3A_321] {strides = array<i32>} : memref<25x80xi32, #tpu.memory_space<vmem>>, vector<16xi32>,
      %broadcast_in_dim3A_323 = arith.constant 1.000000e+00 : f32
      %broadcast_in_dim3A_324 = vector.broadcast %broadcast_in_dim3A_323 : f32 to vector<16xf32>
      tpu.vector_store_idx %arg13[%get3A_322], %broadcast_in_dim3A_324 {add = true} : memref<10000xf32, #tpu.memory_space<vmem>>[vector<16xi32>], vector<16xf32>,
      %get3A_325 = arith.index_cast %scan3A_292 : i32 to index
      %get3A_326 = arith.constant 48 : index
      %get3A_327 = tpu.vector_load %arg8[%get3A_325, %get3A_326] {strides = array<i32>} : memref<25x80xi32, #tpu.memory_space<vmem>>, vector<16xi32>,
      %broadcast_in_dim3A_328 = arith.constant 1.000000e+00 : f32
      %broadcast_in_dim3A_329 = vector.broadcast %broadcast_in_dim3A_328 : f32 to vector<16xf32>
      tpu.vector_store_idx %arg13[%get3A_327], %broadcast_in_dim3A_329 {add = true} : memref<10000xf32, #tpu.memory_space<vmem>>[vector<16xi32>], vector<16xf32>,
      %get3A_330 = arith.index_cast %scan3A_292 : i32 to index
      %get3A_331 = arith.constant 64 : index
      %get3A_332 = tpu.vector_load %arg8[%get3A_330, %get3A_331] {strides = array<i32>} : memref<25x80xi32, #tpu.memory_space<vmem>>, vector<16xi32>,
      %broadcast_in_dim3A_333 = arith.constant 1.000000e+00 : f32
      %broadcast_in_dim3A_334 = vector.broadcast %broadcast_in_dim3A_333 : f32 to vector<16xf32>
      tpu.vector_store_idx %arg13[%get3A_332], %broadcast_in_dim3A_334 {add = true} : memref<10000xf32, #tpu.memory_space<vmem>>[vector<16xi32>], vector<16xf32>,
      %convert_element_type3A_335 = arith.extui %eq3A_296 : i1 to i32
      %cond3A_336 = arith.constant 0 : i32
      %cond3A_337 = arith.cmpi ne, %convert_element_type3A_335, %cond3A_336 : i32
      scf.if %cond3A_337 {
        %dma_wait3A_344 = arith.constant 0 : i32
        %dma_wait3A_345 = tpu.memref_slice %arg7[%scan3A_292, %dma_wait3A_344] : memref<25x80xi32, #tpu.memory_space<vmem>> -> memref<1x80xi32, #tpu.memory_space<vmem>>
        %dma_wait3A_346 = tpu.memref_squeeze %dma_wait3A_345 : memref<1x80xi32, #tpu.memory_space<vmem>> -> memref<80xi32, #tpu.memory_space<vmem>>
        %dma_wait3A_347 = arith.constant 0 : i32
        %dma_wait3A_348 = arith.constant 0 : i32
        %dma_wait3A_349 = tpu.memref_slice %arg2[%dma_wait3A_347, %dma_wait3A_348] : memref<10000x128xbf16, #tpu.memory_space<hbm>> -> memref<10000x128xbf16, #tpu.memory_space<hbm>>
        tpu.wait_indirect_dma semaphore(%arg15 : memref<!tpu.dma_semaphore, #tpu.memory_space<semaphore_mem>>) src(%dma_wait3A_349 : memref<10000x128xbf16, #tpu.memory_space<hbm>>) dst(%arg11 : memref<80x128xbf16, #tpu.memory_space<vmem>>)
        "tpu.region"() ({
          %run_scoped3A = tpu.sem_alloc : memref<!tpu.dma_semaphore, #tpu.memory_space<semaphore_mem>>
          %dma_start3A_350 = arith.constant 0 : i32
          %dma_start3A_351 = tpu.memref_slice %arg8[%scan3A_292, %dma_start3A_350] : memref<25x80xi32, #tpu.memory_space<vmem>> -> memref<1x80xi32, #tpu.memory_space<vmem>>
          %dma_start3A_352 = tpu.memref_squeeze %dma_start3A_351 : memref<1x80xi32, #tpu.memory_space<vmem>> -> memref<80xi32, #tpu.memory_space<vmem>>
          %dma_start3A_353 = arith.constant 0 : i32
          %dma_start3A_354 = arith.constant 0 : i32
          %dma_start3A_355 = tpu.memref_slice %arg14[%dma_start3A_353, %dma_start3A_354] : memref<10000x128xbf16, #tpu.memory_space<vmem_shared>> -> memref<10000x128xbf16, #tpu.memory_space<vmem_shared>>
          tpu.enqueue_indirect_dma source(%arg11 : memref<80x128xbf16, #tpu.memory_space<vmem>>) target(%dma_start3A_355 : memref<10000x128xbf16, #tpu.memory_space<vmem_shared>>) offsets(%dma_start3A_352 : memref<80xi32, #tpu.memory_space<vmem>>) semaphore(%run_scoped3A : memref<!tpu.dma_semaphore, #tpu.memory_space<semaphore_mem>>) {add = true}
          %dma_wait3A_356 = arith.constant 0 : i32
          %dma_wait3A_357 = tpu.memref_slice %arg8[%scan3A_292, %dma_wait3A_356] : memref<25x80xi32, #tpu.memory_space<vmem>> -> memref<1x80xi32, #tpu.memory_space<vmem>>
          %dma_wait3A_358 = tpu.memref_squeeze %dma_wait3A_357 : memref<1x80xi32, #tpu.memory_space<vmem>> -> memref<80xi32, #tpu.memory_space<vmem>>
          %dma_wait3A_359 = arith.constant 0 : i32
          %dma_wait3A_360 = arith.constant 0 : i32
          %dma_wait3A_361 = tpu.memref_slice %arg14[%dma_wait3A_359, %dma_wait3A_360] : memref<10000x128xbf16, #tpu.memory_space<vmem_shared>> -> memref<10000x128xbf16, #tpu.memory_space<vmem_shared>>
          tpu.wait_indirect_dma semaphore(%run_scoped3A : memref<!tpu.dma_semaphore, #tpu.memory_space<semaphore_mem>>) src(%arg11 : memref<80x128xbf16, #tpu.memory_space<vmem>>) dst(%dma_wait3A_361 : memref<10000x128xbf16, #tpu.memory_space<vmem_shared>>)
          tpu.yield
        }) : () -> ()
      } else {
      }
      %not3A_338 = arith.constant true
      %not3A_339 = arith.xori %eq3A_296, %not3A_338 : i1
      %convert_element_type3A_340 = arith.extui %not3A_339 : i1 to i32
      %cond3A_341 = arith.constant 0 : i32
      %cond3A_342 = arith.cmpi ne, %convert_element_type3A_340, %cond3A_341 : i32
      scf.if %cond3A_342 {
        %dma_wait3A_344 = arith.constant 0 : i32
        %dma_wait3A_345 = tpu.memref_slice %arg7[%scan3A_292, %dma_wait3A_344] : memref<25x80xi32, #tpu.memory_space<vmem>> -> memref<1x80xi32, #tpu.memory_space<vmem>>
        %dma_wait3A_346 = tpu.memref_squeeze %dma_wait3A_345 : memref<1x80xi32, #tpu.memory_space<vmem>> -> memref<80xi32, #tpu.memory_space<vmem>>
        %dma_wait3A_347 = arith.constant 0 : i32
        %dma_wait3A_348 = arith.constant 0 : i32
        %dma_wait3A_349 = tpu.memref_slice %arg2[%dma_wait3A_347, %dma_wait3A_348] : memref<10000x128xbf16, #tpu.memory_space<hbm>> -> memref<10000x128xbf16, #tpu.memory_space<hbm>>
        tpu.wait_indirect_dma semaphore(%arg16 : memref<!tpu.dma_semaphore, #tpu.memory_space<semaphore_mem>>) src(%dma_wait3A_349 : memref<10000x128xbf16, #tpu.memory_space<hbm>>) dst(%arg12 : memref<80x128xbf16, #tpu.memory_space<vmem>>)
        "tpu.region"() ({
          %run_scoped3A = tpu.sem_alloc : memref<!tpu.dma_semaphore, #tpu.memory_space<semaphore_mem>>
          %dma_start3A_350 = arith.constant 0 : i32
          %dma_start3A_351 = tpu.memref_slice %arg8[%scan3A_292, %dma_start3A_350] : memref<25x80xi32, #tpu.memory_space<vmem>> -> memref<1x80xi32, #tpu.memory_space<vmem>>
          %dma_start3A_352 = tpu.memref_squeeze %dma_start3A_351 : memref<1x80xi32, #tpu.memory_space<vmem>> -> memref<80xi32, #tpu.memory_space<vmem>>
          %dma_start3A_353 = arith.constant 0 : i32
          %dma_start3A_354 = arith.constant 0 : i32
          %dma_start3A_355 = tpu.memref_slice %arg14[%dma_start3A_353, %dma_start3A_354] : memref<10000x128xbf16, #tpu.memory_space<vmem_shared>> -> memref<10000x128xbf16, #tpu.memory_space<vmem_shared>>
          tpu.enqueue_indirect_dma source(%arg12 : memref<80x128xbf16, #tpu.memory_space<vmem>>) target(%dma_start3A_355 : memref<10000x128xbf16, #tpu.memory_space<vmem_shared>>) offsets(%dma_start3A_352 : memref<80xi32, #tpu.memory_space<vmem>>) semaphore(%run_scoped3A : memref<!tpu.dma_semaphore, #tpu.memory_space<semaphore_mem>>) {add = true}
          %dma_wait3A_356 = arith.constant 0 : i32
          %dma_wait3A_357 = tpu.memref_slice %arg8[%scan3A_292, %dma_wait3A_356] : memref<25x80xi32, #tpu.memory_space<vmem>> -> memref<1x80xi32, #tpu.memory_space<vmem>>
          %dma_wait3A_358 = tpu.memref_squeeze %dma_wait3A_357 : memref<1x80xi32, #tpu.memory_space<vmem>> -> memref<80xi32, #tpu.memory_space<vmem>>
          %dma_wait3A_359 = arith.constant 0 : i32
          %dma_wait3A_360 = arith.constant 0 : i32
          %dma_wait3A_361 = tpu.memref_slice %arg14[%dma_wait3A_359, %dma_wait3A_360] : memref<10000x128xbf16, #tpu.memory_space<vmem_shared>> -> memref<10000x128xbf16, #tpu.memory_space<vmem_shared>>
          tpu.wait_indirect_dma semaphore(%run_scoped3A : memref<!tpu.dma_semaphore, #tpu.memory_space<semaphore_mem>>) src(%arg12 : memref<80x128xbf16, #tpu.memory_space<vmem>>) dst(%dma_wait3A_361 : memref<10000x128xbf16, #tpu.memory_space<vmem_shared>>)
          tpu.yield
        }) : () -> ()
      } else {
      }
      %scan3A_343 = arith.constant 0 : i32
      scf.yield %scan3A_343 : i32
    }
    %scan3A_103 = arith.constant 25 : i32
    %dma_wait3A_104 = arith.constant 25 : i32
    %dma_wait3A_105 = arith.constant 0 : i32
    %dma_wait3A_106 = tpu.memref_slice %arg3[%add3A, %dma_wait3A_104, %dma_wait3A_105] : memref<32x125x80xi32, #tpu.memory_space<hbm>> -> memref<1x25x80xi32, #tpu.memory_space<hbm>>
    %dma_wait3A_107 = tpu.memref_squeeze %dma_wait3A_106 : memref<1x25x80xi32, #tpu.memory_space<hbm>> -> memref<25x80xi32, #tpu.memory_space<hbm>>
    %dma_wait3A_108 = arith.constant 25 : i32
    %dma_wait3A_109 = arith.constant 0 : i32
    %dma_wait3A_110 = tpu.memref_slice %arg3[%add3A, %dma_wait3A_108, %dma_wait3A_109] : memref<32x125x80xi32, #tpu.memory_space<hbm>> -> memref<1x25x80xi32, #tpu.memory_space<hbm>>
    %dma_wait3A_111 = tpu.memref_squeeze %dma_wait3A_110 : memref<1x25x80xi32, #tpu.memory_space<hbm>> -> memref<25x80xi32, #tpu.memory_space<hbm>>
    tpu.wait_dma2 semaphore(%arg18 : memref<!tpu.dma_semaphore, #tpu.memory_space<semaphore_mem>>) src(%dma_wait3A_111 : memref<25x80xi32, #tpu.memory_space<hbm>>) dst(%arg9 : memref<25x80xi32, #tpu.memory_space<vmem>>)
    %dma_wait3A_112 = arith.constant 25 : i32
    %dma_wait3A_113 = arith.constant 0 : i32
    %dma_wait3A_114 = tpu.memref_slice %arg4[%add3A, %dma_wait3A_112, %dma_wait3A_113] : memref<32x125x80xi32, #tpu.memory_space<hbm>> -> memref<1x25x80xi32, #tpu.memory_space<hbm>>
    %dma_wait3A_115 = tpu.memref_squeeze %dma_wait3A_114 : memref<1x25x80xi32, #tpu.memory_space<hbm>> -> memref<25x80xi32, #tpu.memory_space<hbm>>
    %dma_wait3A_116 = arith.constant 25 : i32
    %dma_wait3A_117 = arith.constant 0 : i32
    %dma_wait3A_118 = tpu.memref_slice %arg4[%add3A, %dma_wait3A_116, %dma_wait3A_117] : memref<32x125x80xi32, #tpu.memory_space<hbm>> -> memref<1x25x80xi32, #tpu.memory_space<hbm>>
    %dma_wait3A_119 = tpu.memref_squeeze %dma_wait3A_118 : memref<1x25x80xi32, #tpu.memory_space<hbm>> -> memref<25x80xi32, #tpu.memory_space<hbm>>
    tpu.wait_dma2 semaphore(%arg18 : memref<!tpu.dma_semaphore, #tpu.memory_space<semaphore_mem>>) src(%dma_wait3A_119 : memref<25x80xi32, #tpu.memory_space<hbm>>) dst(%arg10 : memref<25x80xi32, #tpu.memory_space<vmem>>)
    %dma_start3A_120 = arith.constant 50 : i32
    %dma_start3A_121 = arith.constant 0 : i32
    %dma_start3A_122 = tpu.memref_slice %arg3[%add3A, %dma_start3A_120, %dma_start3A_121] : memref<32x125x80xi32, #tpu.memory_space<hbm>> -> memref<1x25x80xi32, #tpu.memory_space<hbm>>
    %dma_start3A_123 = tpu.memref_squeeze %dma_start3A_122 : memref<1x25x80xi32, #tpu.memory_space<hbm>> -> memref<25x80xi32, #tpu.memory_space<hbm>>
    %dma_start3A_124 = arith.constant 50 : i32
    %dma_start3A_125 = arith.constant 0 : i32
    %dma_start3A_126 = tpu.memref_slice %arg3[%add3A, %dma_start3A_124, %dma_start3A_125] : memref<32x125x80xi32, #tpu.memory_space<hbm>> -> memref<1x25x80xi32, #tpu.memory_space<hbm>>
    %dma_start3A_127 = tpu.memref_squeeze %dma_start3A_126 : memref<1x25x80xi32, #tpu.memory_space<hbm>> -> memref<25x80xi32, #tpu.memory_space<hbm>>
    tpu.enqueue_dma source(%dma_start3A_127 : memref<25x80xi32, #tpu.memory_space<hbm>>) target(%arg7 : memref<25x80xi32, #tpu.memory_space<vmem>>) target_semaphore(%arg17 : memref<!tpu.dma_semaphore, #tpu.memory_space<semaphore_mem>>)
    %dma_start3A_128 = arith.constant 50 : i32
    %dma_start3A_129 = arith.constant 0 : i32
    %dma_start3A_130 = tpu.memref_slice %arg4[%add3A, %dma_start3A_128, %dma_start3A_129] : memref<32x125x80xi32, #tpu.memory_space<hbm>> -> memref<1x25x80xi32, #tpu.memory_space<hbm>>
    %dma_start3A_131 = tpu.memref_squeeze %dma_start3A_130 : memref<1x25x80xi32, #tpu.memory_space<hbm>> -> memref<25x80xi32, #tpu.memory_space<hbm>>
    %dma_start3A_132 = arith.constant 50 : i32
    %dma_start3A_133 = arith.constant 0 : i32
    %dma_start3A_134 = tpu.memref_slice %arg4[%add3A, %dma_start3A_132, %dma_start3A_133] : memref<32x125x80xi32, #tpu.memory_space<hbm>> -> memref<1x25x80xi32, #tpu.memory_space<hbm>>
    %dma_start3A_135 = tpu.memref_squeeze %dma_start3A_134 : memref<1x25x80xi32, #tpu.memory_space<hbm>> -> memref<25x80xi32, #tpu.memory_space<hbm>>
    tpu.enqueue_dma source(%dma_start3A_135 : memref<25x80xi32, #tpu.memory_space<hbm>>) target(%arg8 : memref<25x80xi32, #tpu.memory_space<vmem>>) target_semaphore(%arg17 : memref<!tpu.dma_semaphore, #tpu.memory_space<semaphore_mem>>)
    %dma_start3A_136 = arith.constant 0 : i32
    %dma_start3A_137 = arith.constant 0 : i32
    %dma_start3A_138 = tpu.memref_slice %arg9[%dma_start3A_136, %dma_start3A_137] : memref<25x80xi32, #tpu.memory_space<vmem>> -> memref<1x80xi32, #tpu.memory_space<vmem>>
    %dma_start3A_139 = tpu.memref_squeeze %dma_start3A_138 : memref<1x80xi32, #tpu.memory_space<vmem>> -> memref<80xi32, #tpu.memory_space<vmem>>
    %dma_start3A_140 = arith.constant 0 : i32
    %dma_start3A_141 = arith.constant 0 : i32
    %dma_start3A_142 = tpu.memref_slice %arg2[%dma_start3A_140, %dma_start3A_141] : memref<10000x128xbf16, #tpu.memory_space<hbm>> -> memref<10000x128xbf16, #tpu.memory_space<hbm>>
    tpu.enqueue_indirect_dma source(%dma_start3A_142 : memref<10000x128xbf16, #tpu.memory_space<hbm>>) target(%arg11 : memref<80x128xbf16, #tpu.memory_space<vmem>>) offsets(%dma_start3A_139 : memref<80xi32, #tpu.memory_space<vmem>>) semaphore(%arg15 : memref<!tpu.dma_semaphore, #tpu.memory_space<semaphore_mem>>)
    %scan3A_143 = arith.constant 0 : i32
    %scan3A_144 = arith.constant 0 : i32
    %scan3A_145 = arith.constant 25 : i32
    %scan3A_146 = arith.addi %scan3A_144, %scan3A_145 : i32
    %scan3A_147 = arith.constant 1 : i32
    %scan3A_148 = scf.for %scan3A_292 = %scan3A_144 to %scan3A_146 step %scan3A_147 iter_args(%scan3A_293 = %scan3A_143) -> (i32)  : i32 {
      %rem3A = arith.constant 2 : i32
      %rem3A_294 = arith.remsi %scan3A_292, %rem3A : i32
      %eq3A_295 = arith.constant 0 : i32
      %eq3A_296 = arith.cmpi eq, %rem3A_294, %eq3A_295 : i32
      %add3A_297 = arith.constant 1 : i32
      %add3A_298 = arith.addi %scan3A_292, %add3A_297 : i32
      %lt3A = arith.constant 25 : i32
      %lt3A_299 = arith.cmpi slt, %add3A_298, %lt3A : i32
      %and3A = arith.andi %lt3A_299, %eq3A_296 : i1
      %convert_element_type3A_300 = arith.extui %and3A : i1 to i32
      %cond3A_301 = arith.constant 0 : i32
      %cond3A_302 = arith.cmpi ne, %convert_element_type3A_300, %cond3A_301 : i32
      scf.if %cond3A_302 {
        %add3A_344 = arith.constant 1 : i32
        %add3A_345 = arith.addi %scan3A_292, %add3A_344 : i32
        %dma_start3A_346 = arith.constant 0 : i32
        %dma_start3A_347 = tpu.memref_slice %arg9[%add3A_345, %dma_start3A_346] : memref<25x80xi32, #tpu.memory_space<vmem>> -> memref<1x80xi32, #tpu.memory_space<vmem>>
        %dma_start3A_348 = tpu.memref_squeeze %dma_start3A_347 : memref<1x80xi32, #tpu.memory_space<vmem>> -> memref<80xi32, #tpu.memory_space<vmem>>
        %dma_start3A_349 = arith.constant 0 : i32
        %dma_start3A_350 = arith.constant 0 : i32
        %dma_start3A_351 = tpu.memref_slice %arg2[%dma_start3A_349, %dma_start3A_350] : memref<10000x128xbf16, #tpu.memory_space<hbm>> -> memref<10000x128xbf16, #tpu.memory_space<hbm>>
        tpu.enqueue_indirect_dma source(%dma_start3A_351 : memref<10000x128xbf16, #tpu.memory_space<hbm>>) target(%arg12 : memref<80x128xbf16, #tpu.memory_space<vmem>>) offsets(%dma_start3A_348 : memref<80xi32, #tpu.memory_space<vmem>>) semaphore(%arg16 : memref<!tpu.dma_semaphore, #tpu.memory_space<semaphore_mem>>)
      } else {
      }
      %add3A_303 = arith.constant 1 : i32
      %add3A_304 = arith.addi %scan3A_292, %add3A_303 : i32
      %lt3A_305 = arith.constant 25 : i32
      %lt3A_306 = arith.cmpi slt, %add3A_304, %lt3A_305 : i32
      %not3A = arith.constant true
      %not3A_307 = arith.xori %eq3A_296, %not3A : i1
      %and3A_308 = arith.andi %lt3A_306, %not3A_307 : i1
      %convert_element_type3A_309 = arith.extui %and3A_308 : i1 to i32
      %cond3A_310 = arith.constant 0 : i32
      %cond3A_311 = arith.cmpi ne, %convert_element_type3A_309, %cond3A_310 : i32
      scf.if %cond3A_311 {
        %add3A_344 = arith.constant 1 : i32
        %add3A_345 = arith.addi %scan3A_292, %add3A_344 : i32
        %dma_start3A_346 = arith.constant 0 : i32
        %dma_start3A_347 = tpu.memref_slice %arg9[%add3A_345, %dma_start3A_346] : memref<25x80xi32, #tpu.memory_space<vmem>> -> memref<1x80xi32, #tpu.memory_space<vmem>>
        %dma_start3A_348 = tpu.memref_squeeze %dma_start3A_347 : memref<1x80xi32, #tpu.memory_space<vmem>> -> memref<80xi32, #tpu.memory_space<vmem>>
        %dma_start3A_349 = arith.constant 0 : i32
        %dma_start3A_350 = arith.constant 0 : i32
        %dma_start3A_351 = tpu.memref_slice %arg2[%dma_start3A_349, %dma_start3A_350] : memref<10000x128xbf16, #tpu.memory_space<hbm>> -> memref<10000x128xbf16, #tpu.memory_space<hbm>>
        tpu.enqueue_indirect_dma source(%dma_start3A_351 : memref<10000x128xbf16, #tpu.memory_space<hbm>>) target(%arg11 : memref<80x128xbf16, #tpu.memory_space<vmem>>) offsets(%dma_start3A_348 : memref<80xi32, #tpu.memory_space<vmem>>) semaphore(%arg15 : memref<!tpu.dma_semaphore, #tpu.memory_space<semaphore_mem>>)
      } else {
      }
      %get3A = arith.index_cast %scan3A_292 : i32 to index
      %get3A_312 = arith.constant 0 : index
      %get3A_313 = tpu.vector_load %arg10[%get3A, %get3A_312] {strides = array<i32>} : memref<25x80xi32, #tpu.memory_space<vmem>>, vector<16xi32>,
      %broadcast_in_dim3A = arith.constant 1.000000e+00 : f32
      %broadcast_in_dim3A_314 = vector.broadcast %broadcast_in_dim3A : f32 to vector<16xf32>
      tpu.vector_store_idx %arg13[%get3A_313], %broadcast_in_dim3A_314 {add = true} : memref<10000xf32, #tpu.memory_space<vmem>>[vector<16xi32>], vector<16xf32>,
      %get3A_315 = arith.index_cast %scan3A_292 : i32 to index
      %get3A_316 = arith.constant 16 : index
      %get3A_317 = tpu.vector_load %arg10[%get3A_315, %get3A_316] {strides = array<i32>} : memref<25x80xi32, #tpu.memory_space<vmem>>, vector<16xi32>,
      %broadcast_in_dim3A_318 = arith.constant 1.000000e+00 : f32
      %broadcast_in_dim3A_319 = vector.broadcast %broadcast_in_dim3A_318 : f32 to vector<16xf32>
      tpu.vector_store_idx %arg13[%get3A_317], %broadcast_in_dim3A_319 {add = true} : memref<10000xf32, #tpu.memory_space<vmem>>[vector<16xi32>], vector<16xf32>,
      %get3A_320 = arith.index_cast %scan3A_292 : i32 to index
      %get3A_321 = arith.constant 32 : index
      %get3A_322 = tpu.vector_load %arg10[%get3A_320, %get3A_321] {strides = array<i32>} : memref<25x80xi32, #tpu.memory_space<vmem>>, vector<16xi32>,
      %broadcast_in_dim3A_323 = arith.constant 1.000000e+00 : f32
      %broadcast_in_dim3A_324 = vector.broadcast %broadcast_in_dim3A_323 : f32 to vector<16xf32>
      tpu.vector_store_idx %arg13[%get3A_322], %broadcast_in_dim3A_324 {add = true} : memref<10000xf32, #tpu.memory_space<vmem>>[vector<16xi32>], vector<16xf32>,
      %get3A_325 = arith.index_cast %scan3A_292 : i32 to index
      %get3A_326 = arith.constant 48 : index
      %get3A_327 = tpu.vector_load %arg10[%get3A_325, %get3A_326] {strides = array<i32>} : memref<25x80xi32, #tpu.memory_space<vmem>>, vector<16xi32>,
      %broadcast_in_dim3A_328 = arith.constant 1.000000e+00 : f32
      %broadcast_in_dim3A_329 = vector.broadcast %broadcast_in_dim3A_328 : f32 to vector<16xf32>
      tpu.vector_store_idx %arg13[%get3A_327], %broadcast_in_dim3A_329 {add = true} : memref<10000xf32, #tpu.memory_space<vmem>>[vector<16xi32>], vector<16xf32>,
      %get3A_330 = arith.index_cast %scan3A_292 : i32 to index
      %get3A_331 = arith.constant 64 : index
      %get3A_332 = tpu.vector_load %arg10[%get3A_330, %get3A_331] {strides = array<i32>} : memref<25x80xi32, #tpu.memory_space<vmem>>, vector<16xi32>,
      %broadcast_in_dim3A_333 = arith.constant 1.000000e+00 : f32
      %broadcast_in_dim3A_334 = vector.broadcast %broadcast_in_dim3A_333 : f32 to vector<16xf32>
      tpu.vector_store_idx %arg13[%get3A_332], %broadcast_in_dim3A_334 {add = true} : memref<10000xf32, #tpu.memory_space<vmem>>[vector<16xi32>], vector<16xf32>,
      %convert_element_type3A_335 = arith.extui %eq3A_296 : i1 to i32
      %cond3A_336 = arith.constant 0 : i32
      %cond3A_337 = arith.cmpi ne, %convert_element_type3A_335, %cond3A_336 : i32
      scf.if %cond3A_337 {
        %dma_wait3A_344 = arith.constant 0 : i32
        %dma_wait3A_345 = tpu.memref_slice %arg9[%scan3A_292, %dma_wait3A_344] : memref<25x80xi32, #tpu.memory_space<vmem>> -> memref<1x80xi32, #tpu.memory_space<vmem>>
        %dma_wait3A_346 = tpu.memref_squeeze %dma_wait3A_345 : memref<1x80xi32, #tpu.memory_space<vmem>> -> memref<80xi32, #tpu.memory_space<vmem>>
        %dma_wait3A_347 = arith.constant 0 : i32
        %dma_wait3A_348 = arith.constant 0 : i32
        %dma_wait3A_349 = tpu.memref_slice %arg2[%dma_wait3A_347, %dma_wait3A_348] : memref<10000x128xbf16, #tpu.memory_space<hbm>> -> memref<10000x128xbf16, #tpu.memory_space<hbm>>
        tpu.wait_indirect_dma semaphore(%arg15 : memref<!tpu.dma_semaphore, #tpu.memory_space<semaphore_mem>>) src(%dma_wait3A_349 : memref<10000x128xbf16, #tpu.memory_space<hbm>>) dst(%arg11 : memref<80x128xbf16, #tpu.memory_space<vmem>>)
        "tpu.region"() ({
          %run_scoped3A = tpu.sem_alloc : memref<!tpu.dma_semaphore, #tpu.memory_space<semaphore_mem>>
          %dma_start3A_350 = arith.constant 0 : i32
          %dma_start3A_351 = tpu.memref_slice %arg10[%scan3A_292, %dma_start3A_350] : memref<25x80xi32, #tpu.memory_space<vmem>> -> memref<1x80xi32, #tpu.memory_space<vmem>>
          %dma_start3A_352 = tpu.memref_squeeze %dma_start3A_351 : memref<1x80xi32, #tpu.memory_space<vmem>> -> memref<80xi32, #tpu.memory_space<vmem>>
          %dma_start3A_353 = arith.constant 0 : i32
          %dma_start3A_354 = arith.constant 0 : i32
          %dma_start3A_355 = tpu.memref_slice %arg14[%dma_start3A_353, %dma_start3A_354] : memref<10000x128xbf16, #tpu.memory_space<vmem_shared>> -> memref<10000x128xbf16, #tpu.memory_space<vmem_shared>>
          tpu.enqueue_indirect_dma source(%arg11 : memref<80x128xbf16, #tpu.memory_space<vmem>>) target(%dma_start3A_355 : memref<10000x128xbf16, #tpu.memory_space<vmem_shared>>) offsets(%dma_start3A_352 : memref<80xi32, #tpu.memory_space<vmem>>) semaphore(%run_scoped3A : memref<!tpu.dma_semaphore, #tpu.memory_space<semaphore_mem>>) {add = true}
          %dma_wait3A_356 = arith.constant 0 : i32
          %dma_wait3A_357 = tpu.memref_slice %arg10[%scan3A_292, %dma_wait3A_356] : memref<25x80xi32, #tpu.memory_space<vmem>> -> memref<1x80xi32, #tpu.memory_space<vmem>>
          %dma_wait3A_358 = tpu.memref_squeeze %dma_wait3A_357 : memref<1x80xi32, #tpu.memory_space<vmem>> -> memref<80xi32, #tpu.memory_space<vmem>>
          %dma_wait3A_359 = arith.constant 0 : i32
          %dma_wait3A_360 = arith.constant 0 : i32
          %dma_wait3A_361 = tpu.memref_slice %arg14[%dma_wait3A_359, %dma_wait3A_360] : memref<10000x128xbf16, #tpu.memory_space<vmem_shared>> -> memref<10000x128xbf16, #tpu.memory_space<vmem_shared>>
          tpu.wait_indirect_dma semaphore(%run_scoped3A : memref<!tpu.dma_semaphore, #tpu.memory_space<semaphore_mem>>) src(%arg11 : memref<80x128xbf16, #tpu.memory_space<vmem>>) dst(%dma_wait3A_361 : memref<10000x128xbf16, #tpu.memory_space<vmem_shared>>)
          tpu.yield
        }) : () -> ()
      } else {
      }
      %not3A_338 = arith.constant true
      %not3A_339 = arith.xori %eq3A_296, %not3A_338 : i1
      %convert_element_type3A_340 = arith.extui %not3A_339 : i1 to i32
      %cond3A_341 = arith.constant 0 : i32
      %cond3A_342 = arith.cmpi ne, %convert_element_type3A_340, %cond3A_341 : i32
      scf.if %cond3A_342 {
        %dma_wait3A_344 = arith.constant 0 : i32
        %dma_wait3A_345 = tpu.memref_slice %arg9[%scan3A_292, %dma_wait3A_344] : memref<25x80xi32, #tpu.memory_space<vmem>> -> memref<1x80xi32, #tpu.memory_space<vmem>>
        %dma_wait3A_346 = tpu.memref_squeeze %dma_wait3A_345 : memref<1x80xi32, #tpu.memory_space<vmem>> -> memref<80xi32, #tpu.memory_space<vmem>>
        %dma_wait3A_347 = arith.constant 0 : i32
        %dma_wait3A_348 = arith.constant 0 : i32
        %dma_wait3A_349 = tpu.memref_slice %arg2[%dma_wait3A_347, %dma_wait3A_348] : memref<10000x128xbf16, #tpu.memory_space<hbm>> -> memref<10000x128xbf16, #tpu.memory_space<hbm>>
        tpu.wait_indirect_dma semaphore(%arg16 : memref<!tpu.dma_semaphore, #tpu.memory_space<semaphore_mem>>) src(%dma_wait3A_349 : memref<10000x128xbf16, #tpu.memory_space<hbm>>) dst(%arg12 : memref<80x128xbf16, #tpu.memory_space<vmem>>)
        "tpu.region"() ({
          %run_scoped3A = tpu.sem_alloc : memref<!tpu.dma_semaphore, #tpu.memory_space<semaphore_mem>>
          %dma_start3A_350 = arith.constant 0 : i32
          %dma_start3A_351 = tpu.memref_slice %arg10[%scan3A_292, %dma_start3A_350] : memref<25x80xi32, #tpu.memory_space<vmem>> -> memref<1x80xi32, #tpu.memory_space<vmem>>
          %dma_start3A_352 = tpu.memref_squeeze %dma_start3A_351 : memref<1x80xi32, #tpu.memory_space<vmem>> -> memref<80xi32, #tpu.memory_space<vmem>>
          %dma_start3A_353 = arith.constant 0 : i32
          %dma_start3A_354 = arith.constant 0 : i32
          %dma_start3A_355 = tpu.memref_slice %arg14[%dma_start3A_353, %dma_start3A_354] : memref<10000x128xbf16, #tpu.memory_space<vmem_shared>> -> memref<10000x128xbf16, #tpu.memory_space<vmem_shared>>
          tpu.enqueue_indirect_dma source(%arg12 : memref<80x128xbf16, #tpu.memory_space<vmem>>) target(%dma_start3A_355 : memref<10000x128xbf16, #tpu.memory_space<vmem_shared>>) offsets(%dma_start3A_352 : memref<80xi32, #tpu.memory_space<vmem>>) semaphore(%run_scoped3A : memref<!tpu.dma_semaphore, #tpu.memory_space<semaphore_mem>>) {add = true}
          %dma_wait3A_356 = arith.constant 0 : i32
          %dma_wait3A_357 = tpu.memref_slice %arg10[%scan3A_292, %dma_wait3A_356] : memref<25x80xi32, #tpu.memory_space<vmem>> -> memref<1x80xi32, #tpu.memory_space<vmem>>
          %dma_wait3A_358 = tpu.memref_squeeze %dma_wait3A_357 : memref<1x80xi32, #tpu.memory_space<vmem>> -> memref<80xi32, #tpu.memory_space<vmem>>
          %dma_wait3A_359 = arith.constant 0 : i32
          %dma_wait3A_360 = arith.constant 0 : i32
          %dma_wait3A_361 = tpu.memref_slice %arg14[%dma_wait3A_359, %dma_wait3A_360] : memref<10000x128xbf16, #tpu.memory_space<vmem_shared>> -> memref<10000x128xbf16, #tpu.memory_space<vmem_shared>>
          tpu.wait_indirect_dma semaphore(%run_scoped3A : memref<!tpu.dma_semaphore, #tpu.memory_space<semaphore_mem>>) src(%arg12 : memref<80x128xbf16, #tpu.memory_space<vmem>>) dst(%dma_wait3A_361 : memref<10000x128xbf16, #tpu.memory_space<vmem_shared>>)
          tpu.yield
        }) : () -> ()
      } else {
      }
      %scan3A_343 = arith.constant 0 : i32
      scf.yield %scan3A_343 : i32
    }
    %scan3A_149 = arith.constant 25 : i32
    %dma_wait3A_150 = arith.constant 50 : i32
    %dma_wait3A_151 = arith.constant 0 : i32
    %dma_wait3A_152 = tpu.memref_slice %arg3[%add3A, %dma_wait3A_150, %dma_wait3A_151] : memref<32x125x80xi32, #tpu.memory_space<hbm>> -> memref<1x25x80xi32, #tpu.memory_space<hbm>>
    %dma_wait3A_153 = tpu.memref_squeeze %dma_wait3A_152 : memref<1x25x80xi32, #tpu.memory_space<hbm>> -> memref<25x80xi32, #tpu.memory_space<hbm>>
    %dma_wait3A_154 = arith.constant 50 : i32
    %dma_wait3A_155 = arith.constant 0 : i32
    %dma_wait3A_156 = tpu.memref_slice %arg3[%add3A, %dma_wait3A_154, %dma_wait3A_155] : memref<32x125x80xi32, #tpu.memory_space<hbm>> -> memref<1x25x80xi32, #tpu.memory_space<hbm>>
    %dma_wait3A_157 = tpu.memref_squeeze %dma_wait3A_156 : memref<1x25x80xi32, #tpu.memory_space<hbm>> -> memref<25x80xi32, #tpu.memory_space<hbm>>
    tpu.wait_dma2 semaphore(%arg17 : memref<!tpu.dma_semaphore, #tpu.memory_space<semaphore_mem>>) src(%dma_wait3A_157 : memref<25x80xi32, #tpu.memory_space<hbm>>) dst(%arg7 : memref<25x80xi32, #tpu.memory_space<vmem>>)
    %dma_wait3A_158 = arith.constant 50 : i32
    %dma_wait3A_159 = arith.constant 0 : i32
    %dma_wait3A_160 = tpu.memref_slice %arg4[%add3A, %dma_wait3A_158, %dma_wait3A_159] : memref<32x125x80xi32, #tpu.memory_space<hbm>> -> memref<1x25x80xi32, #tpu.memory_space<hbm>>
    %dma_wait3A_161 = tpu.memref_squeeze %dma_wait3A_160 : memref<1x25x80xi32, #tpu.memory_space<hbm>> -> memref<25x80xi32, #tpu.memory_space<hbm>>
    %dma_wait3A_162 = arith.constant 50 : i32
    %dma_wait3A_163 = arith.constant 0 : i32
    %dma_wait3A_164 = tpu.memref_slice %arg4[%add3A, %dma_wait3A_162, %dma_wait3A_163] : memref<32x125x80xi32, #tpu.memory_space<hbm>> -> memref<1x25x80xi32, #tpu.memory_space<hbm>>
    %dma_wait3A_165 = tpu.memref_squeeze %dma_wait3A_164 : memref<1x25x80xi32, #tpu.memory_space<hbm>> -> memref<25x80xi32, #tpu.memory_space<hbm>>
    tpu.wait_dma2 semaphore(%arg17 : memref<!tpu.dma_semaphore, #tpu.memory_space<semaphore_mem>>) src(%dma_wait3A_165 : memref<25x80xi32, #tpu.memory_space<hbm>>) dst(%arg8 : memref<25x80xi32, #tpu.memory_space<vmem>>)
    %dma_start3A_166 = arith.constant 75 : i32
    %dma_start3A_167 = arith.constant 0 : i32
    %dma_start3A_168 = tpu.memref_slice %arg3[%add3A, %dma_start3A_166, %dma_start3A_167] : memref<32x125x80xi32, #tpu.memory_space<hbm>> -> memref<1x25x80xi32, #tpu.memory_space<hbm>>
    %dma_start3A_169 = tpu.memref_squeeze %dma_start3A_168 : memref<1x25x80xi32, #tpu.memory_space<hbm>> -> memref<25x80xi32, #tpu.memory_space<hbm>>
    %dma_start3A_170 = arith.constant 75 : i32
    %dma_start3A_171 = arith.constant 0 : i32
    %dma_start3A_172 = tpu.memref_slice %arg3[%add3A, %dma_start3A_170, %dma_start3A_171] : memref<32x125x80xi32, #tpu.memory_space<hbm>> -> memref<1x25x80xi32, #tpu.memory_space<hbm>>
    %dma_start3A_173 = tpu.memref_squeeze %dma_start3A_172 : memref<1x25x80xi32, #tpu.memory_space<hbm>> -> memref<25x80xi32, #tpu.memory_space<hbm>>
    tpu.enqueue_dma source(%dma_start3A_173 : memref<25x80xi32, #tpu.memory_space<hbm>>) target(%arg9 : memref<25x80xi32, #tpu.memory_space<vmem>>) target_semaphore(%arg18 : memref<!tpu.dma_semaphore, #tpu.memory_space<semaphore_mem>>)
    %dma_start3A_174 = arith.constant 75 : i32
    %dma_start3A_175 = arith.constant 0 : i32
    %dma_start3A_176 = tpu.memref_slice %arg4[%add3A, %dma_start3A_174, %dma_start3A_175] : memref<32x125x80xi32, #tpu.memory_space<hbm>> -> memref<1x25x80xi32, #tpu.memory_space<hbm>>
    %dma_start3A_177 = tpu.memref_squeeze %dma_start3A_176 : memref<1x25x80xi32, #tpu.memory_space<hbm>> -> memref<25x80xi32, #tpu.memory_space<hbm>>
    %dma_start3A_178 = arith.constant 75 : i32
    %dma_start3A_179 = arith.constant 0 : i32
    %dma_start3A_180 = tpu.memref_slice %arg4[%add3A, %dma_start3A_178, %dma_start3A_179] : memref<32x125x80xi32, #tpu.memory_space<hbm>> -> memref<1x25x80xi32, #tpu.memory_space<hbm>>
    %dma_start3A_181 = tpu.memref_squeeze %dma_start3A_180 : memref<1x25x80xi32, #tpu.memory_space<hbm>> -> memref<25x80xi32, #tpu.memory_space<hbm>>
    tpu.enqueue_dma source(%dma_start3A_181 : memref<25x80xi32, #tpu.memory_space<hbm>>) target(%arg10 : memref<25x80xi32, #tpu.memory_space<vmem>>) target_semaphore(%arg18 : memref<!tpu.dma_semaphore, #tpu.memory_space<semaphore_mem>>)
    %dma_start3A_182 = arith.constant 0 : i32
    %dma_start3A_183 = arith.constant 0 : i32
    %dma_start3A_184 = tpu.memref_slice %arg7[%dma_start3A_182, %dma_start3A_183] : memref<25x80xi32, #tpu.memory_space<vmem>> -> memref<1x80xi32, #tpu.memory_space<vmem>>
    %dma_start3A_185 = tpu.memref_squeeze %dma_start3A_184 : memref<1x80xi32, #tpu.memory_space<vmem>> -> memref<80xi32, #tpu.memory_space<vmem>>
    %dma_start3A_186 = arith.constant 0 : i32
    %dma_start3A_187 = arith.constant 0 : i32
    %dma_start3A_188 = tpu.memref_slice %arg2[%dma_start3A_186, %dma_start3A_187] : memref<10000x128xbf16, #tpu.memory_space<hbm>> -> memref<10000x128xbf16, #tpu.memory_space<hbm>>
    tpu.enqueue_indirect_dma source(%dma_start3A_188 : memref<10000x128xbf16, #tpu.memory_space<hbm>>) target(%arg11 : memref<80x128xbf16, #tpu.memory_space<vmem>>) offsets(%dma_start3A_185 : memref<80xi32, #tpu.memory_space<vmem>>) semaphore(%arg15 : memref<!tpu.dma_semaphore, #tpu.memory_space<semaphore_mem>>)
    %scan3A_189 = arith.constant 0 : i32
    %scan3A_190 = arith.constant 0 : i32
    %scan3A_191 = arith.constant 25 : i32
    %scan3A_192 = arith.addi %scan3A_190, %scan3A_191 : i32
    %scan3A_193 = arith.constant 1 : i32
    %scan3A_194 = scf.for %scan3A_292 = %scan3A_190 to %scan3A_192 step %scan3A_193 iter_args(%scan3A_293 = %scan3A_189) -> (i32)  : i32 {
      %rem3A = arith.constant 2 : i32
      %rem3A_294 = arith.remsi %scan3A_292, %rem3A : i32
      %eq3A_295 = arith.constant 0 : i32
      %eq3A_296 = arith.cmpi eq, %rem3A_294, %eq3A_295 : i32
      %add3A_297 = arith.constant 1 : i32
      %add3A_298 = arith.addi %scan3A_292, %add3A_297 : i32
      %lt3A = arith.constant 25 : i32
      %lt3A_299 = arith.cmpi slt, %add3A_298, %lt3A : i32
      %and3A = arith.andi %lt3A_299, %eq3A_296 : i1
      %convert_element_type3A_300 = arith.extui %and3A : i1 to i32
      %cond3A_301 = arith.constant 0 : i32
      %cond3A_302 = arith.cmpi ne, %convert_element_type3A_300, %cond3A_301 : i32
      scf.if %cond3A_302 {
        %add3A_344 = arith.constant 1 : i32
        %add3A_345 = arith.addi %scan3A_292, %add3A_344 : i32
        %dma_start3A_346 = arith.constant 0 : i32
        %dma_start3A_347 = tpu.memref_slice %arg7[%add3A_345, %dma_start3A_346] : memref<25x80xi32, #tpu.memory_space<vmem>> -> memref<1x80xi32, #tpu.memory_space<vmem>>
        %dma_start3A_348 = tpu.memref_squeeze %dma_start3A_347 : memref<1x80xi32, #tpu.memory_space<vmem>> -> memref<80xi32, #tpu.memory_space<vmem>>
        %dma_start3A_349 = arith.constant 0 : i32
        %dma_start3A_350 = arith.constant 0 : i32
        %dma_start3A_351 = tpu.memref_slice %arg2[%dma_start3A_349, %dma_start3A_350] : memref<10000x128xbf16, #tpu.memory_space<hbm>> -> memref<10000x128xbf16, #tpu.memory_space<hbm>>
        tpu.enqueue_indirect_dma source(%dma_start3A_351 : memref<10000x128xbf16, #tpu.memory_space<hbm>>) target(%arg12 : memref<80x128xbf16, #tpu.memory_space<vmem>>) offsets(%dma_start3A_348 : memref<80xi32, #tpu.memory_space<vmem>>) semaphore(%arg16 : memref<!tpu.dma_semaphore, #tpu.memory_space<semaphore_mem>>)
      } else {
      }
      %add3A_303 = arith.constant 1 : i32
      %add3A_304 = arith.addi %scan3A_292, %add3A_303 : i32
      %lt3A_305 = arith.constant 25 : i32
      %lt3A_306 = arith.cmpi slt, %add3A_304, %lt3A_305 : i32
      %not3A = arith.constant true
      %not3A_307 = arith.xori %eq3A_296, %not3A : i1
      %and3A_308 = arith.andi %lt3A_306, %not3A_307 : i1
      %convert_element_type3A_309 = arith.extui %and3A_308 : i1 to i32
      %cond3A_310 = arith.constant 0 : i32
      %cond3A_311 = arith.cmpi ne, %convert_element_type3A_309, %cond3A_310 : i32
      scf.if %cond3A_311 {
        %add3A_344 = arith.constant 1 : i32
        %add3A_345 = arith.addi %scan3A_292, %add3A_344 : i32
        %dma_start3A_346 = arith.constant 0 : i32
        %dma_start3A_347 = tpu.memref_slice %arg7[%add3A_345, %dma_start3A_346] : memref<25x80xi32, #tpu.memory_space<vmem>> -> memref<1x80xi32, #tpu.memory_space<vmem>>
        %dma_start3A_348 = tpu.memref_squeeze %dma_start3A_347 : memref<1x80xi32, #tpu.memory_space<vmem>> -> memref<80xi32, #tpu.memory_space<vmem>>
        %dma_start3A_349 = arith.constant 0 : i32
        %dma_start3A_350 = arith.constant 0 : i32
        %dma_start3A_351 = tpu.memref_slice %arg2[%dma_start3A_349, %dma_start3A_350] : memref<10000x128xbf16, #tpu.memory_space<hbm>> -> memref<10000x128xbf16, #tpu.memory_space<hbm>>
        tpu.enqueue_indirect_dma source(%dma_start3A_351 : memref<10000x128xbf16, #tpu.memory_space<hbm>>) target(%arg11 : memref<80x128xbf16, #tpu.memory_space<vmem>>) offsets(%dma_start3A_348 : memref<80xi32, #tpu.memory_space<vmem>>) semaphore(%arg15 : memref<!tpu.dma_semaphore, #tpu.memory_space<semaphore_mem>>)
      } else {
      }
      %get3A = arith.index_cast %scan3A_292 : i32 to index
      %get3A_312 = arith.constant 0 : index
      %get3A_313 = tpu.vector_load %arg8[%get3A, %get3A_312] {strides = array<i32>} : memref<25x80xi32, #tpu.memory_space<vmem>>, vector<16xi32>,
      %broadcast_in_dim3A = arith.constant 1.000000e+00 : f32
      %broadcast_in_dim3A_314 = vector.broadcast %broadcast_in_dim3A : f32 to vector<16xf32>
      tpu.vector_store_idx %arg13[%get3A_313], %broadcast_in_dim3A_314 {add = true} : memref<10000xf32, #tpu.memory_space<vmem>>[vector<16xi32>], vector<16xf32>,
      %get3A_315 = arith.index_cast %scan3A_292 : i32 to index
      %get3A_316 = arith.constant 16 : index
      %get3A_317 = tpu.vector_load %arg8[%get3A_315, %get3A_316] {strides = array<i32>} : memref<25x80xi32, #tpu.memory_space<vmem>>, vector<16xi32>,
      %broadcast_in_dim3A_318 = arith.constant 1.000000e+00 : f32
      %broadcast_in_dim3A_319 = vector.broadcast %broadcast_in_dim3A_318 : f32 to vector<16xf32>
      tpu.vector_store_idx %arg13[%get3A_317], %broadcast_in_dim3A_319 {add = true} : memref<10000xf32, #tpu.memory_space<vmem>>[vector<16xi32>], vector<16xf32>,
      %get3A_320 = arith.index_cast %scan3A_292 : i32 to index
      %get3A_321 = arith.constant 32 : index
      %get3A_322 = tpu.vector_load %arg8[%get3A_320, %get3A_321] {strides = array<i32>} : memref<25x80xi32, #tpu.memory_space<vmem>>, vector<16xi32>,
      %broadcast_in_dim3A_323 = arith.constant 1.000000e+00 : f32
      %broadcast_in_dim3A_324 = vector.broadcast %broadcast_in_dim3A_323 : f32 to vector<16xf32>
      tpu.vector_store_idx %arg13[%get3A_322], %broadcast_in_dim3A_324 {add = true} : memref<10000xf32, #tpu.memory_space<vmem>>[vector<16xi32>], vector<16xf32>,
      %get3A_325 = arith.index_cast %scan3A_292 : i32 to index
      %get3A_326 = arith.constant 48 : index
      %get3A_327 = tpu.vector_load %arg8[%get3A_325, %get3A_326] {strides = array<i32>} : memref<25x80xi32, #tpu.memory_space<vmem>>, vector<16xi32>,
      %broadcast_in_dim3A_328 = arith.constant 1.000000e+00 : f32
      %broadcast_in_dim3A_329 = vector.broadcast %broadcast_in_dim3A_328 : f32 to vector<16xf32>
      tpu.vector_store_idx %arg13[%get3A_327], %broadcast_in_dim3A_329 {add = true} : memref<10000xf32, #tpu.memory_space<vmem>>[vector<16xi32>], vector<16xf32>,
      %get3A_330 = arith.index_cast %scan3A_292 : i32 to index
      %get3A_331 = arith.constant 64 : index
      %get3A_332 = tpu.vector_load %arg8[%get3A_330, %get3A_331] {strides = array<i32>} : memref<25x80xi32, #tpu.memory_space<vmem>>, vector<16xi32>,
      %broadcast_in_dim3A_333 = arith.constant 1.000000e+00 : f32
      %broadcast_in_dim3A_334 = vector.broadcast %broadcast_in_dim3A_333 : f32 to vector<16xf32>
      tpu.vector_store_idx %arg13[%get3A_332], %broadcast_in_dim3A_334 {add = true} : memref<10000xf32, #tpu.memory_space<vmem>>[vector<16xi32>], vector<16xf32>,
      %convert_element_type3A_335 = arith.extui %eq3A_296 : i1 to i32
      %cond3A_336 = arith.constant 0 : i32
      %cond3A_337 = arith.cmpi ne, %convert_element_type3A_335, %cond3A_336 : i32
      scf.if %cond3A_337 {
        %dma_wait3A_344 = arith.constant 0 : i32
        %dma_wait3A_345 = tpu.memref_slice %arg7[%scan3A_292, %dma_wait3A_344] : memref<25x80xi32, #tpu.memory_space<vmem>> -> memref<1x80xi32, #tpu.memory_space<vmem>>
        %dma_wait3A_346 = tpu.memref_squeeze %dma_wait3A_345 : memref<1x80xi32, #tpu.memory_space<vmem>> -> memref<80xi32, #tpu.memory_space<vmem>>
        %dma_wait3A_347 = arith.constant 0 : i32
        %dma_wait3A_348 = arith.constant 0 : i32
        %dma_wait3A_349 = tpu.memref_slice %arg2[%dma_wait3A_347, %dma_wait3A_348] : memref<10000x128xbf16, #tpu.memory_space<hbm>> -> memref<10000x128xbf16, #tpu.memory_space<hbm>>
        tpu.wait_indirect_dma semaphore(%arg15 : memref<!tpu.dma_semaphore, #tpu.memory_space<semaphore_mem>>) src(%dma_wait3A_349 : memref<10000x128xbf16, #tpu.memory_space<hbm>>) dst(%arg11 : memref<80x128xbf16, #tpu.memory_space<vmem>>)
        "tpu.region"() ({
          %run_scoped3A = tpu.sem_alloc : memref<!tpu.dma_semaphore, #tpu.memory_space<semaphore_mem>>
          %dma_start3A_350 = arith.constant 0 : i32
          %dma_start3A_351 = tpu.memref_slice %arg8[%scan3A_292, %dma_start3A_350] : memref<25x80xi32, #tpu.memory_space<vmem>> -> memref<1x80xi32, #tpu.memory_space<vmem>>
          %dma_start3A_352 = tpu.memref_squeeze %dma_start3A_351 : memref<1x80xi32, #tpu.memory_space<vmem>> -> memref<80xi32, #tpu.memory_space<vmem>>
          %dma_start3A_353 = arith.constant 0 : i32
          %dma_start3A_354 = arith.constant 0 : i32
          %dma_start3A_355 = tpu.memref_slice %arg14[%dma_start3A_353, %dma_start3A_354] : memref<10000x128xbf16, #tpu.memory_space<vmem_shared>> -> memref<10000x128xbf16, #tpu.memory_space<vmem_shared>>
          tpu.enqueue_indirect_dma source(%arg11 : memref<80x128xbf16, #tpu.memory_space<vmem>>) target(%dma_start3A_355 : memref<10000x128xbf16, #tpu.memory_space<vmem_shared>>) offsets(%dma_start3A_352 : memref<80xi32, #tpu.memory_space<vmem>>) semaphore(%run_scoped3A : memref<!tpu.dma_semaphore, #tpu.memory_space<semaphore_mem>>) {add = true}
          %dma_wait3A_356 = arith.constant 0 : i32
          %dma_wait3A_357 = tpu.memref_slice %arg8[%scan3A_292, %dma_wait3A_356] : memref<25x80xi32, #tpu.memory_space<vmem>> -> memref<1x80xi32, #tpu.memory_space<vmem>>
          %dma_wait3A_358 = tpu.memref_squeeze %dma_wait3A_357 : memref<1x80xi32, #tpu.memory_space<vmem>> -> memref<80xi32, #tpu.memory_space<vmem>>
          %dma_wait3A_359 = arith.constant 0 : i32
          %dma_wait3A_360 = arith.constant 0 : i32
          %dma_wait3A_361 = tpu.memref_slice %arg14[%dma_wait3A_359, %dma_wait3A_360] : memref<10000x128xbf16, #tpu.memory_space<vmem_shared>> -> memref<10000x128xbf16, #tpu.memory_space<vmem_shared>>
          tpu.wait_indirect_dma semaphore(%run_scoped3A : memref<!tpu.dma_semaphore, #tpu.memory_space<semaphore_mem>>) src(%arg11 : memref<80x128xbf16, #tpu.memory_space<vmem>>) dst(%dma_wait3A_361 : memref<10000x128xbf16, #tpu.memory_space<vmem_shared>>)
          tpu.yield
        }) : () -> ()
      } else {
      }
      %not3A_338 = arith.constant true
      %not3A_339 = arith.xori %eq3A_296, %not3A_338 : i1
      %convert_element_type3A_340 = arith.extui %not3A_339 : i1 to i32
      %cond3A_341 = arith.constant 0 : i32
      %cond3A_342 = arith.cmpi ne, %convert_element_type3A_340, %cond3A_341 : i32
      scf.if %cond3A_342 {
        %dma_wait3A_344 = arith.constant 0 : i32
        %dma_wait3A_345 = tpu.memref_slice %arg7[%scan3A_292, %dma_wait3A_344] : memref<25x80xi32, #tpu.memory_space<vmem>> -> memref<1x80xi32, #tpu.memory_space<vmem>>
        %dma_wait3A_346 = tpu.memref_squeeze %dma_wait3A_345 : memref<1x80xi32, #tpu.memory_space<vmem>> -> memref<80xi32, #tpu.memory_space<vmem>>
        %dma_wait3A_347 = arith.constant 0 : i32
        %dma_wait3A_348 = arith.constant 0 : i32
        %dma_wait3A_349 = tpu.memref_slice %arg2[%dma_wait3A_347, %dma_wait3A_348] : memref<10000x128xbf16, #tpu.memory_space<hbm>> -> memref<10000x128xbf16, #tpu.memory_space<hbm>>
        tpu.wait_indirect_dma semaphore(%arg16 : memref<!tpu.dma_semaphore, #tpu.memory_space<semaphore_mem>>) src(%dma_wait3A_349 : memref<10000x128xbf16, #tpu.memory_space<hbm>>) dst(%arg12 : memref<80x128xbf16, #tpu.memory_space<vmem>>)
        "tpu.region"() ({
          %run_scoped3A = tpu.sem_alloc : memref<!tpu.dma_semaphore, #tpu.memory_space<semaphore_mem>>
          %dma_start3A_350 = arith.constant 0 : i32
          %dma_start3A_351 = tpu.memref_slice %arg8[%scan3A_292, %dma_start3A_350] : memref<25x80xi32, #tpu.memory_space<vmem>> -> memref<1x80xi32, #tpu.memory_space<vmem>>
          %dma_start3A_352 = tpu.memref_squeeze %dma_start3A_351 : memref<1x80xi32, #tpu.memory_space<vmem>> -> memref<80xi32, #tpu.memory_space<vmem>>
          %dma_start3A_353 = arith.constant 0 : i32
          %dma_start3A_354 = arith.constant 0 : i32
          %dma_start3A_355 = tpu.memref_slice %arg14[%dma_start3A_353, %dma_start3A_354] : memref<10000x128xbf16, #tpu.memory_space<vmem_shared>> -> memref<10000x128xbf16, #tpu.memory_space<vmem_shared>>
          tpu.enqueue_indirect_dma source(%arg12 : memref<80x128xbf16, #tpu.memory_space<vmem>>) target(%dma_start3A_355 : memref<10000x128xbf16, #tpu.memory_space<vmem_shared>>) offsets(%dma_start3A_352 : memref<80xi32, #tpu.memory_space<vmem>>) semaphore(%run_scoped3A : memref<!tpu.dma_semaphore, #tpu.memory_space<semaphore_mem>>) {add = true}
          %dma_wait3A_356 = arith.constant 0 : i32
          %dma_wait3A_357 = tpu.memref_slice %arg8[%scan3A_292, %dma_wait3A_356] : memref<25x80xi32, #tpu.memory_space<vmem>> -> memref<1x80xi32, #tpu.memory_space<vmem>>
          %dma_wait3A_358 = tpu.memref_squeeze %dma_wait3A_357 : memref<1x80xi32, #tpu.memory_space<vmem>> -> memref<80xi32, #tpu.memory_space<vmem>>
          %dma_wait3A_359 = arith.constant 0 : i32
          %dma_wait3A_360 = arith.constant 0 : i32
          %dma_wait3A_361 = tpu.memref_slice %arg14[%dma_wait3A_359, %dma_wait3A_360] : memref<10000x128xbf16, #tpu.memory_space<vmem_shared>> -> memref<10000x128xbf16, #tpu.memory_space<vmem_shared>>
          tpu.wait_indirect_dma semaphore(%run_scoped3A : memref<!tpu.dma_semaphore, #tpu.memory_space<semaphore_mem>>) src(%arg12 : memref<80x128xbf16, #tpu.memory_space<vmem>>) dst(%dma_wait3A_361 : memref<10000x128xbf16, #tpu.memory_space<vmem_shared>>)
          tpu.yield
        }) : () -> ()
      } else {
      }
      %scan3A_343 = arith.constant 0 : i32
      scf.yield %scan3A_343 : i32
    }
    %scan3A_195 = arith.constant 25 : i32
    %dma_wait3A_196 = arith.constant 75 : i32
    %dma_wait3A_197 = arith.constant 0 : i32
    %dma_wait3A_198 = tpu.memref_slice %arg3[%add3A, %dma_wait3A_196, %dma_wait3A_197] : memref<32x125x80xi32, #tpu.memory_space<hbm>> -> memref<1x25x80xi32, #tpu.memory_space<hbm>>
    %dma_wait3A_199 = tpu.memref_squeeze %dma_wait3A_198 : memref<1x25x80xi32, #tpu.memory_space<hbm>> -> memref<25x80xi32, #tpu.memory_space<hbm>>
    %dma_wait3A_200 = arith.constant 75 : i32
    %dma_wait3A_201 = arith.constant 0 : i32
    %dma_wait3A_202 = tpu.memref_slice %arg3[%add3A, %dma_wait3A_200, %dma_wait3A_201] : memref<32x125x80xi32, #tpu.memory_space<hbm>> -> memref<1x25x80xi32, #tpu.memory_space<hbm>>
    %dma_wait3A_203 = tpu.memref_squeeze %dma_wait3A_202 : memref<1x25x80xi32, #tpu.memory_space<hbm>> -> memref<25x80xi32, #tpu.memory_space<hbm>>
    tpu.wait_dma2 semaphore(%arg18 : memref<!tpu.dma_semaphore, #tpu.memory_space<semaphore_mem>>) src(%dma_wait3A_203 : memref<25x80xi32, #tpu.memory_space<hbm>>) dst(%arg9 : memref<25x80xi32, #tpu.memory_space<vmem>>)
    %dma_wait3A_204 = arith.constant 75 : i32
    %dma_wait3A_205 = arith.constant 0 : i32
    %dma_wait3A_206 = tpu.memref_slice %arg4[%add3A, %dma_wait3A_204, %dma_wait3A_205] : memref<32x125x80xi32, #tpu.memory_space<hbm>> -> memref<1x25x80xi32, #tpu.memory_space<hbm>>
    %dma_wait3A_207 = tpu.memref_squeeze %dma_wait3A_206 : memref<1x25x80xi32, #tpu.memory_space<hbm>> -> memref<25x80xi32, #tpu.memory_space<hbm>>
    %dma_wait3A_208 = arith.constant 75 : i32
    %dma_wait3A_209 = arith.constant 0 : i32
    %dma_wait3A_210 = tpu.memref_slice %arg4[%add3A, %dma_wait3A_208, %dma_wait3A_209] : memref<32x125x80xi32, #tpu.memory_space<hbm>> -> memref<1x25x80xi32, #tpu.memory_space<hbm>>
    %dma_wait3A_211 = tpu.memref_squeeze %dma_wait3A_210 : memref<1x25x80xi32, #tpu.memory_space<hbm>> -> memref<25x80xi32, #tpu.memory_space<hbm>>
    tpu.wait_dma2 semaphore(%arg18 : memref<!tpu.dma_semaphore, #tpu.memory_space<semaphore_mem>>) src(%dma_wait3A_211 : memref<25x80xi32, #tpu.memory_space<hbm>>) dst(%arg10 : memref<25x80xi32, #tpu.memory_space<vmem>>)
    %dma_start3A_212 = arith.constant 100 : i32
    %dma_start3A_213 = arith.constant 0 : i32
    %dma_start3A_214 = tpu.memref_slice %arg3[%add3A, %dma_start3A_212, %dma_start3A_213] : memref<32x125x80xi32, #tpu.memory_space<hbm>> -> memref<1x25x80xi32, #tpu.memory_space<hbm>>
    %dma_start3A_215 = tpu.memref_squeeze %dma_start3A_214 : memref<1x25x80xi32, #tpu.memory_space<hbm>> -> memref<25x80xi32, #tpu.memory_space<hbm>>
    %dma_start3A_216 = arith.constant 100 : i32
    %dma_start3A_217 = arith.constant 0 : i32
    %dma_start3A_218 = tpu.memref_slice %arg3[%add3A, %dma_start3A_216, %dma_start3A_217] : memref<32x125x80xi32, #tpu.memory_space<hbm>> -> memref<1x25x80xi32, #tpu.memory_space<hbm>>
    %dma_start3A_219 = tpu.memref_squeeze %dma_start3A_218 : memref<1x25x80xi32, #tpu.memory_space<hbm>> -> memref<25x80xi32, #tpu.memory_space<hbm>>
    tpu.enqueue_dma source(%dma_start3A_219 : memref<25x80xi32, #tpu.memory_space<hbm>>) target(%arg7 : memref<25x80xi32, #tpu.memory_space<vmem>>) target_semaphore(%arg17 : memref<!tpu.dma_semaphore, #tpu.memory_space<semaphore_mem>>)
    %dma_start3A_220 = arith.constant 100 : i32
    %dma_start3A_221 = arith.constant 0 : i32
    %dma_start3A_222 = tpu.memref_slice %arg4[%add3A, %dma_start3A_220, %dma_start3A_221] : memref<32x125x80xi32, #tpu.memory_space<hbm>> -> memref<1x25x80xi32, #tpu.memory_space<hbm>>
    %dma_start3A_223 = tpu.memref_squeeze %dma_start3A_222 : memref<1x25x80xi32, #tpu.memory_space<hbm>> -> memref<25x80xi32, #tpu.memory_space<hbm>>
    %dma_start3A_224 = arith.constant 100 : i32
    %dma_start3A_225 = arith.constant 0 : i32
    %dma_start3A_226 = tpu.memref_slice %arg4[%add3A, %dma_start3A_224, %dma_start3A_225] : memref<32x125x80xi32, #tpu.memory_space<hbm>> -> memref<1x25x80xi32, #tpu.memory_space<hbm>>
    %dma_start3A_227 = tpu.memref_squeeze %dma_start3A_226 : memref<1x25x80xi32, #tpu.memory_space<hbm>> -> memref<25x80xi32, #tpu.memory_space<hbm>>
    tpu.enqueue_dma source(%dma_start3A_227 : memref<25x80xi32, #tpu.memory_space<hbm>>) target(%arg8 : memref<25x80xi32, #tpu.memory_space<vmem>>) target_semaphore(%arg17 : memref<!tpu.dma_semaphore, #tpu.memory_space<semaphore_mem>>)
    %dma_start3A_228 = arith.constant 0 : i32
    %dma_start3A_229 = arith.constant 0 : i32
    %dma_start3A_230 = tpu.memref_slice %arg9[%dma_start3A_228, %dma_start3A_229] : memref<25x80xi32, #tpu.memory_space<vmem>> -> memref<1x80xi32, #tpu.memory_space<vmem>>
    %dma_start3A_231 = tpu.memref_squeeze %dma_start3A_230 : memref<1x80xi32, #tpu.memory_space<vmem>> -> memref<80xi32, #tpu.memory_space<vmem>>
    %dma_start3A_232 = arith.constant 0 : i32
    %dma_start3A_233 = arith.constant 0 : i32
    %dma_start3A_234 = tpu.memref_slice %arg2[%dma_start3A_232, %dma_start3A_233] : memref<10000x128xbf16, #tpu.memory_space<hbm>> -> memref<10000x128xbf16, #tpu.memory_space<hbm>>
    tpu.enqueue_indirect_dma source(%dma_start3A_234 : memref<10000x128xbf16, #tpu.memory_space<hbm>>) target(%arg11 : memref<80x128xbf16, #tpu.memory_space<vmem>>) offsets(%dma_start3A_231 : memref<80xi32, #tpu.memory_space<vmem>>) semaphore(%arg15 : memref<!tpu.dma_semaphore, #tpu.memory_space<semaphore_mem>>)
    %scan3A_235 = arith.constant 0 : i32
    %scan3A_236 = arith.constant 0 : i32
    %scan3A_237 = arith.constant 25 : i32
    %scan3A_238 = arith.addi %scan3A_236, %scan3A_237 : i32
    %scan3A_239 = arith.constant 1 : i32
    %scan3A_240 = scf.for %scan3A_292 = %scan3A_236 to %scan3A_238 step %scan3A_239 iter_args(%scan3A_293 = %scan3A_235) -> (i32)  : i32 {
      %rem3A = arith.constant 2 : i32
      %rem3A_294 = arith.remsi %scan3A_292, %rem3A : i32
      %eq3A_295 = arith.constant 0 : i32
      %eq3A_296 = arith.cmpi eq, %rem3A_294, %eq3A_295 : i32
      %add3A_297 = arith.constant 1 : i32
      %add3A_298 = arith.addi %scan3A_292, %add3A_297 : i32
      %lt3A = arith.constant 25 : i32
      %lt3A_299 = arith.cmpi slt, %add3A_298, %lt3A : i32
      %and3A = arith.andi %lt3A_299, %eq3A_296 : i1
      %convert_element_type3A_300 = arith.extui %and3A : i1 to i32
      %cond3A_301 = arith.constant 0 : i32
      %cond3A_302 = arith.cmpi ne, %convert_element_type3A_300, %cond3A_301 : i32
      scf.if %cond3A_302 {
        %add3A_344 = arith.constant 1 : i32
        %add3A_345 = arith.addi %scan3A_292, %add3A_344 : i32
        %dma_start3A_346 = arith.constant 0 : i32
        %dma_start3A_347 = tpu.memref_slice %arg9[%add3A_345, %dma_start3A_346] : memref<25x80xi32, #tpu.memory_space<vmem>> -> memref<1x80xi32, #tpu.memory_space<vmem>>
        %dma_start3A_348 = tpu.memref_squeeze %dma_start3A_347 : memref<1x80xi32, #tpu.memory_space<vmem>> -> memref<80xi32, #tpu.memory_space<vmem>>
        %dma_start3A_349 = arith.constant 0 : i32
        %dma_start3A_350 = arith.constant 0 : i32
        %dma_start3A_351 = tpu.memref_slice %arg2[%dma_start3A_349, %dma_start3A_350] : memref<10000x128xbf16, #tpu.memory_space<hbm>> -> memref<10000x128xbf16, #tpu.memory_space<hbm>>
        tpu.enqueue_indirect_dma source(%dma_start3A_351 : memref<10000x128xbf16, #tpu.memory_space<hbm>>) target(%arg12 : memref<80x128xbf16, #tpu.memory_space<vmem>>) offsets(%dma_start3A_348 : memref<80xi32, #tpu.memory_space<vmem>>) semaphore(%arg16 : memref<!tpu.dma_semaphore, #tpu.memory_space<semaphore_mem>>)
      } else {
      }
      %add3A_303 = arith.constant 1 : i32
      %add3A_304 = arith.addi %scan3A_292, %add3A_303 : i32
      %lt3A_305 = arith.constant 25 : i32
      %lt3A_306 = arith.cmpi slt, %add3A_304, %lt3A_305 : i32
      %not3A = arith.constant true
      %not3A_307 = arith.xori %eq3A_296, %not3A : i1
      %and3A_308 = arith.andi %lt3A_306, %not3A_307 : i1
      %convert_element_type3A_309 = arith.extui %and3A_308 : i1 to i32
      %cond3A_310 = arith.constant 0 : i32
      %cond3A_311 = arith.cmpi ne, %convert_element_type3A_309, %cond3A_310 : i32
      scf.if %cond3A_311 {
        %add3A_344 = arith.constant 1 : i32
        %add3A_345 = arith.addi %scan3A_292, %add3A_344 : i32
        %dma_start3A_346 = arith.constant 0 : i32
        %dma_start3A_347 = tpu.memref_slice %arg9[%add3A_345, %dma_start3A_346] : memref<25x80xi32, #tpu.memory_space<vmem>> -> memref<1x80xi32, #tpu.memory_space<vmem>>
        %dma_start3A_348 = tpu.memref_squeeze %dma_start3A_347 : memref<1x80xi32, #tpu.memory_space<vmem>> -> memref<80xi32, #tpu.memory_space<vmem>>
        %dma_start3A_349 = arith.constant 0 : i32
        %dma_start3A_350 = arith.constant 0 : i32
        %dma_start3A_351 = tpu.memref_slice %arg2[%dma_start3A_349, %dma_start3A_350] : memref<10000x128xbf16, #tpu.memory_space<hbm>> -> memref<10000x128xbf16, #tpu.memory_space<hbm>>
        tpu.enqueue_indirect_dma source(%dma_start3A_351 : memref<10000x128xbf16, #tpu.memory_space<hbm>>) target(%arg11 : memref<80x128xbf16, #tpu.memory_space<vmem>>) offsets(%dma_start3A_348 : memref<80xi32, #tpu.memory_space<vmem>>) semaphore(%arg15 : memref<!tpu.dma_semaphore, #tpu.memory_space<semaphore_mem>>)
      } else {
      }
      %get3A = arith.index_cast %scan3A_292 : i32 to index
      %get3A_312 = arith.constant 0 : index
      %get3A_313 = tpu.vector_load %arg10[%get3A, %get3A_312] {strides = array<i32>} : memref<25x80xi32, #tpu.memory_space<vmem>>, vector<16xi32>,
      %broadcast_in_dim3A = arith.constant 1.000000e+00 : f32
      %broadcast_in_dim3A_314 = vector.broadcast %broadcast_in_dim3A : f32 to vector<16xf32>
      tpu.vector_store_idx %arg13[%get3A_313], %broadcast_in_dim3A_314 {add = true} : memref<10000xf32, #tpu.memory_space<vmem>>[vector<16xi32>], vector<16xf32>,
      %get3A_315 = arith.index_cast %scan3A_292 : i32 to index
      %get3A_316 = arith.constant 16 : index
      %get3A_317 = tpu.vector_load %arg10[%get3A_315, %get3A_316] {strides = array<i32>} : memref<25x80xi32, #tpu.memory_space<vmem>>, vector<16xi32>,
      %broadcast_in_dim3A_318 = arith.constant 1.000000e+00 : f32
      %broadcast_in_dim3A_319 = vector.broadcast %broadcast_in_dim3A_318 : f32 to vector<16xf32>
      tpu.vector_store_idx %arg13[%get3A_317], %broadcast_in_dim3A_319 {add = true} : memref<10000xf32, #tpu.memory_space<vmem>>[vector<16xi32>], vector<16xf32>,
      %get3A_320 = arith.index_cast %scan3A_292 : i32 to index
      %get3A_321 = arith.constant 32 : index
      %get3A_322 = tpu.vector_load %arg10[%get3A_320, %get3A_321] {strides = array<i32>} : memref<25x80xi32, #tpu.memory_space<vmem>>, vector<16xi32>,
      %broadcast_in_dim3A_323 = arith.constant 1.000000e+00 : f32
      %broadcast_in_dim3A_324 = vector.broadcast %broadcast_in_dim3A_323 : f32 to vector<16xf32>
      tpu.vector_store_idx %arg13[%get3A_322], %broadcast_in_dim3A_324 {add = true} : memref<10000xf32, #tpu.memory_space<vmem>>[vector<16xi32>], vector<16xf32>,
      %get3A_325 = arith.index_cast %scan3A_292 : i32 to index
      %get3A_326 = arith.constant 48 : index
      %get3A_327 = tpu.vector_load %arg10[%get3A_325, %get3A_326] {strides = array<i32>} : memref<25x80xi32, #tpu.memory_space<vmem>>, vector<16xi32>,
      %broadcast_in_dim3A_328 = arith.constant 1.000000e+00 : f32
      %broadcast_in_dim3A_329 = vector.broadcast %broadcast_in_dim3A_328 : f32 to vector<16xf32>
      tpu.vector_store_idx %arg13[%get3A_327], %broadcast_in_dim3A_329 {add = true} : memref<10000xf32, #tpu.memory_space<vmem>>[vector<16xi32>], vector<16xf32>,
      %get3A_330 = arith.index_cast %scan3A_292 : i32 to index
      %get3A_331 = arith.constant 64 : index
      %get3A_332 = tpu.vector_load %arg10[%get3A_330, %get3A_331] {strides = array<i32>} : memref<25x80xi32, #tpu.memory_space<vmem>>, vector<16xi32>,
      %broadcast_in_dim3A_333 = arith.constant 1.000000e+00 : f32
      %broadcast_in_dim3A_334 = vector.broadcast %broadcast_in_dim3A_333 : f32 to vector<16xf32>
      tpu.vector_store_idx %arg13[%get3A_332], %broadcast_in_dim3A_334 {add = true} : memref<10000xf32, #tpu.memory_space<vmem>>[vector<16xi32>], vector<16xf32>,
      %convert_element_type3A_335 = arith.extui %eq3A_296 : i1 to i32
      %cond3A_336 = arith.constant 0 : i32
      %cond3A_337 = arith.cmpi ne, %convert_element_type3A_335, %cond3A_336 : i32
      scf.if %cond3A_337 {
        %dma_wait3A_344 = arith.constant 0 : i32
        %dma_wait3A_345 = tpu.memref_slice %arg9[%scan3A_292, %dma_wait3A_344] : memref<25x80xi32, #tpu.memory_space<vmem>> -> memref<1x80xi32, #tpu.memory_space<vmem>>
        %dma_wait3A_346 = tpu.memref_squeeze %dma_wait3A_345 : memref<1x80xi32, #tpu.memory_space<vmem>> -> memref<80xi32, #tpu.memory_space<vmem>>
        %dma_wait3A_347 = arith.constant 0 : i32
        %dma_wait3A_348 = arith.constant 0 : i32
        %dma_wait3A_349 = tpu.memref_slice %arg2[%dma_wait3A_347, %dma_wait3A_348] : memref<10000x128xbf16, #tpu.memory_space<hbm>> -> memref<10000x128xbf16, #tpu.memory_space<hbm>>
        tpu.wait_indirect_dma semaphore(%arg15 : memref<!tpu.dma_semaphore, #tpu.memory_space<semaphore_mem>>) src(%dma_wait3A_349 : memref<10000x128xbf16, #tpu.memory_space<hbm>>) dst(%arg11 : memref<80x128xbf16, #tpu.memory_space<vmem>>)
        "tpu.region"() ({
          %run_scoped3A = tpu.sem_alloc : memref<!tpu.dma_semaphore, #tpu.memory_space<semaphore_mem>>
          %dma_start3A_350 = arith.constant 0 : i32
          %dma_start3A_351 = tpu.memref_slice %arg10[%scan3A_292, %dma_start3A_350] : memref<25x80xi32, #tpu.memory_space<vmem>> -> memref<1x80xi32, #tpu.memory_space<vmem>>
          %dma_start3A_352 = tpu.memref_squeeze %dma_start3A_351 : memref<1x80xi32, #tpu.memory_space<vmem>> -> memref<80xi32, #tpu.memory_space<vmem>>
          %dma_start3A_353 = arith.constant 0 : i32
          %dma_start3A_354 = arith.constant 0 : i32
          %dma_start3A_355 = tpu.memref_slice %arg14[%dma_start3A_353, %dma_start3A_354] : memref<10000x128xbf16, #tpu.memory_space<vmem_shared>> -> memref<10000x128xbf16, #tpu.memory_space<vmem_shared>>
          tpu.enqueue_indirect_dma source(%arg11 : memref<80x128xbf16, #tpu.memory_space<vmem>>) target(%dma_start3A_355 : memref<10000x128xbf16, #tpu.memory_space<vmem_shared>>) offsets(%dma_start3A_352 : memref<80xi32, #tpu.memory_space<vmem>>) semaphore(%run_scoped3A : memref<!tpu.dma_semaphore, #tpu.memory_space<semaphore_mem>>) {add = true}
          %dma_wait3A_356 = arith.constant 0 : i32
          %dma_wait3A_357 = tpu.memref_slice %arg10[%scan3A_292, %dma_wait3A_356] : memref<25x80xi32, #tpu.memory_space<vmem>> -> memref<1x80xi32, #tpu.memory_space<vmem>>
          %dma_wait3A_358 = tpu.memref_squeeze %dma_wait3A_357 : memref<1x80xi32, #tpu.memory_space<vmem>> -> memref<80xi32, #tpu.memory_space<vmem>>
          %dma_wait3A_359 = arith.constant 0 : i32
          %dma_wait3A_360 = arith.constant 0 : i32
          %dma_wait3A_361 = tpu.memref_slice %arg14[%dma_wait3A_359, %dma_wait3A_360] : memref<10000x128xbf16, #tpu.memory_space<vmem_shared>> -> memref<10000x128xbf16, #tpu.memory_space<vmem_shared>>
          tpu.wait_indirect_dma semaphore(%run_scoped3A : memref<!tpu.dma_semaphore, #tpu.memory_space<semaphore_mem>>) src(%arg11 : memref<80x128xbf16, #tpu.memory_space<vmem>>) dst(%dma_wait3A_361 : memref<10000x128xbf16, #tpu.memory_space<vmem_shared>>)
          tpu.yield
        }) : () -> ()
      } else {
      }
      %not3A_338 = arith.constant true
      %not3A_339 = arith.xori %eq3A_296, %not3A_338 : i1
      %convert_element_type3A_340 = arith.extui %not3A_339 : i1 to i32
      %cond3A_341 = arith.constant 0 : i32
      %cond3A_342 = arith.cmpi ne, %convert_element_type3A_340, %cond3A_341 : i32
      scf.if %cond3A_342 {
        %dma_wait3A_344 = arith.constant 0 : i32
        %dma_wait3A_345 = tpu.memref_slice %arg9[%scan3A_292, %dma_wait3A_344] : memref<25x80xi32, #tpu.memory_space<vmem>> -> memref<1x80xi32, #tpu.memory_space<vmem>>
        %dma_wait3A_346 = tpu.memref_squeeze %dma_wait3A_345 : memref<1x80xi32, #tpu.memory_space<vmem>> -> memref<80xi32, #tpu.memory_space<vmem>>
        %dma_wait3A_347 = arith.constant 0 : i32
        %dma_wait3A_348 = arith.constant 0 : i32
        %dma_wait3A_349 = tpu.memref_slice %arg2[%dma_wait3A_347, %dma_wait3A_348] : memref<10000x128xbf16, #tpu.memory_space<hbm>> -> memref<10000x128xbf16, #tpu.memory_space<hbm>>
        tpu.wait_indirect_dma semaphore(%arg16 : memref<!tpu.dma_semaphore, #tpu.memory_space<semaphore_mem>>) src(%dma_wait3A_349 : memref<10000x128xbf16, #tpu.memory_space<hbm>>) dst(%arg12 : memref<80x128xbf16, #tpu.memory_space<vmem>>)
        "tpu.region"() ({
          %run_scoped3A = tpu.sem_alloc : memref<!tpu.dma_semaphore, #tpu.memory_space<semaphore_mem>>
          %dma_start3A_350 = arith.constant 0 : i32
          %dma_start3A_351 = tpu.memref_slice %arg10[%scan3A_292, %dma_start3A_350] : memref<25x80xi32, #tpu.memory_space<vmem>> -> memref<1x80xi32, #tpu.memory_space<vmem>>
          %dma_start3A_352 = tpu.memref_squeeze %dma_start3A_351 : memref<1x80xi32, #tpu.memory_space<vmem>> -> memref<80xi32, #tpu.memory_space<vmem>>
          %dma_start3A_353 = arith.constant 0 : i32
          %dma_start3A_354 = arith.constant 0 : i32
          %dma_start3A_355 = tpu.memref_slice %arg14[%dma_start3A_353, %dma_start3A_354] : memref<10000x128xbf16, #tpu.memory_space<vmem_shared>> -> memref<10000x128xbf16, #tpu.memory_space<vmem_shared>>
          tpu.enqueue_indirect_dma source(%arg12 : memref<80x128xbf16, #tpu.memory_space<vmem>>) target(%dma_start3A_355 : memref<10000x128xbf16, #tpu.memory_space<vmem_shared>>) offsets(%dma_start3A_352 : memref<80xi32, #tpu.memory_space<vmem>>) semaphore(%run_scoped3A : memref<!tpu.dma_semaphore, #tpu.memory_space<semaphore_mem>>) {add = true}
          %dma_wait3A_356 = arith.constant 0 : i32
          %dma_wait3A_357 = tpu.memref_slice %arg10[%scan3A_292, %dma_wait3A_356] : memref<25x80xi32, #tpu.memory_space<vmem>> -> memref<1x80xi32, #tpu.memory_space<vmem>>
          %dma_wait3A_358 = tpu.memref_squeeze %dma_wait3A_357 : memref<1x80xi32, #tpu.memory_space<vmem>> -> memref<80xi32, #tpu.memory_space<vmem>>
          %dma_wait3A_359 = arith.constant 0 : i32
          %dma_wait3A_360 = arith.constant 0 : i32
          %dma_wait3A_361 = tpu.memref_slice %arg14[%dma_wait3A_359, %dma_wait3A_360] : memref<10000x128xbf16, #tpu.memory_space<vmem_shared>> -> memref<10000x128xbf16, #tpu.memory_space<vmem_shared>>
          tpu.wait_indirect_dma semaphore(%run_scoped3A : memref<!tpu.dma_semaphore, #tpu.memory_space<semaphore_mem>>) src(%arg12 : memref<80x128xbf16, #tpu.memory_space<vmem>>) dst(%dma_wait3A_361 : memref<10000x128xbf16, #tpu.memory_space<vmem_shared>>)
          tpu.yield
        }) : () -> ()
      } else {
      }
      %scan3A_343 = arith.constant 0 : i32
      scf.yield %scan3A_343 : i32
    }
    %scan3A_241 = arith.constant 25 : i32
    %dma_wait3A_242 = arith.constant 100 : i32
    %dma_wait3A_243 = arith.constant 0 : i32
    %dma_wait3A_244 = tpu.memref_slice %arg3[%add3A, %dma_wait3A_242, %dma_wait3A_243] : memref<32x125x80xi32, #tpu.memory_space<hbm>> -> memref<1x25x80xi32, #tpu.memory_space<hbm>>
    %dma_wait3A_245 = tpu.memref_squeeze %dma_wait3A_244 : memref<1x25x80xi32, #tpu.memory_space<hbm>> -> memref<25x80xi32, #tpu.memory_space<hbm>>
    %dma_wait3A_246 = arith.constant 100 : i32
    %dma_wait3A_247 = arith.constant 0 : i32
    %dma_wait3A_248 = tpu.memref_slice %arg3[%add3A, %dma_wait3A_246, %dma_wait3A_247] : memref<32x125x80xi32, #tpu.memory_space<hbm>> -> memref<1x25x80xi32, #tpu.memory_space<hbm>>
    %dma_wait3A_249 = tpu.memref_squeeze %dma_wait3A_248 : memref<1x25x80xi32, #tpu.memory_space<hbm>> -> memref<25x80xi32, #tpu.memory_space<hbm>>
    tpu.wait_dma2 semaphore(%arg17 : memref<!tpu.dma_semaphore, #tpu.memory_space<semaphore_mem>>) src(%dma_wait3A_249 : memref<25x80xi32, #tpu.memory_space<hbm>>) dst(%arg7 : memref<25x80xi32, #tpu.memory_space<vmem>>)
    %dma_wait3A_250 = arith.constant 100 : i32
    %dma_wait3A_251 = arith.constant 0 : i32
    %dma_wait3A_252 = tpu.memref_slice %arg4[%add3A, %dma_wait3A_250, %dma_wait3A_251] : memref<32x125x80xi32, #tpu.memory_space<hbm>> -> memref<1x25x80xi32, #tpu.memory_space<hbm>>
    %dma_wait3A_253 = tpu.memref_squeeze %dma_wait3A_252 : memref<1x25x80xi32, #tpu.memory_space<hbm>> -> memref<25x80xi32, #tpu.memory_space<hbm>>
    %dma_wait3A_254 = arith.constant 100 : i32
    %dma_wait3A_255 = arith.constant 0 : i32
    %dma_wait3A_256 = tpu.memref_slice %arg4[%add3A, %dma_wait3A_254, %dma_wait3A_255] : memref<32x125x80xi32, #tpu.memory_space<hbm>> -> memref<1x25x80xi32, #tpu.memory_space<hbm>>
    %dma_wait3A_257 = tpu.memref_squeeze %dma_wait3A_256 : memref<1x25x80xi32, #tpu.memory_space<hbm>> -> memref<25x80xi32, #tpu.memory_space<hbm>>
    tpu.wait_dma2 semaphore(%arg17 : memref<!tpu.dma_semaphore, #tpu.memory_space<semaphore_mem>>) src(%dma_wait3A_257 : memref<25x80xi32, #tpu.memory_space<hbm>>) dst(%arg8 : memref<25x80xi32, #tpu.memory_space<vmem>>)
    %dma_start3A_258 = arith.constant 0 : i32
    %dma_start3A_259 = arith.constant 0 : i32
    %dma_start3A_260 = tpu.memref_slice %arg7[%dma_start3A_258, %dma_start3A_259] : memref<25x80xi32, #tpu.memory_space<vmem>> -> memref<1x80xi32, #tpu.memory_space<vmem>>
    %dma_start3A_261 = tpu.memref_squeeze %dma_start3A_260 : memref<1x80xi32, #tpu.memory_space<vmem>> -> memref<80xi32, #tpu.memory_space<vmem>>
    %dma_start3A_262 = arith.constant 0 : i32
    %dma_start3A_263 = arith.constant 0 : i32
    %dma_start3A_264 = tpu.memref_slice %arg2[%dma_start3A_262, %dma_start3A_263] : memref<10000x128xbf16, #tpu.memory_space<hbm>> -> memref<10000x128xbf16, #tpu.memory_space<hbm>>
    tpu.enqueue_indirect_dma source(%dma_start3A_264 : memref<10000x128xbf16, #tpu.memory_space<hbm>>) target(%arg11 : memref<80x128xbf16, #tpu.memory_space<vmem>>) offsets(%dma_start3A_261 : memref<80xi32, #tpu.memory_space<vmem>>) semaphore(%arg15 : memref<!tpu.dma_semaphore, #tpu.memory_space<semaphore_mem>>)
    %scan3A_265 = arith.constant 0 : i32
    %scan3A_266 = arith.constant 0 : i32
    %scan3A_267 = arith.constant 25 : i32
    %scan3A_268 = arith.addi %scan3A_266, %scan3A_267 : i32
    %scan3A_269 = arith.constant 1 : i32
    %scan3A_270 = scf.for %scan3A_292 = %scan3A_266 to %scan3A_268 step %scan3A_269 iter_args(%scan3A_293 = %scan3A_265) -> (i32)  : i32 {
      %rem3A = arith.constant 2 : i32
      %rem3A_294 = arith.remsi %scan3A_292, %rem3A : i32
      %eq3A_295 = arith.constant 0 : i32
      %eq3A_296 = arith.cmpi eq, %rem3A_294, %eq3A_295 : i32
      %add3A_297 = arith.constant 1 : i32
      %add3A_298 = arith.addi %scan3A_292, %add3A_297 : i32
      %lt3A = arith.constant 25 : i32
      %lt3A_299 = arith.cmpi slt, %add3A_298, %lt3A : i32
      %and3A = arith.andi %lt3A_299, %eq3A_296 : i1
      %convert_element_type3A_300 = arith.extui %and3A : i1 to i32
      %cond3A_301 = arith.constant 0 : i32
      %cond3A_302 = arith.cmpi ne, %convert_element_type3A_300, %cond3A_301 : i32
      scf.if %cond3A_302 {
        %add3A_344 = arith.constant 1 : i32
        %add3A_345 = arith.addi %scan3A_292, %add3A_344 : i32
        %dma_start3A_346 = arith.constant 0 : i32
        %dma_start3A_347 = tpu.memref_slice %arg7[%add3A_345, %dma_start3A_346] : memref<25x80xi32, #tpu.memory_space<vmem>> -> memref<1x80xi32, #tpu.memory_space<vmem>>
        %dma_start3A_348 = tpu.memref_squeeze %dma_start3A_347 : memref<1x80xi32, #tpu.memory_space<vmem>> -> memref<80xi32, #tpu.memory_space<vmem>>
        %dma_start3A_349 = arith.constant 0 : i32
        %dma_start3A_350 = arith.constant 0 : i32
        %dma_start3A_351 = tpu.memref_slice %arg2[%dma_start3A_349, %dma_start3A_350] : memref<10000x128xbf16, #tpu.memory_space<hbm>> -> memref<10000x128xbf16, #tpu.memory_space<hbm>>
        tpu.enqueue_indirect_dma source(%dma_start3A_351 : memref<10000x128xbf16, #tpu.memory_space<hbm>>) target(%arg12 : memref<80x128xbf16, #tpu.memory_space<vmem>>) offsets(%dma_start3A_348 : memref<80xi32, #tpu.memory_space<vmem>>) semaphore(%arg16 : memref<!tpu.dma_semaphore, #tpu.memory_space<semaphore_mem>>)
      } else {
      }
      %add3A_303 = arith.constant 1 : i32
      %add3A_304 = arith.addi %scan3A_292, %add3A_303 : i32
      %lt3A_305 = arith.constant 25 : i32
      %lt3A_306 = arith.cmpi slt, %add3A_304, %lt3A_305 : i32
      %not3A = arith.constant true
      %not3A_307 = arith.xori %eq3A_296, %not3A : i1
      %and3A_308 = arith.andi %lt3A_306, %not3A_307 : i1
      %convert_element_type3A_309 = arith.extui %and3A_308 : i1 to i32
      %cond3A_310 = arith.constant 0 : i32
      %cond3A_311 = arith.cmpi ne, %convert_element_type3A_309, %cond3A_310 : i32
      scf.if %cond3A_311 {
        %add3A_344 = arith.constant 1 : i32
        %add3A_345 = arith.addi %scan3A_292, %add3A_344 : i32
        %dma_start3A_346 = arith.constant 0 : i32
        %dma_start3A_347 = tpu.memref_slice %arg7[%add3A_345, %dma_start3A_346] : memref<25x80xi32, #tpu.memory_space<vmem>> -> memref<1x80xi32, #tpu.memory_space<vmem>>
        %dma_start3A_348 = tpu.memref_squeeze %dma_start3A_347 : memref<1x80xi32, #tpu.memory_space<vmem>> -> memref<80xi32, #tpu.memory_space<vmem>>
        %dma_start3A_349 = arith.constant 0 : i32
        %dma_start3A_350 = arith.constant 0 : i32
        %dma_start3A_351 = tpu.memref_slice %arg2[%dma_start3A_349, %dma_start3A_350] : memref<10000x128xbf16, #tpu.memory_space<hbm>> -> memref<10000x128xbf16, #tpu.memory_space<hbm>>
        tpu.enqueue_indirect_dma source(%dma_start3A_351 : memref<10000x128xbf16, #tpu.memory_space<hbm>>) target(%arg11 : memref<80x128xbf16, #tpu.memory_space<vmem>>) offsets(%dma_start3A_348 : memref<80xi32, #tpu.memory_space<vmem>>) semaphore(%arg15 : memref<!tpu.dma_semaphore, #tpu.memory_space<semaphore_mem>>)
      } else {
      }
      %get3A = arith.index_cast %scan3A_292 : i32 to index
      %get3A_312 = arith.constant 0 : index
      %get3A_313 = tpu.vector_load %arg8[%get3A, %get3A_312] {strides = array<i32>} : memref<25x80xi32, #tpu.memory_space<vmem>>, vector<16xi32>,
      %broadcast_in_dim3A = arith.constant 1.000000e+00 : f32
      %broadcast_in_dim3A_314 = vector.broadcast %broadcast_in_dim3A : f32 to vector<16xf32>
      tpu.vector_store_idx %arg13[%get3A_313], %broadcast_in_dim3A_314 {add = true} : memref<10000xf32, #tpu.memory_space<vmem>>[vector<16xi32>], vector<16xf32>,
      %get3A_315 = arith.index_cast %scan3A_292 : i32 to index
      %get3A_316 = arith.constant 16 : index
      %get3A_317 = tpu.vector_load %arg8[%get3A_315, %get3A_316] {strides = array<i32>} : memref<25x80xi32, #tpu.memory_space<vmem>>, vector<16xi32>,
      %broadcast_in_dim3A_318 = arith.constant 1.000000e+00 : f32
      %broadcast_in_dim3A_319 = vector.broadcast %broadcast_in_dim3A_318 : f32 to vector<16xf32>
      tpu.vector_store_idx %arg13[%get3A_317], %broadcast_in_dim3A_319 {add = true} : memref<10000xf32, #tpu.memory_space<vmem>>[vector<16xi32>], vector<16xf32>,
      %get3A_320 = arith.index_cast %scan3A_292 : i32 to index
      %get3A_321 = arith.constant 32 : index
      %get3A_322 = tpu.vector_load %arg8[%get3A_320, %get3A_321] {strides = array<i32>} : memref<25x80xi32, #tpu.memory_space<vmem>>, vector<16xi32>,
      %broadcast_in_dim3A_323 = arith.constant 1.000000e+00 : f32
      %broadcast_in_dim3A_324 = vector.broadcast %broadcast_in_dim3A_323 : f32 to vector<16xf32>
      tpu.vector_store_idx %arg13[%get3A_322], %broadcast_in_dim3A_324 {add = true} : memref<10000xf32, #tpu.memory_space<vmem>>[vector<16xi32>], vector<16xf32>,
      %get3A_325 = arith.index_cast %scan3A_292 : i32 to index
      %get3A_326 = arith.constant 48 : index
      %get3A_327 = tpu.vector_load %arg8[%get3A_325, %get3A_326] {strides = array<i32>} : memref<25x80xi32, #tpu.memory_space<vmem>>, vector<16xi32>,
      %broadcast_in_dim3A_328 = arith.constant 1.000000e+00 : f32
      %broadcast_in_dim3A_329 = vector.broadcast %broadcast_in_dim3A_328 : f32 to vector<16xf32>
      tpu.vector_store_idx %arg13[%get3A_327], %broadcast_in_dim3A_329 {add = true} : memref<10000xf32, #tpu.memory_space<vmem>>[vector<16xi32>], vector<16xf32>,
      %get3A_330 = arith.index_cast %scan3A_292 : i32 to index
      %get3A_331 = arith.constant 64 : index
      %get3A_332 = tpu.vector_load %arg8[%get3A_330, %get3A_331] {strides = array<i32>} : memref<25x80xi32, #tpu.memory_space<vmem>>, vector<16xi32>,
      %broadcast_in_dim3A_333 = arith.constant 1.000000e+00 : f32
      %broadcast_in_dim3A_334 = vector.broadcast %broadcast_in_dim3A_333 : f32 to vector<16xf32>
      tpu.vector_store_idx %arg13[%get3A_332], %broadcast_in_dim3A_334 {add = true} : memref<10000xf32, #tpu.memory_space<vmem>>[vector<16xi32>], vector<16xf32>,
      %convert_element_type3A_335 = arith.extui %eq3A_296 : i1 to i32
      %cond3A_336 = arith.constant 0 : i32
      %cond3A_337 = arith.cmpi ne, %convert_element_type3A_335, %cond3A_336 : i32
      scf.if %cond3A_337 {
        %dma_wait3A_344 = arith.constant 0 : i32
        %dma_wait3A_345 = tpu.memref_slice %arg7[%scan3A_292, %dma_wait3A_344] : memref<25x80xi32, #tpu.memory_space<vmem>> -> memref<1x80xi32, #tpu.memory_space<vmem>>
        %dma_wait3A_346 = tpu.memref_squeeze %dma_wait3A_345 : memref<1x80xi32, #tpu.memory_space<vmem>> -> memref<80xi32, #tpu.memory_space<vmem>>
        %dma_wait3A_347 = arith.constant 0 : i32
        %dma_wait3A_348 = arith.constant 0 : i32
        %dma_wait3A_349 = tpu.memref_slice %arg2[%dma_wait3A_347, %dma_wait3A_348] : memref<10000x128xbf16, #tpu.memory_space<hbm>> -> memref<10000x128xbf16, #tpu.memory_space<hbm>>
        tpu.wait_indirect_dma semaphore(%arg15 : memref<!tpu.dma_semaphore, #tpu.memory_space<semaphore_mem>>) src(%dma_wait3A_349 : memref<10000x128xbf16, #tpu.memory_space<hbm>>) dst(%arg11 : memref<80x128xbf16, #tpu.memory_space<vmem>>)
        "tpu.region"() ({
          %run_scoped3A = tpu.sem_alloc : memref<!tpu.dma_semaphore, #tpu.memory_space<semaphore_mem>>
          %dma_start3A_350 = arith.constant 0 : i32
          %dma_start3A_351 = tpu.memref_slice %arg8[%scan3A_292, %dma_start3A_350] : memref<25x80xi32, #tpu.memory_space<vmem>> -> memref<1x80xi32, #tpu.memory_space<vmem>>
          %dma_start3A_352 = tpu.memref_squeeze %dma_start3A_351 : memref<1x80xi32, #tpu.memory_space<vmem>> -> memref<80xi32, #tpu.memory_space<vmem>>
          %dma_start3A_353 = arith.constant 0 : i32
          %dma_start3A_354 = arith.constant 0 : i32
          %dma_start3A_355 = tpu.memref_slice %arg14[%dma_start3A_353, %dma_start3A_354] : memref<10000x128xbf16, #tpu.memory_space<vmem_shared>> -> memref<10000x128xbf16, #tpu.memory_space<vmem_shared>>
          tpu.enqueue_indirect_dma source(%arg11 : memref<80x128xbf16, #tpu.memory_space<vmem>>) target(%dma_start3A_355 : memref<10000x128xbf16, #tpu.memory_space<vmem_shared>>) offsets(%dma_start3A_352 : memref<80xi32, #tpu.memory_space<vmem>>) semaphore(%run_scoped3A : memref<!tpu.dma_semaphore, #tpu.memory_space<semaphore_mem>>) {add = true}
          %dma_wait3A_356 = arith.constant 0 : i32
          %dma_wait3A_357 = tpu.memref_slice %arg8[%scan3A_292, %dma_wait3A_356] : memref<25x80xi32, #tpu.memory_space<vmem>> -> memref<1x80xi32, #tpu.memory_space<vmem>>
          %dma_wait3A_358 = tpu.memref_squeeze %dma_wait3A_357 : memref<1x80xi32, #tpu.memory_space<vmem>> -> memref<80xi32, #tpu.memory_space<vmem>>
          %dma_wait3A_359 = arith.constant 0 : i32
          %dma_wait3A_360 = arith.constant 0 : i32
          %dma_wait3A_361 = tpu.memref_slice %arg14[%dma_wait3A_359, %dma_wait3A_360] : memref<10000x128xbf16, #tpu.memory_space<vmem_shared>> -> memref<10000x128xbf16, #tpu.memory_space<vmem_shared>>
          tpu.wait_indirect_dma semaphore(%run_scoped3A : memref<!tpu.dma_semaphore, #tpu.memory_space<semaphore_mem>>) src(%arg11 : memref<80x128xbf16, #tpu.memory_space<vmem>>) dst(%dma_wait3A_361 : memref<10000x128xbf16, #tpu.memory_space<vmem_shared>>)
          tpu.yield
        }) : () -> ()
      } else {
      }
      %not3A_338 = arith.constant true
      %not3A_339 = arith.xori %eq3A_296, %not3A_338 : i1
      %convert_element_type3A_340 = arith.extui %not3A_339 : i1 to i32
      %cond3A_341 = arith.constant 0 : i32
      %cond3A_342 = arith.cmpi ne, %convert_element_type3A_340, %cond3A_341 : i32
      scf.if %cond3A_342 {
        %dma_wait3A_344 = arith.constant 0 : i32
        %dma_wait3A_345 = tpu.memref_slice %arg7[%scan3A_292, %dma_wait3A_344] : memref<25x80xi32, #tpu.memory_space<vmem>> -> memref<1x80xi32, #tpu.memory_space<vmem>>
        %dma_wait3A_346 = tpu.memref_squeeze %dma_wait3A_345 : memref<1x80xi32, #tpu.memory_space<vmem>> -> memref<80xi32, #tpu.memory_space<vmem>>
        %dma_wait3A_347 = arith.constant 0 : i32
        %dma_wait3A_348 = arith.constant 0 : i32
        %dma_wait3A_349 = tpu.memref_slice %arg2[%dma_wait3A_347, %dma_wait3A_348] : memref<10000x128xbf16, #tpu.memory_space<hbm>> -> memref<10000x128xbf16, #tpu.memory_space<hbm>>
        tpu.wait_indirect_dma semaphore(%arg16 : memref<!tpu.dma_semaphore, #tpu.memory_space<semaphore_mem>>) src(%dma_wait3A_349 : memref<10000x128xbf16, #tpu.memory_space<hbm>>) dst(%arg12 : memref<80x128xbf16, #tpu.memory_space<vmem>>)
        "tpu.region"() ({
          %run_scoped3A = tpu.sem_alloc : memref<!tpu.dma_semaphore, #tpu.memory_space<semaphore_mem>>
          %dma_start3A_350 = arith.constant 0 : i32
          %dma_start3A_351 = tpu.memref_slice %arg8[%scan3A_292, %dma_start3A_350] : memref<25x80xi32, #tpu.memory_space<vmem>> -> memref<1x80xi32, #tpu.memory_space<vmem>>
          %dma_start3A_352 = tpu.memref_squeeze %dma_start3A_351 : memref<1x80xi32, #tpu.memory_space<vmem>> -> memref<80xi32, #tpu.memory_space<vmem>>
          %dma_start3A_353 = arith.constant 0 : i32
          %dma_start3A_354 = arith.constant 0 : i32
          %dma_start3A_355 = tpu.memref_slice %arg14[%dma_start3A_353, %dma_start3A_354] : memref<10000x128xbf16, #tpu.memory_space<vmem_shared>> -> memref<10000x128xbf16, #tpu.memory_space<vmem_shared>>
          tpu.enqueue_indirect_dma source(%arg12 : memref<80x128xbf16, #tpu.memory_space<vmem>>) target(%dma_start3A_355 : memref<10000x128xbf16, #tpu.memory_space<vmem_shared>>) offsets(%dma_start3A_352 : memref<80xi32, #tpu.memory_space<vmem>>) semaphore(%run_scoped3A : memref<!tpu.dma_semaphore, #tpu.memory_space<semaphore_mem>>) {add = true}
          %dma_wait3A_356 = arith.constant 0 : i32
          %dma_wait3A_357 = tpu.memref_slice %arg8[%scan3A_292, %dma_wait3A_356] : memref<25x80xi32, #tpu.memory_space<vmem>> -> memref<1x80xi32, #tpu.memory_space<vmem>>
          %dma_wait3A_358 = tpu.memref_squeeze %dma_wait3A_357 : memref<1x80xi32, #tpu.memory_space<vmem>> -> memref<80xi32, #tpu.memory_space<vmem>>
          %dma_wait3A_359 = arith.constant 0 : i32
          %dma_wait3A_360 = arith.constant 0 : i32
          %dma_wait3A_361 = tpu.memref_slice %arg14[%dma_wait3A_359, %dma_wait3A_360] : memref<10000x128xbf16, #tpu.memory_space<vmem_shared>> -> memref<10000x128xbf16, #tpu.memory_space<vmem_shared>>
          tpu.wait_indirect_dma semaphore(%run_scoped3A : memref<!tpu.dma_semaphore, #tpu.memory_space<semaphore_mem>>) src(%arg12 : memref<80x128xbf16, #tpu.memory_space<vmem>>) dst(%dma_wait3A_361 : memref<10000x128xbf16, #tpu.memory_space<vmem_shared>>)
          tpu.yield
        }) : () -> ()
      } else {
      }
      %scan3A_343 = arith.constant 0 : i32
      scf.yield %scan3A_343 : i32
    }
    %scan3A_271 = arith.constant 25 : i32
    %barrier3A_272 = arith.constant 0 : index
    tpu.barrier barrier_id(%barrier3A_272)
    %add3A_273 = arith.constant 0 : i32
    %add3A_274 = arith.addi %mul3A_15, %add3A_273 : i32
    %add3A_275 = arith.constant 0 : i32
    %add3A_276 = arith.addi %mul3A_15, %add3A_275 : i32
    "tpu.region"() ({
      %run_scoped3A = tpu.sem_alloc : memref<!tpu.dma_semaphore, #tpu.memory_space<semaphore_mem>>
      %dma_start3A_292 = arith.constant 0 : i32
      %dma_start3A_293 = tpu.memref_slice %arg5[%arg0, %add3A_276, %dma_start3A_292] : memref<2x10000x128xbf16, #tpu.memory_space<hbm>> -> memref<1x208x128xbf16, #tpu.memory_space<hbm>>
      %dma_start3A_294 = tpu.memref_squeeze %dma_start3A_293 : memref<1x208x128xbf16, #tpu.memory_space<hbm>> -> memref<208x128xbf16, #tpu.memory_space<hbm>>
      %dma_start3A_295 = arith.constant 0 : i32
      %dma_start3A_296 = tpu.memref_slice %arg14[%add3A_274, %dma_start3A_295] : memref<10000x128xbf16, #tpu.memory_space<vmem_shared>> -> memref<208x128xbf16, #tpu.memory_space<vmem_shared>>
      tpu.enqueue_dma source(%dma_start3A_296 : memref<208x128xbf16, #tpu.memory_space<vmem_shared>>) target(%dma_start3A_294 : memref<208x128xbf16, #tpu.memory_space<hbm>>) target_semaphore(%run_scoped3A : memref<!tpu.dma_semaphore, #tpu.memory_space<semaphore_mem>>)
      %dma_wait3A_297 = arith.constant 0 : i32
      %dma_wait3A_298 = tpu.memref_slice %arg5[%arg0, %add3A_276, %dma_wait3A_297] : memref<2x10000x128xbf16, #tpu.memory_space<hbm>> -> memref<1x208x128xbf16, #tpu.memory_space<hbm>>
      %dma_wait3A_299 = tpu.memref_squeeze %dma_wait3A_298 : memref<1x208x128xbf16, #tpu.memory_space<hbm>> -> memref<208x128xbf16, #tpu.memory_space<hbm>>
      %dma_wait3A_300 = arith.constant 0 : i32
      %dma_wait3A_301 = tpu.memref_slice %arg14[%add3A_274, %dma_wait3A_300] : memref<10000x128xbf16, #tpu.memory_space<vmem_shared>> -> memref<208x128xbf16, #tpu.memory_space<vmem_shared>>
      tpu.wait_dma2 semaphore(%run_scoped3A : memref<!tpu.dma_semaphore, #tpu.memory_space<semaphore_mem>>) src(%dma_wait3A_301 : memref<208x128xbf16, #tpu.memory_space<vmem_shared>>) dst(%dma_wait3A_299 : memref<208x128xbf16, #tpu.memory_space<hbm>>)
      tpu.yield
    }) : () -> ()
    %add3A_277 = arith.constant 208 : i32
    %add3A_278 = arith.addi %mul3A_15, %add3A_277 : i32
    %add3A_279 = arith.constant 208 : i32
    %add3A_280 = arith.addi %mul3A_15, %add3A_279 : i32
    "tpu.region"() ({
      %run_scoped3A = tpu.sem_alloc : memref<!tpu.dma_semaphore, #tpu.memory_space<semaphore_mem>>
      %dma_start3A_292 = arith.constant 0 : i32
      %dma_start3A_293 = tpu.memref_slice %arg5[%arg0, %add3A_280, %dma_start3A_292] : memref<2x10000x128xbf16, #tpu.memory_space<hbm>> -> memref<1x208x128xbf16, #tpu.memory_space<hbm>>
      %dma_start3A_294 = tpu.memref_squeeze %dma_start3A_293 : memref<1x208x128xbf16, #tpu.memory_space<hbm>> -> memref<208x128xbf16, #tpu.memory_space<hbm>>
      %dma_start3A_295 = arith.constant 0 : i32
      %dma_start3A_296 = tpu.memref_slice %arg14[%add3A_278, %dma_start3A_295] : memref<10000x128xbf16, #tpu.memory_space<vmem_shared>> -> memref<208x128xbf16, #tpu.memory_space<vmem_shared>>
      tpu.enqueue_dma source(%dma_start3A_296 : memref<208x128xbf16, #tpu.memory_space<vmem_shared>>) target(%dma_start3A_294 : memref<208x128xbf16, #tpu.memory_space<hbm>>) target_semaphore(%run_scoped3A : memref<!tpu.dma_semaphore, #tpu.memory_space<semaphore_mem>>)
      %dma_wait3A_297 = arith.constant 0 : i32
      %dma_wait3A_298 = tpu.memref_slice %arg5[%arg0, %add3A_280, %dma_wait3A_297] : memref<2x10000x128xbf16, #tpu.memory_space<hbm>> -> memref<1x208x128xbf16, #tpu.memory_space<hbm>>
      %dma_wait3A_299 = tpu.memref_squeeze %dma_wait3A_298 : memref<1x208x128xbf16, #tpu.memory_space<hbm>> -> memref<208x128xbf16, #tpu.memory_space<hbm>>
      %dma_wait3A_300 = arith.constant 0 : i32
      %dma_wait3A_301 = tpu.memref_slice %arg14[%add3A_278, %dma_wait3A_300] : memref<10000x128xbf16, #tpu.memory_space<vmem_shared>> -> memref<208x128xbf16, #tpu.memory_space<vmem_shared>>
      tpu.wait_dma2 semaphore(%run_scoped3A : memref<!tpu.dma_semaphore, #tpu.memory_space<semaphore_mem>>) src(%dma_wait3A_301 : memref<208x128xbf16, #tpu.memory_space<vmem_shared>>) dst(%dma_wait3A_299 : memref<208x128xbf16, #tpu.memory_space<hbm>>)
      tpu.yield
    }) : () -> ()
    %add3A_281 = arith.constant 416 : i32
    %add3A_282 = arith.addi %mul3A_15, %add3A_281 : i32
    %add3A_283 = arith.constant 416 : i32
    %add3A_284 = arith.addi %mul3A_15, %add3A_283 : i32
    "tpu.region"() ({
      %run_scoped3A = tpu.sem_alloc : memref<!tpu.dma_semaphore, #tpu.memory_space<semaphore_mem>>
      %dma_start3A_292 = arith.constant 0 : i32
      %dma_start3A_293 = tpu.memref_slice %arg5[%arg0, %add3A_284, %dma_start3A_292] : memref<2x10000x128xbf16, #tpu.memory_space<hbm>> -> memref<1x208x128xbf16, #tpu.memory_space<hbm>>
      %dma_start3A_294 = tpu.memref_squeeze %dma_start3A_293 : memref<1x208x128xbf16, #tpu.memory_space<hbm>> -> memref<208x128xbf16, #tpu.memory_space<hbm>>
      %dma_start3A_295 = arith.constant 0 : i32
      %dma_start3A_296 = tpu.memref_slice %arg14[%add3A_282, %dma_start3A_295] : memref<10000x128xbf16, #tpu.memory_space<vmem_shared>> -> memref<208x128xbf16, #tpu.memory_space<vmem_shared>>
      tpu.enqueue_dma source(%dma_start3A_296 : memref<208x128xbf16, #tpu.memory_space<vmem_shared>>) target(%dma_start3A_294 : memref<208x128xbf16, #tpu.memory_space<hbm>>) target_semaphore(%run_scoped3A : memref<!tpu.dma_semaphore, #tpu.memory_space<semaphore_mem>>)
      %dma_wait3A_297 = arith.constant 0 : i32
      %dma_wait3A_298 = tpu.memref_slice %arg5[%arg0, %add3A_284, %dma_wait3A_297] : memref<2x10000x128xbf16, #tpu.memory_space<hbm>> -> memref<1x208x128xbf16, #tpu.memory_space<hbm>>
      %dma_wait3A_299 = tpu.memref_squeeze %dma_wait3A_298 : memref<1x208x128xbf16, #tpu.memory_space<hbm>> -> memref<208x128xbf16, #tpu.memory_space<hbm>>
      %dma_wait3A_300 = arith.constant 0 : i32
      %dma_wait3A_301 = tpu.memref_slice %arg14[%add3A_282, %dma_wait3A_300] : memref<10000x128xbf16, #tpu.memory_space<vmem_shared>> -> memref<208x128xbf16, #tpu.memory_space<vmem_shared>>
      tpu.wait_dma2 semaphore(%run_scoped3A : memref<!tpu.dma_semaphore, #tpu.memory_space<semaphore_mem>>) src(%dma_wait3A_301 : memref<208x128xbf16, #tpu.memory_space<vmem_shared>>) dst(%dma_wait3A_299 : memref<208x128xbf16, #tpu.memory_space<hbm>>)
      tpu.yield
    }) : () -> ()
    %eq3A_285 = arith.constant 15 : i32
    %eq3A_286 = arith.cmpi eq, %arg1, %eq3A_285 : i32
    %convert_element_type3A_287 = arith.extui %eq3A_286 : i1 to i32
    %cond3A_288 = arith.constant 0 : i32
    %cond3A_289 = arith.cmpi ne, %convert_element_type3A_287, %cond3A_288 : i32
    scf.if %cond3A_289 {
      "tpu.region"() ({
        %run_scoped3A = tpu.sem_alloc : memref<!tpu.dma_semaphore, #tpu.memory_space<semaphore_mem>>
        %dma_start3A_292 = arith.constant 9984 : i32
        %dma_start3A_293 = arith.constant 0 : i32
        %dma_start3A_294 = tpu.memref_slice %arg5[%arg0, %dma_start3A_292, %dma_start3A_293] : memref<2x10000x128xbf16, #tpu.memory_space<hbm>> -> memref<1x16x128xbf16, #tpu.memory_space<hbm>>
        %dma_start3A_295 = tpu.memref_squeeze %dma_start3A_294 : memref<1x16x128xbf16, #tpu.memory_space<hbm>> -> memref<16x128xbf16, #tpu.memory_space<hbm>>
        %dma_start3A_296 = arith.constant 9984 : i32
        %dma_start3A_297 = arith.constant 0 : i32
        %dma_start3A_298 = tpu.memref_slice %arg14[%dma_start3A_296, %dma_start3A_297] : memref<10000x128xbf16, #tpu.memory_space<vmem_shared>> -> memref<16x128xbf16, #tpu.memory_space<vmem_shared>>
        tpu.enqueue_dma source(%dma_start3A_298 : memref<16x128xbf16, #tpu.memory_space<vmem_shared>>) target(%dma_start3A_295 : memref<16x128xbf16, #tpu.memory_space<hbm>>) target_semaphore(%run_scoped3A : memref<!tpu.dma_semaphore, #tpu.memory_space<semaphore_mem>>)
        %dma_wait3A_299 = arith.constant 9984 : i32
        %dma_wait3A_300 = arith.constant 0 : i32
        %dma_wait3A_301 = tpu.memref_slice %arg5[%arg0, %dma_wait3A_299, %dma_wait3A_300] : memref<2x10000x128xbf16, #tpu.memory_space<hbm>> -> memref<1x16x128xbf16, #tpu.memory_space<hbm>>
        %dma_wait3A_302 = tpu.memref_squeeze %dma_wait3A_301 : memref<1x16x128xbf16, #tpu.memory_space<hbm>> -> memref<16x128xbf16, #tpu.memory_space<hbm>>
        %dma_wait3A_303 = arith.constant 9984 : i32
        %dma_wait3A_304 = arith.constant 0 : i32
        %dma_wait3A_305 = tpu.memref_slice %arg14[%dma_wait3A_303, %dma_wait3A_304] : memref<10000x128xbf16, #tpu.memory_space<vmem_shared>> -> memref<16x128xbf16, #tpu.memory_space<vmem_shared>>
        tpu.wait_dma2 semaphore(%run_scoped3A : memref<!tpu.dma_semaphore, #tpu.memory_space<semaphore_mem>>) src(%dma_wait3A_305 : memref<16x128xbf16, #tpu.memory_space<vmem_shared>>) dst(%dma_wait3A_302 : memref<16x128xbf16, #tpu.memory_space<hbm>>)
        tpu.yield
      }) : () -> ()
    } else {
    }
    %mul3A_290 = arith.constant 10000 : i32
    %mul3A_291 = arith.muli %add3A, %mul3A_290 : i32
    "tpu.region"() ({
      %run_scoped3A = tpu.sem_alloc : memref<!tpu.dma_semaphore, #tpu.memory_space<semaphore_mem>>
      %dma_start3A_292 = tpu.memref_slice %arg6[%mul3A_291] : memref<320000xf32, #tpu.memory_space<hbm>> -> memref<10000xf32, #tpu.memory_space<hbm>>
      %dma_start3A_293 = tpu.memref_slice %arg6[%mul3A_291] : memref<320000xf32, #tpu.memory_space<hbm>> -> memref<10000xf32, #tpu.memory_space<hbm>>
      tpu.enqueue_dma source(%arg13 : memref<10000xf32, #tpu.memory_space<vmem>>) target(%dma_start3A_293 : memref<10000xf32, #tpu.memory_space<hbm>>) target_semaphore(%run_scoped3A : memref<!tpu.dma_semaphore, #tpu.memory_space<semaphore_mem>>)
      %dma_wait3A_294 = tpu.memref_slice %arg6[%mul3A_291] : memref<320000xf32, #tpu.memory_space<hbm>> -> memref<10000xf32, #tpu.memory_space<hbm>>
      %dma_wait3A_295 = tpu.memref_slice %arg6[%mul3A_291] : memref<320000xf32, #tpu.memory_space<hbm>> -> memref<10000xf32, #tpu.memory_space<hbm>>
      tpu.wait_dma2 semaphore(%run_scoped3A : memref<!tpu.dma_semaphore, #tpu.memory_space<semaphore_mem>>) src(%arg13 : memref<10000xf32, #tpu.memory_space<vmem>>) dst(%dma_wait3A_295 : memref<10000xf32, #tpu.memory_space<hbm>>)
      tpu.yield
    }) : () -> ()
    return
  }
}

module attributes {stable_mosaic.version = 14 : i64} {
  func.func @_phase1_body(%arg0: i32, %arg1: memref<1000x128xf32, #tpu.memory_space<vmem>>, %arg2: memref<1000x16xf32, #tpu.memory_space<vmem>>, %arg3: memref<16x64xf32, #tpu.memory_space<vmem>>, %arg4: memref<1x64xf32, #tpu.memory_space<vmem>>, %arg5: memref<64x2048xf32, #tpu.memory_space<vmem>>, %arg6: memref<1x2048xf32, #tpu.memory_space<vmem>>, %arg7: memref<128x2048xbf16, #tpu.memory_space<vmem>>, %arg8: memref<1000x128xbf16, #tpu.memory_space<vmem>>) attributes {dimension_semantics = [#tpu.dimension_semantics<arbitrary>], iteration_bounds = array<i64: 10>, scalar_prefetch = 0 : i64, scratch_operands = 0 : i64, tpu.core_type = #tpu.core_type<tc>, window_params = [{transform_indices = @transform_0, window_bounds = array<i64: 1000, 128>}, {transform_indices = @transform_1, window_bounds = array<i64: 1000, 16>}, {pipeline_mode = #tpu.pipeline_mode<synchronous>, transform_indices = @transform_2, window_bounds = array<i64: 16, 64>}, {pipeline_mode = #tpu.pipeline_mode<synchronous>, transform_indices = @transform_3, window_bounds = array<i64: 1, 64>}, {pipeline_mode = #tpu.pipeline_mode<synchronous>, transform_indices = @transform_4, window_bounds = array<i64: 64, 2048>}, {pipeline_mode = #tpu.pipeline_mode<synchronous>, transform_indices = @transform_5, window_bounds = array<i64: 1, 2048>}, {pipeline_mode = #tpu.pipeline_mode<synchronous>, transform_indices = @transform_6, window_bounds = array<i64: 128, 2048>}, {transform_indices = @transform_7, window_bounds = array<i64: 1000, 128>}]} {
    %get3A = arith.constant 0 : index
    %get3A_0 = arith.constant 0 : index
    %get3A_1 = vector.load %arg1[%get3A, %get3A_0] : memref<1000x128xf32, #tpu.memory_space<vmem>>, vector<1000x128xf32>
    %get3A_2 = arith.constant 0 : index
    %get3A_3 = arith.constant 0 : index
    %get3A_4 = vector.load %arg2[%get3A_2, %get3A_3] : memref<1000x16xf32, #tpu.memory_space<vmem>>, vector<1000x16xf32>
    %get3A_5 = arith.constant 0 : index
    %get3A_6 = arith.constant 0 : index
    %get3A_7 = vector.load %arg3[%get3A_5, %get3A_6] : memref<16x64xf32, #tpu.memory_space<vmem>>, vector<16x64xf32>
    %dot_general3A = arith.constant dense<0.000000e+00> : vector<1000x64xf32>
    %dot_general3A_8 = tpu.matmul %get3A_4, %get3A_7, %dot_general3A {dimension_numbers = #tpu.dot_dimension_numbers<[1], [0], [0], [1], [0, 0, 1, 1], [], []>, transpose_lhs_hint = false} : vector<1000x16xf32>, vector<16x64xf32>, vector<1000x64xf32> -> vector<1000x64xf32>
    %get3A_9 = arith.constant 0 : index
    %get3A_10 = arith.constant 0 : index
    %get3A_11 = vector.load %arg4[%get3A_9, %get3A_10] : memref<1x64xf32, #tpu.memory_space<vmem>>, vector<1x64xf32>
    %add3A = vector.broadcast %get3A_11 : vector<1x64xf32> to vector<1000x64xf32>
    %add3A_12 = arith.addf %dot_general3A_8, %add3A : vector<1000x64xf32>
    %max3A = arith.constant 0.000000e+00 : f32
    %max3A_13 = vector.broadcast %max3A : f32 to vector<1000x64xf32>
    %max3A_14 = arith.maximumf %add3A_12, %max3A_13 : vector<1000x64xf32>
    %get3A_15 = arith.constant 0 : index
    %get3A_16 = arith.constant 0 : index
    %get3A_17 = vector.load %arg5[%get3A_15, %get3A_16] : memref<64x2048xf32, #tpu.memory_space<vmem>>, vector<64x2048xf32>
    %dot_general3A_18 = arith.constant dense<0.000000e+00> : vector<1000x2048xf32>
    %dot_general3A_19 = tpu.matmul %max3A_14, %get3A_17, %dot_general3A_18 {dimension_numbers = #tpu.dot_dimension_numbers<[1], [0], [0], [1], [0, 0, 1, 1], [], []>, transpose_lhs_hint = false} : vector<1000x64xf32>, vector<64x2048xf32>, vector<1000x2048xf32> -> vector<1000x2048xf32>
    %get3A_20 = arith.constant 0 : index
    %get3A_21 = arith.constant 0 : index
    %get3A_22 = vector.load %arg6[%get3A_20, %get3A_21] : memref<1x2048xf32, #tpu.memory_space<vmem>>, vector<1x2048xf32>
    %add3A_23 = vector.broadcast %get3A_22 : vector<1x2048xf32> to vector<1000x2048xf32>
    %add3A_24 = arith.addf %dot_general3A_19, %add3A_23 : vector<1000x2048xf32>
    %convert_element_type3A = arith.truncf %get3A_1 : vector<1000x128xf32> to vector<1000x128xbf16>
    %get3A_25 = arith.constant 0 : index
    %get3A_26 = arith.constant 0 : index
    %get3A_27 = vector.load %arg7[%get3A_25, %get3A_26] : memref<128x2048xbf16, #tpu.memory_space<vmem>>, vector<128x2048xbf16>
    %dot_general3A_28 = arith.constant dense<0.000000e+00> : vector<1000x2048xf32>
    %dot_general3A_29 = tpu.matmul %convert_element_type3A, %get3A_27, %dot_general3A_28 {dimension_numbers = #tpu.dot_dimension_numbers<[1], [0], [0], [1], [0, 0, 1, 1], [], []>, transpose_lhs_hint = false} : vector<1000x128xbf16>, vector<128x2048xbf16>, vector<1000x2048xf32> -> vector<1000x2048xf32>
    %mul3A = arith.mulf %dot_general3A_29, %add3A_24 : vector<1000x2048xf32>
    %broadcast_in_dim3A = arith.constant 0.000000e+00 : f32
    %broadcast_in_dim3A_30 = vector.broadcast %broadcast_in_dim3A : f32 to vector<1000x128xf32>
    %slice3A = vector.extract_strided_slice %mul3A {offsets = [0, 0], sizes = [1000, 128], strides = [1, 1]} : vector<1000x2048xf32> to vector<1000x128xf32>
    %add3A_31 = arith.addf %broadcast_in_dim3A_30, %slice3A : vector<1000x128xf32>
    %slice3A_32 = vector.extract_strided_slice %mul3A {offsets = [0, 128], sizes = [1000, 128], strides = [1, 1]} : vector<1000x2048xf32> to vector<1000x128xf32>
    %add3A_33 = arith.addf %add3A_31, %slice3A_32 : vector<1000x128xf32>
    %slice3A_34 = vector.extract_strided_slice %mul3A {offsets = [0, 256], sizes = [1000, 128], strides = [1, 1]} : vector<1000x2048xf32> to vector<1000x128xf32>
    %add3A_35 = arith.addf %add3A_33, %slice3A_34 : vector<1000x128xf32>
    %slice3A_36 = vector.extract_strided_slice %mul3A {offsets = [0, 384], sizes = [1000, 128], strides = [1, 1]} : vector<1000x2048xf32> to vector<1000x128xf32>
    %add3A_37 = arith.addf %add3A_35, %slice3A_36 : vector<1000x128xf32>
    %slice3A_38 = vector.extract_strided_slice %mul3A {offsets = [0, 512], sizes = [1000, 128], strides = [1, 1]} : vector<1000x2048xf32> to vector<1000x128xf32>
    %add3A_39 = arith.addf %add3A_37, %slice3A_38 : vector<1000x128xf32>
    %slice3A_40 = vector.extract_strided_slice %mul3A {offsets = [0, 640], sizes = [1000, 128], strides = [1, 1]} : vector<1000x2048xf32> to vector<1000x128xf32>
    %add3A_41 = arith.addf %add3A_39, %slice3A_40 : vector<1000x128xf32>
    %slice3A_42 = vector.extract_strided_slice %mul3A {offsets = [0, 768], sizes = [1000, 128], strides = [1, 1]} : vector<1000x2048xf32> to vector<1000x128xf32>
    %add3A_43 = arith.addf %add3A_41, %slice3A_42 : vector<1000x128xf32>
    %slice3A_44 = vector.extract_strided_slice %mul3A {offsets = [0, 896], sizes = [1000, 128], strides = [1, 1]} : vector<1000x2048xf32> to vector<1000x128xf32>
    %add3A_45 = arith.addf %add3A_43, %slice3A_44 : vector<1000x128xf32>
    %slice3A_46 = vector.extract_strided_slice %mul3A {offsets = [0, 1024], sizes = [1000, 128], strides = [1, 1]} : vector<1000x2048xf32> to vector<1000x128xf32>
    %add3A_47 = arith.addf %add3A_45, %slice3A_46 : vector<1000x128xf32>
    %slice3A_48 = vector.extract_strided_slice %mul3A {offsets = [0, 1152], sizes = [1000, 128], strides = [1, 1]} : vector<1000x2048xf32> to vector<1000x128xf32>
    %add3A_49 = arith.addf %add3A_47, %slice3A_48 : vector<1000x128xf32>
    %slice3A_50 = vector.extract_strided_slice %mul3A {offsets = [0, 1280], sizes = [1000, 128], strides = [1, 1]} : vector<1000x2048xf32> to vector<1000x128xf32>
    %add3A_51 = arith.addf %add3A_49, %slice3A_50 : vector<1000x128xf32>
    %slice3A_52 = vector.extract_strided_slice %mul3A {offsets = [0, 1408], sizes = [1000, 128], strides = [1, 1]} : vector<1000x2048xf32> to vector<1000x128xf32>
    %add3A_53 = arith.addf %add3A_51, %slice3A_52 : vector<1000x128xf32>
    %slice3A_54 = vector.extract_strided_slice %mul3A {offsets = [0, 1536], sizes = [1000, 128], strides = [1, 1]} : vector<1000x2048xf32> to vector<1000x128xf32>
    %add3A_55 = arith.addf %add3A_53, %slice3A_54 : vector<1000x128xf32>
    %slice3A_56 = vector.extract_strided_slice %mul3A {offsets = [0, 1664], sizes = [1000, 128], strides = [1, 1]} : vector<1000x2048xf32> to vector<1000x128xf32>
    %add3A_57 = arith.addf %add3A_55, %slice3A_56 : vector<1000x128xf32>
    %slice3A_58 = vector.extract_strided_slice %mul3A {offsets = [0, 1792], sizes = [1000, 128], strides = [1, 1]} : vector<1000x2048xf32> to vector<1000x128xf32>
    %add3A_59 = arith.addf %add3A_57, %slice3A_58 : vector<1000x128xf32>
    %slice3A_60 = vector.extract_strided_slice %mul3A {offsets = [0, 1920], sizes = [1000, 128], strides = [1, 1]} : vector<1000x2048xf32> to vector<1000x128xf32>
    %add3A_61 = arith.addf %add3A_59, %slice3A_60 : vector<1000x128xf32>
    %convert_element_type3A_62 = arith.truncf %add3A_61 : vector<1000x128xf32> to vector<1000x128xbf16>
    %swap3A = arith.constant 0 : index
    %swap3A_63 = arith.constant 0 : index
    %swap3A_64 = vector.load %arg8[%swap3A, %swap3A_63] : memref<1000x128xbf16, #tpu.memory_space<vmem>>, vector<1000x128xbf16>
    tpu.vector_store %arg8[%swap3A, %swap3A_63], %convert_element_type3A_62 {strides = array<i32>} : memref<1000x128xbf16, #tpu.memory_space<vmem>>, vector<1000x128xbf16>,
    return
  }
  func.func @transform_0(%arg0: i32) -> (i32, i32) {
    %c0_i32 = arith.constant 0 : i32
    %c0_i32_0 = arith.constant 0 : i32
    return %arg0, %c0_i32 : i32, i32
  }
  func.func @transform_1(%arg0: i32) -> (i32, i32) {
    %c0_i32 = arith.constant 0 : i32
    %c0_i32_0 = arith.constant 0 : i32
    return %arg0, %c0_i32 : i32, i32
  }
  func.func @transform_2(%arg0: i32) -> (i32, i32) {
    %c0_i32 = arith.constant 0 : i32
    %c0_i32_0 = arith.constant 0 : i32
    %c0_i32_1 = arith.constant 0 : i32
    return %c0_i32, %c0_i32_0 : i32, i32
  }
  func.func @transform_3(%arg0: i32) -> (i32, i32) {
    %c0_i32 = arith.constant 0 : i32
    %c0_i32_0 = arith.constant 0 : i32
    %c0_i32_1 = arith.constant 0 : i32
    return %c0_i32, %c0_i32_0 : i32, i32
  }
  func.func @transform_4(%arg0: i32) -> (i32, i32) {
    %c0_i32 = arith.constant 0 : i32
    %c0_i32_0 = arith.constant 0 : i32
    %c0_i32_1 = arith.constant 0 : i32
    return %c0_i32, %c0_i32_0 : i32, i32
  }
  func.func @transform_5(%arg0: i32) -> (i32, i32) {
    %c0_i32 = arith.constant 0 : i32
    %c0_i32_0 = arith.constant 0 : i32
    %c0_i32_1 = arith.constant 0 : i32
    return %c0_i32, %c0_i32_0 : i32, i32
  }
  func.func @transform_6(%arg0: i32) -> (i32, i32) {
    %c0_i32 = arith.constant 0 : i32
    %c0_i32_0 = arith.constant 0 : i32
    %c0_i32_1 = arith.constant 0 : i32
    return %c0_i32, %c0_i32_0 : i32, i32
  }
  func.func @transform_7(%arg0: i32) -> (i32, i32) {
    %c0_i32 = arith.constant 0 : i32
    %c0_i32_0 = arith.constant 0 : i32
    return %arg0, %c0_i32 : i32, i32
  }
}

module attributes {stable_mosaic.version = 14 : i64} {
  func.func @_phase3_body(%arg0: i32, %arg1: memref<2x384x128xbf16, #tpu.memory_space<vmem>>, %arg2: memref<1x32x384xf32, #tpu.memory_space<vmem>>, %arg3: memref<384x16xf32, #tpu.memory_space<vmem>>, %arg4: memref<16x64xf32, #tpu.memory_space<vmem>>, %arg5: memref<1x64xf32, #tpu.memory_space<vmem>>, %arg6: memref<64x2048xf32, #tpu.memory_space<vmem>>, %arg7: memref<1x2048xf32, #tpu.memory_space<vmem>>, %arg8: memref<128x2048xbf16, #tpu.memory_space<vmem>>, %arg9: memref<128x128xf32, #tpu.memory_space<vmem>>, %arg10: memref<1x128xf32, #tpu.memory_space<vmem>>, %arg11: memref<384x128xf32, #tpu.memory_space<vmem>>) attributes {dimension_semantics = [#tpu.dimension_semantics<arbitrary>], iteration_bounds = array<i64: 27>, scalar_prefetch = 0 : i64, scratch_operands = 0 : i64, tpu.core_type = #tpu.core_type<tc>, window_params = [{transform_indices = @transform_0, window_bounds = array<i64: 2, 384, 128>}, {transform_indices = @transform_1, window_bounds = array<i64: 1, 32, 384>}, {transform_indices = @transform_2, window_bounds = array<i64: 384, 16>}, {pipeline_mode = #tpu.pipeline_mode<synchronous>, transform_indices = @transform_3, window_bounds = array<i64: 16, 64>}, {pipeline_mode = #tpu.pipeline_mode<synchronous>, transform_indices = @transform_4, window_bounds = array<i64: 1, 64>}, {pipeline_mode = #tpu.pipeline_mode<synchronous>, transform_indices = @transform_5, window_bounds = array<i64: 64, 2048>}, {pipeline_mode = #tpu.pipeline_mode<synchronous>, transform_indices = @transform_6, window_bounds = array<i64: 1, 2048>}, {pipeline_mode = #tpu.pipeline_mode<synchronous>, transform_indices = @transform_7, window_bounds = array<i64: 128, 2048>}, {pipeline_mode = #tpu.pipeline_mode<synchronous>, transform_indices = @transform_8, window_bounds = array<i64: 128, 128>}, {pipeline_mode = #tpu.pipeline_mode<synchronous>, transform_indices = @transform_9, window_bounds = array<i64: 1, 128>}, {transform_indices = @transform_10, window_bounds = array<i64: 384, 128>}]} {
    %get3A = arith.constant 0 : index
    %get3A_0 = arith.constant 0 : index
    %get3A_1 = arith.constant 0 : index
    %get3A_2 = vector.load %arg2[%get3A, %get3A_0, %get3A_1] : memref<1x32x384xf32, #tpu.memory_space<vmem>>, vector<1x32x384xf32>
    %reduce_sum3A = arith.constant dense<0.000000e+00> : vector<384xf32>
    %reduce_sum3A_3 = vector.multi_reduction <add>, %get3A_2, %reduce_sum3A [0, 1] : vector<1x32x384xf32> to vector<384xf32>
    %reshape3A = vector.shape_cast %reduce_sum3A_3 : vector<384xf32> to vector<1x384xf32>
    %transpose3A = tpu.transpose %reshape3A, [1, 0] : vector<1x384xf32> -> vector<384x1xf32>
    %get3A_4 = arith.constant 0 : index
    %get3A_5 = arith.constant 0 : index
    %get3A_6 = arith.constant 0 : index
    %get3A_7 = vector.load %arg1[%get3A_4, %get3A_5, %get3A_6] : memref<2x384x128xbf16, #tpu.memory_space<vmem>>, vector<1x384x128xbf16>
    %get3A_8 = vector.shape_cast %get3A_7 : vector<1x384x128xbf16> to vector<384x128xbf16>
    %convert_element_type3A = arith.extf %get3A_8 : vector<384x128xbf16> to vector<384x128xf32>
    %get3A_9 = arith.constant 1 : index
    %get3A_10 = arith.constant 0 : index
    %get3A_11 = arith.constant 0 : index
    %get3A_12 = vector.load %arg1[%get3A_9, %get3A_10, %get3A_11] : memref<2x384x128xbf16, #tpu.memory_space<vmem>>, vector<1x384x128xbf16>
    %get3A_13 = vector.shape_cast %get3A_12 : vector<1x384x128xbf16> to vector<384x128xbf16>
    %convert_element_type3A_14 = arith.extf %get3A_13 : vector<384x128xbf16> to vector<384x128xf32>
    %add3A = arith.addf %convert_element_type3A, %convert_element_type3A_14 : vector<384x128xf32>
    %max3A = arith.constant 1.000000e+00 : f32
    %max3A_15 = vector.broadcast %max3A : f32 to vector<384x1xf32>
    %max3A_16 = arith.maximumf %transpose3A, %max3A_15 : vector<384x1xf32>
    %div3A = vector.broadcast %max3A_16 : vector<384x1xf32> to vector<384x128xf32>
    %div3A_17 = arith.divf %add3A, %div3A : vector<384x128xf32>
    %get3A_18 = arith.constant 0 : index
    %get3A_19 = arith.constant 0 : index
    %get3A_20 = vector.load %arg3[%get3A_18, %get3A_19] : memref<384x16xf32, #tpu.memory_space<vmem>>, vector<384x16xf32>
    %get3A_21 = arith.constant 0 : index
    %get3A_22 = arith.constant 0 : index
    %get3A_23 = vector.load %arg4[%get3A_21, %get3A_22] : memref<16x64xf32, #tpu.memory_space<vmem>>, vector<16x64xf32>
    %dot_general3A = arith.constant dense<0.000000e+00> : vector<384x64xf32>
    %dot_general3A_24 = tpu.matmul %get3A_20, %get3A_23, %dot_general3A {dimension_numbers = #tpu.dot_dimension_numbers<[1], [0], [0], [1], [0, 0, 1, 1], [], []>, transpose_lhs_hint = false} : vector<384x16xf32>, vector<16x64xf32>, vector<384x64xf32> -> vector<384x64xf32>
    %get3A_25 = arith.constant 0 : index
    %get3A_26 = arith.constant 0 : index
    %get3A_27 = vector.load %arg5[%get3A_25, %get3A_26] : memref<1x64xf32, #tpu.memory_space<vmem>>, vector<1x64xf32>
    %add3A_28 = vector.broadcast %get3A_27 : vector<1x64xf32> to vector<384x64xf32>
    %add3A_29 = arith.addf %dot_general3A_24, %add3A_28 : vector<384x64xf32>
    %max3A_30 = arith.constant 0.000000e+00 : f32
    %max3A_31 = vector.broadcast %max3A_30 : f32 to vector<384x64xf32>
    %max3A_32 = arith.maximumf %add3A_29, %max3A_31 : vector<384x64xf32>
    %get3A_33 = arith.constant 0 : index
    %get3A_34 = arith.constant 0 : index
    %get3A_35 = vector.load %arg6[%get3A_33, %get3A_34] : memref<64x2048xf32, #tpu.memory_space<vmem>>, vector<64x2048xf32>
    %dot_general3A_36 = arith.constant dense<0.000000e+00> : vector<384x2048xf32>
    %dot_general3A_37 = tpu.matmul %max3A_32, %get3A_35, %dot_general3A_36 {dimension_numbers = #tpu.dot_dimension_numbers<[1], [0], [0], [1], [0, 0, 1, 1], [], []>, transpose_lhs_hint = false} : vector<384x64xf32>, vector<64x2048xf32>, vector<384x2048xf32> -> vector<384x2048xf32>
    %get3A_38 = arith.constant 0 : index
    %get3A_39 = arith.constant 0 : index
    %get3A_40 = vector.load %arg7[%get3A_38, %get3A_39] : memref<1x2048xf32, #tpu.memory_space<vmem>>, vector<1x2048xf32>
    %add3A_41 = vector.broadcast %get3A_40 : vector<1x2048xf32> to vector<384x2048xf32>
    %add3A_42 = arith.addf %dot_general3A_37, %add3A_41 : vector<384x2048xf32>
    %convert_element_type3A_43 = arith.truncf %div3A_17 : vector<384x128xf32> to vector<384x128xbf16>
    %get3A_44 = arith.constant 0 : index
    %get3A_45 = arith.constant 0 : index
    %get3A_46 = vector.load %arg8[%get3A_44, %get3A_45] : memref<128x2048xbf16, #tpu.memory_space<vmem>>, vector<128x2048xbf16>
    %dot_general3A_47 = arith.constant dense<0.000000e+00> : vector<384x2048xf32>
    %dot_general3A_48 = tpu.matmul %convert_element_type3A_43, %get3A_46, %dot_general3A_47 {dimension_numbers = #tpu.dot_dimension_numbers<[1], [0], [0], [1], [0, 0, 1, 1], [], []>, transpose_lhs_hint = false} : vector<384x128xbf16>, vector<128x2048xbf16>, vector<384x2048xf32> -> vector<384x2048xf32>
    %mul3A = arith.mulf %dot_general3A_48, %add3A_42 : vector<384x2048xf32>
    %broadcast_in_dim3A = arith.constant 0.000000e+00 : f32
    %broadcast_in_dim3A_49 = vector.broadcast %broadcast_in_dim3A : f32 to vector<384x128xf32>
    %slice3A = vector.extract_strided_slice %mul3A {offsets = [0, 0], sizes = [384, 128], strides = [1, 1]} : vector<384x2048xf32> to vector<384x128xf32>
    %add3A_50 = arith.addf %broadcast_in_dim3A_49, %slice3A : vector<384x128xf32>
    %slice3A_51 = vector.extract_strided_slice %mul3A {offsets = [0, 128], sizes = [384, 128], strides = [1, 1]} : vector<384x2048xf32> to vector<384x128xf32>
    %add3A_52 = arith.addf %add3A_50, %slice3A_51 : vector<384x128xf32>
    %slice3A_53 = vector.extract_strided_slice %mul3A {offsets = [0, 256], sizes = [384, 128], strides = [1, 1]} : vector<384x2048xf32> to vector<384x128xf32>
    %add3A_54 = arith.addf %add3A_52, %slice3A_53 : vector<384x128xf32>
    %slice3A_55 = vector.extract_strided_slice %mul3A {offsets = [0, 384], sizes = [384, 128], strides = [1, 1]} : vector<384x2048xf32> to vector<384x128xf32>
    %add3A_56 = arith.addf %add3A_54, %slice3A_55 : vector<384x128xf32>
    %slice3A_57 = vector.extract_strided_slice %mul3A {offsets = [0, 512], sizes = [384, 128], strides = [1, 1]} : vector<384x2048xf32> to vector<384x128xf32>
    %add3A_58 = arith.addf %add3A_56, %slice3A_57 : vector<384x128xf32>
    %slice3A_59 = vector.extract_strided_slice %mul3A {offsets = [0, 640], sizes = [384, 128], strides = [1, 1]} : vector<384x2048xf32> to vector<384x128xf32>
    %add3A_60 = arith.addf %add3A_58, %slice3A_59 : vector<384x128xf32>
    %slice3A_61 = vector.extract_strided_slice %mul3A {offsets = [0, 768], sizes = [384, 128], strides = [1, 1]} : vector<384x2048xf32> to vector<384x128xf32>
    %add3A_62 = arith.addf %add3A_60, %slice3A_61 : vector<384x128xf32>
    %slice3A_63 = vector.extract_strided_slice %mul3A {offsets = [0, 896], sizes = [384, 128], strides = [1, 1]} : vector<384x2048xf32> to vector<384x128xf32>
    %add3A_64 = arith.addf %add3A_62, %slice3A_63 : vector<384x128xf32>
    %slice3A_65 = vector.extract_strided_slice %mul3A {offsets = [0, 1024], sizes = [384, 128], strides = [1, 1]} : vector<384x2048xf32> to vector<384x128xf32>
    %add3A_66 = arith.addf %add3A_64, %slice3A_65 : vector<384x128xf32>
    %slice3A_67 = vector.extract_strided_slice %mul3A {offsets = [0, 1152], sizes = [384, 128], strides = [1, 1]} : vector<384x2048xf32> to vector<384x128xf32>
    %add3A_68 = arith.addf %add3A_66, %slice3A_67 : vector<384x128xf32>
    %slice3A_69 = vector.extract_strided_slice %mul3A {offsets = [0, 1280], sizes = [384, 128], strides = [1, 1]} : vector<384x2048xf32> to vector<384x128xf32>
    %add3A_70 = arith.addf %add3A_68, %slice3A_69 : vector<384x128xf32>
    %slice3A_71 = vector.extract_strided_slice %mul3A {offsets = [0, 1408], sizes = [384, 128], strides = [1, 1]} : vector<384x2048xf32> to vector<384x128xf32>
    %add3A_72 = arith.addf %add3A_70, %slice3A_71 : vector<384x128xf32>
    %slice3A_73 = vector.extract_strided_slice %mul3A {offsets = [0, 1536], sizes = [384, 128], strides = [1, 1]} : vector<384x2048xf32> to vector<384x128xf32>
    %add3A_74 = arith.addf %add3A_72, %slice3A_73 : vector<384x128xf32>
    %slice3A_75 = vector.extract_strided_slice %mul3A {offsets = [0, 1664], sizes = [384, 128], strides = [1, 1]} : vector<384x2048xf32> to vector<384x128xf32>
    %add3A_76 = arith.addf %add3A_74, %slice3A_75 : vector<384x128xf32>
    %slice3A_77 = vector.extract_strided_slice %mul3A {offsets = [0, 1792], sizes = [384, 128], strides = [1, 1]} : vector<384x2048xf32> to vector<384x128xf32>
    %add3A_78 = arith.addf %add3A_76, %slice3A_77 : vector<384x128xf32>
    %slice3A_79 = vector.extract_strided_slice %mul3A {offsets = [0, 1920], sizes = [384, 128], strides = [1, 1]} : vector<384x2048xf32> to vector<384x128xf32>
    %add3A_80 = arith.addf %add3A_78, %slice3A_79 : vector<384x128xf32>
    %get3A_81 = arith.constant 0 : index
    %get3A_82 = arith.constant 0 : index
    %get3A_83 = vector.load %arg9[%get3A_81, %get3A_82] : memref<128x128xf32, #tpu.memory_space<vmem>>, vector<128x128xf32>
    %dot_general3A_84 = arith.constant dense<0.000000e+00> : vector<384x128xf32>
    %dot_general3A_85 = tpu.matmul %add3A_80, %get3A_83, %dot_general3A_84 {dimension_numbers = #tpu.dot_dimension_numbers<[1], [0], [0], [1], [0, 0, 1, 1], [], []>, transpose_lhs_hint = false} : vector<384x128xf32>, vector<128x128xf32>, vector<384x128xf32> -> vector<384x128xf32>
    %get3A_86 = arith.constant 0 : index
    %get3A_87 = arith.constant 0 : index
    %get3A_88 = vector.load %arg10[%get3A_86, %get3A_87] : memref<1x128xf32, #tpu.memory_space<vmem>>, vector<1x128xf32>
    %add3A_89 = vector.broadcast %get3A_88 : vector<1x128xf32> to vector<384x128xf32>
    %add3A_90 = arith.addf %dot_general3A_85, %add3A_89 : vector<384x128xf32>
    %swap3A = arith.constant 0 : index
    %swap3A_91 = arith.constant 0 : index
    %swap3A_92 = vector.load %arg11[%swap3A, %swap3A_91] : memref<384x128xf32, #tpu.memory_space<vmem>>, vector<384x128xf32>
    tpu.vector_store %arg11[%swap3A, %swap3A_91], %add3A_90 {strides = array<i32>} : memref<384x128xf32, #tpu.memory_space<vmem>>, vector<384x128xf32>,
    return
  }
  func.func @transform_0(%arg0: i32) -> (i32, i32, i32) {
    %c0_i32 = arith.constant 0 : i32
    %c0_i32_0 = arith.constant 0 : i32
    %c0_i32_1 = arith.constant 0 : i32
    return %c0_i32, %arg0, %c0_i32_0 : i32, i32, i32
  }
  func.func @transform_1(%arg0: i32) -> (i32, i32, i32) {
    %c0_i32 = arith.constant 0 : i32
    %c0_i32_0 = arith.constant 0 : i32
    %c0_i32_1 = arith.constant 0 : i32
    return %arg0, %c0_i32, %c0_i32_0 : i32, i32, i32
  }
  func.func @transform_2(%arg0: i32) -> (i32, i32) {
    %c0_i32 = arith.constant 0 : i32
    %c0_i32_0 = arith.constant 0 : i32
    return %arg0, %c0_i32 : i32, i32
  }
  func.func @transform_3(%arg0: i32) -> (i32, i32) {
    %c0_i32 = arith.constant 0 : i32
    %c0_i32_0 = arith.constant 0 : i32
    %c0_i32_1 = arith.constant 0 : i32
    return %c0_i32, %c0_i32_0 : i32, i32
  }
  func.func @transform_4(%arg0: i32) -> (i32, i32) {
    %c0_i32 = arith.constant 0 : i32
    %c0_i32_0 = arith.constant 0 : i32
    %c0_i32_1 = arith.constant 0 : i32
    return %c0_i32, %c0_i32_0 : i32, i32
  }
  func.func @transform_5(%arg0: i32) -> (i32, i32) {
    %c0_i32 = arith.constant 0 : i32
    %c0_i32_0 = arith.constant 0 : i32
    %c0_i32_1 = arith.constant 0 : i32
    return %c0_i32, %c0_i32_0 : i32, i32
  }
  func.func @transform_6(%arg0: i32) -> (i32, i32) {
    %c0_i32 = arith.constant 0 : i32
    %c0_i32_0 = arith.constant 0 : i32
    %c0_i32_1 = arith.constant 0 : i32
    return %c0_i32, %c0_i32_0 : i32, i32
  }
  func.func @transform_7(%arg0: i32) -> (i32, i32) {
    %c0_i32 = arith.constant 0 : i32
    %c0_i32_0 = arith.constant 0 : i32
    %c0_i32_1 = arith.constant 0 : i32
    return %c0_i32, %c0_i32_0 : i32, i32
  }
  func.func @transform_8(%arg0: i32) -> (i32, i32) {
    %c0_i32 = arith.constant 0 : i32
    %c0_i32_0 = arith.constant 0 : i32
    %c0_i32_1 = arith.constant 0 : i32
    return %c0_i32, %c0_i32_0 : i32, i32
  }
  func.func @transform_9(%arg0: i32) -> (i32, i32) {
    %c0_i32 = arith.constant 0 : i32
    %c0_i32_0 = arith.constant 0 : i32
    %c0_i32_1 = arith.constant 0 : i32
    return %c0_i32, %c0_i32_0 : i32, i32
  }
  func.func @transform_10(%arg0: i32) -> (i32, i32) {
    %c0_i32 = arith.constant 0 : i32
    %c0_i32_0 = arith.constant 0 : i32
    return %arg0, %c0_i32 : i32, i32
  }
}

</mosaic_0001>

<sc_bundles>
// kernel: kernel.5.cloned.1.call-start
scs
__scs_entry_jumppad:
0x0: {  	(pc) =	sbr.rel $0x88, $3  }
0x1: {  	(tag) =	ssettag $0x0;
	lr =	simm.s32 $0x1  }
0x2: {  	[smem:$0x3F94] =	sst lr;
	_ =	strace $0xD0000000  }
0x3: {  	_ = 	snop  }
0x4: {  	_ = 	snop  }
0x5: {  	_ = 	snop  }
0x6: {  	_ = 	snop  }
0x7: {  	_ = 	snop  }
__scs_overlays_trampoline_lowered:
0x8: {  	[smem:$0x3FA3] =	sst s0  }
0x9: {  	[smem:$0x3FA4] =	sst s1  }
0xa: {  	[smem:$0x3FA5] =	sst s2  }
0xb: {  	[smem:$0x3FA6] =	sst s3  }
0xc: {  	[smem:$0x3FA7] =	sst s4  }
0xd: {  	[smem:$0x3FA8] =	sst s5  }
0xe: {  	[smem:$0x3FA9] =	sst s6  }
0xf: {  	[smem:$0x3FAA] =	sst s7  }
0x10: {  	[smem:$0x3FAB] =	sst s8  }
0x11: {  	[smem:$0x3FAC] =	sst s9;
	s0 =	simm.s32 @!p0 $0x0  }
0x12: {  	s1 =	sld [smem:$0x3F92];
	s0 =	simm.s32 @p0 $0x1  }
0x13: {  	[smem:$0x3FAD] =	sst s0;
	s0 =	simm.s32 @!p1 $0x0  }
0x14: {  	s2 =	sld [smem:$0x3F91];
	s0 =	simm.s32 @p1 $0x1  }
0x15: {  	[smem:$0x3FAE] =	sst s0;
	s0 =	simm.s32 @!p2 $0x0  }
0x16: {  	s3 =	sld [smem:$0x3FDB];
	s0 =	simm.s32 @p2 $0x1  }
0x17: {  	s4 =	simm.s32 $0x1BF5;
	[smem:$0x3FB0] =	sst s0  }
0x18: {  	s0 =	sld [smem:$0x3F93];
	_ =	swait.ge [sflag:s4], $0x0  }
0x19: {  	s7 =	sld [smem:$0x3F94]  }
0x1a: {  	s8 =	sadd.s32 $0xFFFFE003, lr  }
0x1b: {  	s9 =	sadd.s32 $0xFFFFFEF7, lr;
	s5 =	simm.s32 $0xFFFFFFFF;
	p2 =	slt.u32 s8, $0xFFFFF086  }
0x1c: {  	p1 =	slt.u32 s9, $0xF7A;
	s5 =	simm.s32 @!p2 $0x0  }
0x1d: {  	s5 =	simm.s32 @p1 $0x1;
	p0 =	seq.s32 s7, s2  }
0x1e: {  	s7 =	smul.u32 @!p0 $0xF7A, s2;
	p2 =	seq.s32 @!p0 s5, $0x0  }
0x1f: {  	s9 =	smul.u32 $0xF7A, s1;
	s8 =	simm.s32 @!p0 $0x1BF5;
	p2 =	por !p2, p0  }
0x20: {  	[sflag:s8] =	ssyncset.s32 @!p0 $0xFFFFF086;
	s6 =	sadd.s32 @!p0 s3, s7;
	s7 =	simm.s32 @!p0 $0x108  }
0x21: {  	s3 =	sadd.s32 s3, s9;
	s6 =	sadd.s32 @!p0 $0x88, s6;
	s7 =	simm.s32 @p2 $0x1082  }
0x22: {  	[simem:s7], [sflag:s8] =	dma.local @!p0 [hbm:s6], $0xF7A  }
0x23: {  	s9 =	sor.u32 $0xD0000000, s2;
	s6 =	simm.s32 $0x108;
	_ =	swait.ge @!p0 [sflag:s8], $0x0  }
0x24: {  	s3 =	sadd.s32 $0x88, s3;
	s6 =	simm.s32 @!p1 $0x1082;
	[sflag:s4] =	ssyncset.s32 $0xFFFFF086  }
0x25: {  	[simem:s6], [sflag:s4] =	dma.local [hbm:s3], $0xF7A  }
0x26: {  	[smem:$0x3F94] =	sst s1;
	(tag) =	ssettag s2;
	_ =	strace s9  }
0x27: {  	s1 =	sld [smem:$0x3FA4]  }
0x28: {  	s2 =	sld [smem:$0x3FA5]  }
0x29: {  	s4 =	sld [smem:$0x3FA7]  }
0x2a: {  	p0 =	seq.s32 s5, $0x0;
	s5 =	sld [smem:$0x3FA8]  }
0x2b: {  	s6 =	sld [smem:$0x3FA9]  }
0x2c: {  	s7 =	sld [smem:$0x3FAA]  }
0x2d: {  	s3 =	simm.s32 $0x108;
	s8 =	sld [smem:$0x3FAB]  }
0x2e: {  	s3 =	simm.s32 @!p0 $0x1082;
	s9 =	sld [smem:$0x3FAC]  }
0x2f: {  	lr =	sadd.s32 s0, s3;
	s0 =	sld [smem:$0x3FA3]  }
0x30: {  	s3 =	sld [smem:$0x3FA6]  }
0x31: {  	[smem:$0x3FAF] =	sst s10  }
0x32: {  	s10 =	sld [smem:$0x3FAD];
	_ =	sdelay $0x3  }
0x33: {  	p0 =	seq.s32 s10, $0x1;
	s10 =	sld [smem:$0x3FAF];
	_ =	sdelay $0x3  }
0x34: {  	[smem:$0x3FAF] =	sst s10  }
0x35: {  	s10 =	sld [smem:$0x3FAE];
	_ =	sdelay $0x3  }
0x36: {  	p1 =	seq.s32 s10, $0x1;
	s10 =	sld [smem:$0x3FAF];
	_ =	sdelay $0x3  }
0x37: {  	[smem:$0x3FAF] =	sst s10  }
0x38: {  	s10 =	sld [smem:$0x3FB0]  }
0x39: {  	_ = 	snop;
	(pc) =	sbr.ind lr, $3  }
0x3a: {  	_ = 	snop  }
0x3b: {  	_ = 	snop  }
0x3c: {  	p2 =	seq.s32 s10, $0x1;
	s10 =	sld [smem:$0x3FAF]  }
0x3d: {  	_ =	shalt  }
0x3e: {  	_ =	shalt  }
0x3f: {  	_ =	shalt  }
0x40: {  	_ =	shalt  }
0x41: {  	_ =	shalt  }
0x42: {  	_ =	shalt  }
0x43: {  	_ =	shalt  }
0x44: {  	_ =	shalt  }
0x45: {  	_ =	shalt  }
0x46: {  	_ =	shalt  }
0x47: {  	_ =	shalt  }
0x48: {  	_ =	shalt  }
0x49: {  	_ =	shalt  }
0x4a: {  	_ =	shalt  }
0x4b: {  	_ =	shalt  }
0x4c: {  	_ =	shalt  }
0x4d: {  	_ =	shalt  }
0x4e: {  	_ =	shalt  }
0x4f: {  	_ =	shalt  }
0x50: {  	_ =	shalt  }
0x51: {  	_ =	shalt  }
0x52: {  	_ =	shalt  }
0x53: {  	_ =	shalt  }
0x54: {  	_ =	shalt  }
0x55: {  	_ =	shalt  }
0x56: {  	_ =	shalt  }
0x57: {  	_ =	shalt  }
0x58: {  	_ =	shalt  }
0x59: {  	_ =	shalt  }
0x5a: {  	_ =	shalt  }
0x5b: {  	_ =	shalt  }
0x5c: {  	_ =	shalt  }
0x5d: {  	_ =	shalt  }
0x5e: {  	_ =	shalt  }
0x5f: {  	_ =	shalt  }
0x60: {  	_ =	shalt  }
0x61: {  	_ =	shalt  }
0x62: {  	_ =	shalt  }
0x63: {  	_ =	shalt  }
0x64: {  	_ =	shalt  }
0x65: {  	_ =	shalt  }
0x66: {  	_ =	shalt  }
0x67: {  	_ =	shalt  }
0x68: {  	_ =	shalt  }
0x69: {  	_ =	shalt  }
0x6a: {  	_ =	shalt  }
0x6b: {  	_ =	shalt  }
0x6c: {  	_ =	shalt  }
0x6d: {  	_ =	shalt  }
0x6e: {  	_ =	shalt  }
0x6f: {  	_ =	shalt  }
0x70: {  	_ =	shalt  }
0x71: {  	_ =	shalt  }
0x72: {  	_ =	shalt  }
0x73: {  	_ =	shalt  }
0x74: {  	_ =	shalt  }
0x75: {  	_ =	shalt  }
0x76: {  	_ =	shalt  }
0x77: {  	_ =	shalt  }
0x78: {  	_ =	shalt  }
0x79: {  	_ =	shalt  }
0x7a: {  	_ =	shalt  }
0x7b: {  	_ =	shalt  }
0x7c: {  	_ =	shalt  }
0x7d: {  	_ =	shalt  }
0x7e: {  	_ =	shalt  }
0x7f: {  	_ =	shalt  }
0x80: {  	_ =	shalt  }
0x81: {  	_ =	shalt  }
0x82: {  	_ =	shalt  }
0x83: {  	_ =	shalt  }
0x84: {  	_ =	shalt  }
0x85: {  	_ =	shalt  }
0x86: {  	_ =	shalt  }
0x87: {  	_ =	shalt  }
.Lfunc_end0:
.L_simem_size_0:
called_computation_lowered:
.L_overlay_start_0:
0x88: {  	s2 =	sld [smem:$0x3FD9]  }
0x89: {  	s3 =	sld [smem:$0x3FFE];
	_ =	sdelay $0x1  }
0x8a: {  	s1 =	srdreg.scid  }
0x8b: {  	s0 =	sand.u32 $0x1, s1  }
0x8c: {  	s17 =	sshll.u32 s0, $0xA;
	s2 =	sadd.s32 s3, s2  }
0x8d: {  	s2 =	sadd.s32 s2, s17  }
0x8e: {  	[smem:$0x3FBB] =	sst s2  }
0x8f: {  	_ = 	snop  }
0x90: {  	s2 =	sld [smem:$0x3FD0];
	(tm) =	ssettm $0x1  }
0x91: {  	s18 =	sld [smem:$0x3FFB];
	_ =	sdelay $0x3  }
0x92: {  	_ =	strace s18  }
0x93: {  	s3 =	sld [smem:$0x3FFC];
	_ =	sdelay $0x3  }
0x94: {  	_ =	strace s3  }
0x95: {  	s3 =	sld [smem:$0x3FFD];
	_ =	sdelay $0x3  }
0x96: {  	_ =	strace s3  }
0x97: {  	_ =	strace $0x8FFFFFFF  }
0x98: {  	s19 =	sld [smem:$0x3FDB];
	_ =	sdelay $0x1  }
0x99: {  	s4 =	simm.s32 $_scs_section_size  }
0x9a: {  	s5 =	simm.s32 $_size__tile_overlayer_lowered;
	s6 =	simm.s32 $_tile_overlayer_lowered  }
0x9b: {  	s22 =	simm.s32 $0x1BFF;
	s21 =	sshll.u32 s6, $0x1;
	s3 =	sadd.s32 s4, s19  }
0x9c: {  	s7 =	simm.s32 $0x0;
	s20 =	sshll.u32 s5, $0x1;
	s5 =	sadd.s32 s21, s3  }
0x9d: {  	[timem:s7], [sflag:s22] =	dma.local [hbm:s5], s20  }
0x9e: {  	_ =	swait.ge [sflag:s22], s20  }
0x9f: {  	s4 =	ssub.s32 $0x0, s20;
	[sflag:s22] =	ssyncset.done $0x0  }
0xa0: {  	[sflag:s22] =	ssyncadd.s32 s4;
	_ =	sdelay $0x1  }
0xa1: {  	s23 =	simm.s32 $0x1B8B  }
0xa2: {  	_ =	swait.ge [sflag:s23], $0x1  }
0xa3: {  	[sflag:s23] =	ssyncset.done $0x0  }
0xa4: {  	s25 =	simm.s32 $0x1B8E;
	s24 =	sld [smem:$0x3FFE];
	[sflag:s23] =	ssyncadd.s32 $0xFFFFFFFF  }
0xa5: {  	s26 =	simm.s32 $execute0_lowered;
	[smem:$0x3FD2] =	sst s25  }
0xa6: {  	s5 =	sshll.u32 s26, $0x1;
	_ =	strace $0x80000046;
	[dreg:$0x1] =	wrdreg $0xFFFFFFFF  }
0xa7: {  	s28 =	simm.s32 $_size_execute0_lowered;
	s3 =	sadd.s32 s3, s5;
	[dreg:$0x0] =	wrdreg $0x0  }
0xa8: {  	s5 =	sshll.u32 s28, $0x1;
	[dreg:$0x2] =	wrdreg s3  }
0xa9: {  	[dreg:$0x3] =	wrdreg s5  }
0xaa: {  	[dreg:$0x4] =	wrdreg $0xC0  }
0xab: {  	_ =	task [dreg:s7], $0x5FFFF  }
0xac: {  	[dreg:$0x1] =	wrdreg $0xFFFFFFFF  }
0xad: {  	[dreg:$0x0] =	wrdreg $0x60  }
0xae: {  	[dreg:$0x2] =	wrdreg s24  }
0xaf: {  	[dreg:$0x3] =	wrdreg s2  }
0xb0: {  	[dreg:$0x4] =	wrdreg $0x6E500  }
0xb1: {  	[dreg:$0x5] =	wrdreg $0x9  }
0xb2: {  	_ =	task.clear_ibuf [dreg:s7], $0x6FFFF;
	_ =	strace $0x90000046  }
0xb3: {  	s29 =	simm.s32 $0x9;
	_ =	strace $0x80000048  }
0xb4: {  	_ =	swait.ge [sflag:s29], $0x1  }
0xb5: {  	[sflag:s29] =	ssyncadd.s32 $0xFFFFFFFF  }
0xb6: {  	_ =	strace $0x90000048  }
0xb7: {  	_ =	sfence  }
0xb8: {  	s30 =	sld [smem:$0x0];
	_ =	sdelay $0x2  }
0xb9: {  	s31 =	sshll.u32 s1, $0xD;
	s1 =	sshrl.u32 s1, $0x2  }
0xba: {  	s3 =	sand.u32 $0x4000, s31;
	s1 =	sadd.s32 s1, s30  }
0xbb: {  	s0 =	sor.u32 s3, s0;
	s1 =	sshll.u32 s1, $0x11  }
0xbc: {  	s0 =	sor.u32 s1, s0  }
0xbd: {  	s0 =	sadd.s32 $0x8F2B, s0  }
0xbe: {  	[sflag:s0] =	ssyncadd.remote.s32 $0x1  }
0xbf: {  	_ =	sfence.sel $0xFFFF  }
0xc0: {  	[dreg:$0x0] =	wrdreg $0xFFFFFFFF;
	(pc) =	sbr.abs _section_cstart, $3  }
0xc1: {  	[dreg:$0x1] =	wrdreg $0xFFFFFFFF  }
0xc2: {  	_ =	task.clear_ibuf [dreg:s7], $0x2FFFF;
	_ =	strace $0x9FFFFFFF  }
0xc3: {  	(tm) =	ssettm $0x7FFFFFFF  }
tec
execute0_lowered:
.L_overlay_start_1:
0x0: {  	(tag) =	ssettag $0x1  }
0x1: {  	s0 =	rddreg [dreg:$0x0]  }
0x2: {  	s1 =	rddreg [dreg:$0x1]  }
0x3: {  	s2 =	rddreg [dreg:$0x2]  }
0x4: {  	s3 =	srdreg.scid;
	s14 =	stileid.u32;
	s5 =	simm.s32 $0x0  }
0x5: {  	s3 =	sand.u32 $0x1, s3;
	s4 =	sshll.u32 s14, $0x1;
	[smem:$0x7FF] =	sst s5  }
0x6: {  	s6 =	sadd.s32 $0xBC00, s0;
	s7 =	sadd.s32 $0x1E00, s0;
	s8 =	smul.u32 $0x13800, s14  }
0x7: {  	s10 =	smul.u32 $0x27000, s14;
	p0 =	sne.s32 s14, $0xF;
	s14 =	simm.s32 $0x4740  }
0x8: {  	s28 =	sor.u32 s3, s4;
	s29 =	ssub.s32 $0x2, s3;
	s3 =	smul.u32 $0x138800, s3  }
0x9: {  	_ =	strace $0x80000047;
	s4 =	sadd.s32 $0x15A00, s0;
	s5 =	smul.u32 $0x2710, s28  }
0xa: {  	s13 =	sshrl.u32 s29, $0x1;
	s12 =	sshrl.u32 s8, $0x1;
	s15 =	sshrl.u32 s10, $0x2  }
0xb: {  	s28 =	sadd.s32 $0x6800, s8;
	s13 =	ssub.s32 s29, s13;
	s26 =	sadd.s32 s8, s3  }
0xc: {  	s29 =	sadd.s32 s3, s28;
	s8 =	sadd.s32 $0xD000, s8;
	s9 =	sshrl.u32 s5, $0x3  }
0xd: {  	s5 =	sadd.s32 s12, s2;
	s12 =	sadd.s32 s3, s8;
	s16 =	sadd.s32 s6, s9  }
0xe: {  	s17 =	sadd.s32 $0xFA, s9;
	s18 =	sadd.s32 s7, s9;
	[dreg:$0x4] =	wrdreg s16  }
0xf: {  	s3 =	sshrl.u32 s3, $0x4;
	[dreg:$0x5] =	wrdreg s18;
	s19 =	sadd.s32 s6, s17  }
0x10: {  	s20 =	sadd.s32 $0x1F4, s9;
	s10 =	sadd.s32 s7, s17;
	[dreg:$0x6] =	wrdreg s19  }
0x11: {  	s11 =	sadd.s32 s9, s0;
	s21 =	sadd.s32 s6, s20;
	[dreg:$0x7] =	wrdreg s10  }
0x12: {  	s23 =	sadd.s32 $0x2EE, s9;
	s22 =	sadd.s32 s7, s20;
	[dreg:$0x8] =	wrdreg s21  }
0x13: {  	s9 =	sadd.s32 $0x3E8, s9;
	s24 =	sadd.s32 s6, s23;
	[dreg:$0x9] =	wrdreg s22  }
0x14: {  	s0 =	sadd.s32 s15, s2;
	s6 =	sadd.s32 s6, s9;
	[dreg:$0xa] =	wrdreg s24  }
0x15: {  	s15 =	sshrl.u32 s12, $0x4;
	s25 =	sadd.s32 s7, s9;
	[dreg:$0xc] =	wrdreg s6  }
0x16: {  	s12 =	simm.s32 $0xFA0;
	s16 =	sadd.s32 $0xC00, s0;
	[dreg:$0xd] =	wrdreg s25  }
0x17: {  	s17 =	sshrl.u32 s28, $0x1;
	s20 =	sadd.s32 $0x2400, s0;
	[dreg:$0x11] =	wrdreg s16  }
0x18: {  	s18 =	sshrl.u32 s8, $0x1;
	s28 =	sadd.s32 $0x7800, s0;
	[dreg:$0x13] =	wrdreg s20  }
0x19: {  	s30 =	sadd.s32 $0x8400, s0;
	s10 =	sadd.s32 s7, s23;
	[dreg:$0x1a] =	wrdreg s28  }
0x1a: {  	s31 =	sadd.s32 $0x9000, s0;
	s19 =	sadd.s32 $0x1800, s0;
	[dreg:$0xb] =	wrdreg s10  }
0x1b: {  	s9 =	simm.s32 $0x1F40;
	s21 =	sadd.s32 $0x3000, s0;
	[dreg:$0x12] =	wrdreg s19  }
0x1c: {  	s6 =	sshrl.u32 s26, $0x4;
	s22 =	sadd.s32 $0x3C00, s0;
	[dreg:$0x14] =	wrdreg s21  }
0x1d: {  	s23 =	sadd.s32 $0x4800, s0;
	s24 =	sadd.s32 $0x5400, s0;
	[dreg:$0x15] =	wrdreg s22  }
0x1e: {  	s25 =	sadd.s32 $0x6000, s0;
	s26 =	sadd.s32 $0x6C00, s0;
	[dreg:$0x16] =	wrdreg s23  }
0x1f: {  	s8 =	sadd.s32 s18, s2;
	s16 =	simm.s32 $0x50;
	[dreg:$0x17] =	wrdreg s24  }
0x20: {  	s18 =	simm.s32 $0x6;
	s20 =	simm.s32 $0x7D0;
	[dreg:$0x18] =	wrdreg s25  }
0x21: {  	s6 =	sadd.s32 s1, s6;
	s10 =	sshrl.u32 s29, $0x4;
	[dreg:$0x19] =	wrdreg s26  }
0x22: {  	s29 =	sadd.s32 s17, s2;
	s7 =	sshrl.u32 s8, $0x3;
	s8 =	sadd.s32 $0x9C000, s2  }
0x23: {  	s17 =	simm.s32 $0xF50;
	s19 =	simm.s32 $0x4;
	s21 =	simm.s32 $0x1EF0  }
0x24: {  	s22 =	simm.s32 $0x0;
	[dreg:$0xe] =	wrdreg s6;
	s6 =	sadd.s32 s1, s10  }
0x25: {  	s10 =	simm.s32 $0x5;
	[dreg:$0xf] =	wrdreg s6;
	s6 =	sadd.s32 s1, s15  }
0x26: {  	s1 =	sadd.s32 s1, s3;
	s3 =	sadd.s32 $0x29400, s11;
	s11 =	simm.s32 $0x3  }
0x27: {  	s15 =	simm.s32 $0x1;
	[dreg:$0x10] =	wrdreg s6;
	s0 =	sadd.s32 $0x13800, s1  }
0x28: {  	v0 =	vimm.f32 $0.0e+00;
	v1 =	vimm.bf16 $0.0e+00;
	v2 =	vimm.f32 $1.000000000e+00;
	s1 =	smax.u32 s13, $0x1;
	s6 =	sshrl.u32 s29, $0x3;
	s13 =	simm.s32 $0x1770  }
.LBB2_1:
0x29: {  	s23 =	simm.s32 $0x0  }
.LBB2_2:
0x2a: {  	p1 =	sne.s32 s23, $0x9C00  }
.Ltmp0:
0x2b: {  	_ = 	snop;
	(pc) =	sbr.rel @p1 .LBB2_2-.Ltmp0, $3  }
0x2c: {  	_ =	sdelay $0x1  }
0x2d: {  	s24 =	sshra.s32 s23, $0x2  }
0x2e: {  	s23 =	sadd.s32 $0x40, s23;
	[tilespmem:s24+$0x4740] =	vst v0  }
0x2f: {  	s24 =	simm.s32 $0x100;
	s23 =	simm.s32 $0x0  }
.LBB2_4:
0x30: {  	p1 =	sne.s32 s24, $0x2F00;
	[tilespmem:s23+$0x1F70] =	vst v1;
	s25 =	smov.u32 s24;
	s24 =	sadd.s32 $0x100, s24  }
.Ltmp1:
0x31: {  	[tilespmem:s23+$0x1F60] =	vst v1;
	(pc) =	sbr.rel @p1 .LBB2_4-.Ltmp1, $3  }
0x32: {  	[tilespmem:s23+$0x1F40] =	vst v1  }
0x33: {  	[tilespmem:s23+$0x1F50] =	vst v1;
	_ =	sdelay $0x1  }
0x34: {  	s23 =	sshra.s32 s25, $0x2  }
0x35: {  	[tilespmem:s23+$0x1F70] =	vst v1  }
0x36: {  	[tilespmem:s23+$0x1F60] =	vst v1  }
0x37: {  	[tilespmem:s23+$0x1F40] =	vst v1  }
0x38: {  	[tilespmem:s23+$0x1F50] =	vst v1  }
0x39: {  	[spmem:s5] =	stream.linear.scatter [tilespmem:s9], [sflag:$0x5], $0xC00, $0x38;
	[tilespmem:$0x10A90] =	vst v63  }
0x3a: {  	_ =	swait.ge [sflag:s10], $0xC00  }
0x3b: {  	[sflag:s10] =	ssyncset.done $0x0  }
0x3c: {  	s28 =	rddreg [dreg:$0x11];
	[sflag:s10] =	ssyncadd.s32 $0xFFFFF400  }
0x3d: {  	[spmem:s28] =	stream.linear.scatter [tilespmem:s9], [sflag:$0x5], $0xC00, $0x38;
	[tilespmem:$0x10A90] =	vst v63  }
0x3e: {  	_ =	swait.ge [sflag:s10], $0xC00  }
0x3f: {  	[sflag:s10] =	ssyncset.done $0x0  }
0x40: {  	s29 =	rddreg [dreg:$0x12];
	[sflag:s10] =	ssyncadd.s32 $0xFFFFF400  }
0x41: {  	[spmem:s29] =	stream.linear.scatter [tilespmem:s9], [sflag:$0x5], $0xC00, $0x38;
	[tilespmem:$0x10A90] =	vst v63  }
0x42: {  	_ =	swait.ge [sflag:s10], $0xC00  }
0x43: {  	[sflag:s10] =	ssyncset.done $0x0  }
0x44: {  	s24 =	rddreg [dreg:$0x13];
	[sflag:s10] =	ssyncadd.s32 $0xFFFFF400  }
0x45: {  	[spmem:s24] =	stream.linear.scatter [tilespmem:s9], [sflag:$0x5], $0xC00, $0x38;
	[tilespmem:$0x10A90] =	vst v63  }
0x46: {  	_ =	swait.ge [sflag:s10], $0xC00  }
0x47: {  	[sflag:s10] =	ssyncset.done $0x0  }
0x48: {  	s25 =	rddreg [dreg:$0x14];
	[sflag:s10] =	ssyncadd.s32 $0xFFFFF400  }
0x49: {  	[spmem:s25] =	stream.linear.scatter [tilespmem:s9], [sflag:$0x5], $0xC00, $0x38;
	[tilespmem:$0x10A90] =	vst v63  }
0x4a: {  	_ =	swait.ge [sflag:s10], $0xC00  }
0x4b: {  	[sflag:s10] =	ssyncset.done $0x0  }
0x4c: {  	s26 =	rddreg [dreg:$0x15];
	[sflag:s10] =	ssyncadd.s32 $0xFFFFF400  }
0x4d: {  	[spmem:s26] =	stream.linear.scatter [tilespmem:s9], [sflag:$0x5], $0xC00, $0x38;
	[tilespmem:$0x10A90] =	vst v63  }
0x4e: {  	_ =	swait.ge [sflag:s10], $0xC00  }
0x4f: {  	[sflag:s10] =	ssyncset.done $0x0  }
0x50: {  	s28 =	rddreg [dreg:$0x16];
	[sflag:s10] =	ssyncadd.s32 $0xFFFFF400  }
0x51: {  	[spmem:s28] =	stream.linear.scatter [tilespmem:s9], [sflag:$0x5], $0xC00, $0x38;
	[tilespmem:$0x10A90] =	vst v63  }
0x52: {  	_ =	swait.ge [sflag:s10], $0xC00  }
0x53: {  	[sflag:s10] =	ssyncset.done $0x0  }
0x54: {  	s29 =	rddreg [dreg:$0x17];
	[sflag:s10] =	ssyncadd.s32 $0xFFFFF400  }
0x55: {  	[spmem:s29] =	stream.linear.scatter [tilespmem:s9], [sflag:$0x5], $0xC00, $0x38;
	[tilespmem:$0x10A90] =	vst v63  }
0x56: {  	_ =	swait.ge [sflag:s10], $0xC00  }
0x57: {  	[sflag:s10] =	ssyncset.done $0x0  }
0x58: {  	s24 =	rddreg [dreg:$0x18];
	[sflag:s10] =	ssyncadd.s32 $0xFFFFF400  }
0x59: {  	[spmem:s24] =	stream.linear.scatter [tilespmem:s9], [sflag:$0x5], $0xC00, $0x38;
	[tilespmem:$0x10A90] =	vst v63  }
0x5a: {  	_ =	swait.ge [sflag:s10], $0xC00  }
0x5b: {  	[sflag:s10] =	ssyncset.done $0x0  }
0x5c: {  	s25 =	rddreg [dreg:$0x19];
	[sflag:s10] =	ssyncadd.s32 $0xFFFFF400  }
0x5d: {  	[spmem:s25] =	stream.linear.scatter [tilespmem:s9], [sflag:$0x5], $0xC00, $0x38;
	[tilespmem:$0x10A90] =	vst v63  }
0x5e: {  	_ =	swait.ge [sflag:s10], $0xC00  }
0x5f: {  	[sflag:s10] =	ssyncset.done $0x0  }
0x60: {  	s26 =	rddreg [dreg:$0x1a];
	[sflag:s10] =	ssyncadd.s32 $0xFFFFF400  }
0x61: {  	[spmem:s26] =	stream.linear.scatter [tilespmem:s9], [sflag:$0x5], $0xC00, $0x38;
	[tilespmem:$0x10A90] =	vst v63  }
0x62: {  	_ =	swait.ge [sflag:s10], $0xC00  }
0x63: {  	[sflag:s10] =	ssyncset.done $0x0  }
0x64: {  	[sflag:s10] =	ssyncadd.s32 $0xFFFFF400  }
0x65: {  	[spmem:s30] =	stream.linear.scatter [tilespmem:s9], [sflag:$0x5], $0xC00, $0x38;
	[tilespmem:$0x10A90] =	vst v63  }
0x66: {  	_ =	swait.ge [sflag:s10], $0xC00  }
0x67: {  	[sflag:s10] =	ssyncset.done $0x0  }
0x68: {  	[sflag:s10] =	ssyncadd.s32 $0xFFFFF400  }
0x69: {  	[spmem:s31] =	stream.linear.scatter [tilespmem:s9], [sflag:$0x5], $0xC00, $0x38;
	[tilespmem:$0x10A90] =	vst v63  }
0x6a: {  	_ =	swait.ge [sflag:s10], $0xC00  }
0x6b: {  	[sflag:s10] =	ssyncset.done $0x0  }
0x6c: {  	s23 =	simm.s32 @!p0 $0x1F40;
	[sflag:s10] =	ssyncadd.s32 $0xFFFFF400  }
0x6d: {  	[spmem:s8] =	stream.linear.scatter @!p0 [tilespmem:s23], [sflag:$0x5], $0x400, $0x38;
	[tilespmem:$0x10A90] =	vst v63  }
0x6e: {  	s23 =	simm.s32 @!p0 $0x5  }
0x6f: {  	_ =	swait.ge @!p0 [sflag:s23], $0x400  }
0x70: {  	[sflag:s23] =	ssyncset.done @!p0 $0x0  }
0x71: {  	[sflag:s23] =	ssyncadd.s32 @!p0 $0xFFFFFC00  }
0x72: {  	[bflag:$0x0] =	sbarrier.arrive $0xFFFF  }
0x73: {  	s23 =	simm.s32 $0x0;
	s24 =	rddreg [dreg:$0x4]  }
0x74: {  	[tilespmem:s23], [sflag:$0x3] =	stream.linear.gather [hbm4b:s24+s23], $0x7D0, $0x38;
	[tilespmem:$0x10A90] =	vst v63  }
0x75: {  	s25 =	rddreg [dreg:$0x5];
	s24 =	simm.s32 $0x7D0  }
0x76: {  	[tilespmem:s24], [sflag:$0x3] =	stream.linear.gather [hbm4b:s25+s23], $0x7D0, $0x38;
	[tilespmem:$0x10A90] =	vst v63  }
0x77: {  	_ =	swait.ge [sflag:s11], $0x7D0  }
0x78: {  	[sflag:s11] =	ssyncset.done $0x0  }
0x79: {  	[sflag:s11] =	ssyncadd.s32 $0xFFFFF830  }
0x7a: {  	_ =	swait.ge [sflag:s11], $0x7D0  }
0x7b: {  	[sflag:s11] =	ssyncset.done $0x0  }
0x7c: {  	s28 =	rddreg [dreg:$0x6];
	[sflag:s11] =	ssyncadd.s32 $0xFFFFF830  }
0x7d: {  	[tilespmem:s12], [sflag:$0x4] =	stream.linear.gather [hbm4b:s28+s23], $0x7D0, $0x38;
	[tilespmem:$0x10A90] =	vst v63  }
0x7e: {  	s29 =	rddreg [dreg:$0x7]  }
0x7f: {  	[tilespmem:s13], [sflag:$0x4] =	stream.linear.gather [hbm4b:s29+s23], $0x7D0, $0x38;
	[tilespmem:$0x10A90] =	vst v63  }
0x80: {  	s25 =	simm.s32 $0x50  }
0x81: {  	[tilespmem:s9], [sflag:$0x1] =	stream.indirect.gather [hbm4b:s4+s25], $0x40, s23, s25, $0xb8;
	[tilespmem:$0x10A90] =	vst v63  }
.LBB2_6:
0x82: {  	s26 =	sand.u32 $0x1, s23  }
0x83: {  	p1 =	seq.s32 s26, $0x1  }
0x84: {  	p2 =	seq.s32 s26, $0x0;
	s28 =	simm.s32 @!p1 $0x50;
	s29 =	simm.s32 @!p1 $0x3340  }
0x85: {  	[tilespmem:s29], [sflag:$0x2] =	stream.indirect.gather @!p1 [hbm4b:s4+s28], $0x40, s25, s28, $0xb8;
	[tilespmem:$0x10A90] =	vst v63  }
0x86: {  	s28 =	simm.s32 @!p2 $0x50;
	s29 =	simm.s32 @!p2 $0x1F40  }
0x87: {  	[tilespmem:s29], [sflag:$0x1] =	stream.indirect.gather @!p2 [hbm4b:s4+s28], $0x40, s25, s28, $0xb8;
	[tilespmem:$0x10A90] =	vst v63  }
0x88: {  	v3 =	vld [tilespmem:s24+$0x0];
	_ =	sdelay $0x7  }
0x89: {  	[tilespmem:v3+s14+$0x0] =	vst.idx.add.f32.msk $0xffff, v2  }
0x8a: {  	v3 =	vld [tilespmem:s24+$0x10];
	_ =	sdelay $0x7  }
0x8b: {  	[tilespmem:v3+s14+$0x0] =	vst.idx.add.f32.msk $0xffff, v2  }
0x8c: {  	v3 =	vld [tilespmem:s24+$0x20];
	_ =	sdelay $0x7  }
0x8d: {  	[tilespmem:v3+s14+$0x0] =	vst.idx.add.f32.msk $0xffff, v2  }
0x8e: {  	v3 =	vld [tilespmem:s24+$0x30];
	_ =	sdelay $0x7  }
0x8f: {  	[tilespmem:v3+s14+$0x0] =	vst.idx.add.f32.msk $0xffff, v2  }
0x90: {  	v3 =	vld [tilespmem:s24+$0x40];
	_ =	sdelay $0x6  }
0x91: {  	p2 =	sne.s32 s26, $0x0  }
0x92: {  	s26 =	simm.s32 @!p2 $0x1;
	[tilespmem:v3+s14+$0x0] =	vst.idx.add.f32.msk $0xffff, v2  }
0x93: {  	_ =	swait.ge @!p2 [sflag:s26], $0x1400  }
0x94: {  	[sflag:s26] =	ssyncset.done @!p2 $0x0  }
0x95: {  	s28 =	simm.s32 @!p2 $0x1F40;
	[sflag:s26] =	ssyncadd.s32 @!p2 $0xFFFFEC00;
	s26 =	simm.s32 @!p2 $0x50  }
0x96: {  	[spmem:s2] =	stream.indirect.scatter.add.bf16 @!p2 [tilespmem:s28], [sflag:$0x6], $0x40, s24, s26, $0xb8;
	[tilespmem:$0x10A90] =	vst v63  }
0x97: {  	s26 =	simm.s32 @!p2 $0x6  }
0x98: {  	_ =	swait.ge @!p2 [sflag:s26], $0x1400  }
0x99: {  	[sflag:s26] =	ssyncset.done @!p2 $0x0  }
0x9a: {  	[sflag:s26] =	ssyncadd.s32 @!p2 $0xFFFFEC00;
	s26 =	simm.s32 @p1 $0x2  }
0x9b: {  	_ =	swait.ge @p1 [sflag:s26], $0x1400  }
0x9c: {  	s23 =	sadd.s32 $0x1, s23;
	s28 =	simm.s32 @p1 $0x3340;
	[sflag:s26] =	ssyncset.done @p1 $0x0  }
0x9d: {  	p2 =	sne.s32 s23, $0x18;
	[sflag:s26] =	ssyncadd.s32 @p1 $0xFFFFEC00;
	s26 =	simm.s32 @p1 $0x50  }
0x9e: {  	[spmem:s2] =	stream.indirect.scatter.add.bf16 @p1 [tilespmem:s28], [sflag:$0x5], $0x40, s24, s26, $0xb8;
	[tilespmem:$0x10A90] =	vst v63  }
.Ltmp2:
0x9f: {  	_ = 	snop;
	(pc) =	sbr.rel @p2 .LBB2_6-.Ltmp2, $4  }
0xa0: {  	s26 =	simm.s32 @p1 $0x5  }
0xa1: {  	_ =	swait.ge @p1 [sflag:s26], $0x1400  }
0xa2: {  	[sflag:s26] =	ssyncset.done @p1 $0x0  }
0xa3: {  	s25 =	sadd.s32 $0x50, s25;
	s24 =	sadd.s32 $0x50, s24;
	[sflag:s26] =	ssyncadd.s32 @p1 $0xFFFFEC00  }
0xa4: {  	v3 =	vld [tilespmem:$0xF50];
	_ =	sdelay $0x7  }
0xa5: {  	[tilespmem:v3+s14+$0x0] =	vst.idx.add.f32.msk $0xffff, v2  }
0xa6: {  	v3 =	vld [tilespmem:$0xF60];
	_ =	sdelay $0x7  }
0xa7: {  	[tilespmem:v3+s14+$0x0] =	vst.idx.add.f32.msk $0xffff, v2  }
0xa8: {  	v3 =	vld [tilespmem:$0xF70];
	_ =	sdelay $0x7  }
0xa9: {  	[tilespmem:v3+s14+$0x0] =	vst.idx.add.f32.msk $0xffff, v2  }
0xaa: {  	v3 =	vld [tilespmem:$0xF80];
	_ =	sdelay $0x7  }
0xab: {  	[tilespmem:v3+s14+$0x0] =	vst.idx.add.f32.msk $0xffff, v2  }
0xac: {  	v3 =	vld [tilespmem:$0xF90];
	_ =	sdelay $0x7  }
0xad: {  	[tilespmem:v3+s14+$0x0] =	vst.idx.add.f32.msk $0xffff, v2  }
0xae: {  	_ =	swait.ge [sflag:s15], $0x1400  }
0xaf: {  	[sflag:s15] =	ssyncset.done $0x0  }
0xb0: {  	[sflag:s15] =	ssyncadd.s32 $0xFFFFEC00  }
0xb1: {  	[spmem:s2] =	stream.indirect.scatter.add.bf16 [tilespmem:s9], [sflag:$0x6], $0x40, s17, s16, $0xb8;
	[tilespmem:$0x10A90] =	vst v63  }
0xb2: {  	_ =	swait.ge [sflag:s18], $0x1400  }
0xb3: {  	[sflag:s18] =	ssyncset.done $0x0  }
0xb4: {  	[sflag:s18] =	ssyncadd.s32 $0xFFFFEC00  }
0xb5: {  	_ =	swait.ge [sflag:s19], $0x7D0  }
0xb6: {  	[sflag:s19] =	ssyncset.done $0x0  }
0xb7: {  	[sflag:s19] =	ssyncadd.s32 $0xFFFFF830  }
0xb8: {  	_ =	swait.ge [sflag:s19], $0x7D0  }
0xb9: {  	[sflag:s19] =	ssyncset.done $0x0  }
0xba: {  	s23 =	simm.s32 $0x0;
	s24 =	rddreg [dreg:$0x8];
	[sflag:s19] =	ssyncadd.s32 $0xFFFFF830  }
0xbb: {  	[tilespmem:s23], [sflag:$0x3] =	stream.linear.gather [hbm4b:s24+s23], $0x7D0, $0x38;
	[tilespmem:$0x10A90] =	vst v63  }
0xbc: {  	s29 =	rddreg [dreg:$0x9]  }
0xbd: {  	[tilespmem:s20], [sflag:$0x3] =	stream.linear.gather [hbm4b:s29+s23], $0x7D0, $0x38;
	[tilespmem:$0x10A90] =	vst v63  }
0xbe: {  	s25 =	simm.s32 $0x1770;
	s24 =	simm.s32 $0xFF0  }
0xbf: {  	[tilespmem:s9], [sflag:$0x1] =	stream.indirect.gather [hbm4b:s4+s16], $0x40, s12, s16, $0xb8;
	[tilespmem:$0x10A90] =	vst v63  }
.LBB2_8:
0xc0: {  	s26 =	sand.u32 $0x1, s23  }
0xc1: {  	p1 =	seq.s32 s26, $0x1  }
0xc2: {  	p2 =	seq.s32 s26, $0x0;
	s28 =	simm.s32 @!p1 $0x50;
	s29 =	simm.s32 @!p1 $0x3340  }
0xc3: {  	[tilespmem:s29], [sflag:$0x2] =	stream.indirect.gather @!p1 [hbm4b:s4+s28], $0x40, s24, s28, $0xb8;
	[tilespmem:$0x10A90] =	vst v63  }
0xc4: {  	s28 =	simm.s32 @!p2 $0x50;
	s29 =	simm.s32 @!p2 $0x1F40  }
0xc5: {  	[tilespmem:s29], [sflag:$0x1] =	stream.indirect.gather @!p2 [hbm4b:s4+s28], $0x40, s24, s28, $0xb8;
	[tilespmem:$0x10A90] =	vst v63  }
0xc6: {  	v3 =	vld [tilespmem:s25+$0x0];
	_ =	sdelay $0x7  }
0xc7: {  	[tilespmem:v3+s14+$0x0] =	vst.idx.add.f32.msk $0xffff, v2  }
0xc8: {  	v3 =	vld [tilespmem:s25+$0x10];
	_ =	sdelay $0x7  }
0xc9: {  	[tilespmem:v3+s14+$0x0] =	vst.idx.add.f32.msk $0xffff, v2  }
0xca: {  	v3 =	vld [tilespmem:s25+$0x20];
	_ =	sdelay $0x7  }
0xcb: {  	[tilespmem:v3+s14+$0x0] =	vst.idx.add.f32.msk $0xffff, v2  }
0xcc: {  	v3 =	vld [tilespmem:s25+$0x30];
	_ =	sdelay $0x7  }
0xcd: {  	[tilespmem:v3+s14+$0x0] =	vst.idx.add.f32.msk $0xffff, v2  }
0xce: {  	v3 =	vld [tilespmem:s25+$0x40];
	_ =	sdelay $0x6  }
0xcf: {  	p2 =	sne.s32 s26, $0x0  }
0xd0: {  	s26 =	simm.s32 @!p2 $0x1;
	[tilespmem:v3+s14+$0x0] =	vst.idx.add.f32.msk $0xffff, v2  }
0xd1: {  	_ =	swait.ge @!p2 [sflag:s26], $0x1400  }
0xd2: {  	[sflag:s26] =	ssyncset.done @!p2 $0x0  }
0xd3: {  	s28 =	simm.s32 @!p2 $0x1F40;
	[sflag:s26] =	ssyncadd.s32 @!p2 $0xFFFFEC00;
	s26 =	simm.s32 @!p2 $0x50  }
0xd4: {  	[spmem:s2] =	stream.indirect.scatter.add.bf16 @!p2 [tilespmem:s28], [sflag:$0x6], $0x40, s25, s26, $0xb8;
	[tilespmem:$0x10A90] =	vst v63  }
0xd5: {  	s26 =	simm.s32 @!p2 $0x6  }
0xd6: {  	_ =	swait.ge @!p2 [sflag:s26], $0x1400  }
0xd7: {  	[sflag:s26] =	ssyncset.done @!p2 $0x0  }
0xd8: {  	[sflag:s26] =	ssyncadd.s32 @!p2 $0xFFFFEC00;
	s26 =	simm.s32 @p1 $0x2  }
0xd9: {  	_ =	swait.ge @p1 [sflag:s26], $0x1400  }
0xda: {  	s23 =	sadd.s32 $0x1, s23;
	s28 =	simm.s32 @p1 $0x3340;
	[sflag:s26] =	ssyncset.done @p1 $0x0  }
0xdb: {  	p2 =	sne.s32 s23, $0x18;
	[sflag:s26] =	ssyncadd.s32 @p1 $0xFFFFEC00;
	s26 =	simm.s32 @p1 $0x50  }
0xdc: {  	[spmem:s2] =	stream.indirect.scatter.add.bf16 @p1 [tilespmem:s28], [sflag:$0x5], $0x40, s25, s26, $0xb8;
	[tilespmem:$0x10A90] =	vst v63  }
.Ltmp3:
0xdd: {  	_ = 	snop;
	(pc) =	sbr.rel @p2 .LBB2_8-.Ltmp3, $4  }
0xde: {  	s26 =	simm.s32 @p1 $0x5  }
0xdf: {  	_ =	swait.ge @p1 [sflag:s26], $0x1400  }
0xe0: {  	[sflag:s26] =	ssyncset.done @p1 $0x0  }
0xe1: {  	s24 =	sadd.s32 $0x50, s24;
	s25 =	sadd.s32 $0x50, s25;
	[sflag:s26] =	ssyncadd.s32 @p1 $0xFFFFEC00  }
0xe2: {  	v3 =	vld [tilespmem:$0x1EF0];
	_ =	sdelay $0x7  }
0xe3: {  	[tilespmem:v3+s14+$0x0] =	vst.idx.add.f32.msk $0xffff, v2  }
0xe4: {  	v3 =	vld [tilespmem:$0x1F00];
	_ =	sdelay $0x7  }
0xe5: {  	[tilespmem:v3+s14+$0x0] =	vst.idx.add.f32.msk $0xffff, v2  }
0xe6: {  	v3 =	vld [tilespmem:$0x1F10];
	_ =	sdelay $0x7  }
0xe7: {  	[tilespmem:v3+s14+$0x0] =	vst.idx.add.f32.msk $0xffff, v2  }
0xe8: {  	v3 =	vld [tilespmem:$0x1F20];
	_ =	sdelay $0x7  }
0xe9: {  	[tilespmem:v3+s14+$0x0] =	vst.idx.add.f32.msk $0xffff, v2  }
0xea: {  	v3 =	vld [tilespmem:$0x1F30];
	_ =	sdelay $0x7  }
0xeb: {  	[tilespmem:v3+s14+$0x0] =	vst.idx.add.f32.msk $0xffff, v2  }
0xec: {  	_ =	swait.ge [sflag:s15], $0x1400  }
0xed: {  	[sflag:s15] =	ssyncset.done $0x0  }
0xee: {  	s23 =	simm.s32 $0x50;
	[sflag:s15] =	ssyncadd.s32 $0xFFFFEC00  }
0xef: {  	[spmem:s2] =	stream.indirect.scatter.add.bf16 [tilespmem:s9], [sflag:$0x6], $0x40, s21, s23, $0xb8;
	[tilespmem:$0x10A90] =	vst v63  }
0xf0: {  	_ =	swait.ge [sflag:s18], $0x1400  }
0xf1: {  	[sflag:s18] =	ssyncset.done $0x0  }
0xf2: {  	[sflag:s18] =	ssyncadd.s32 $0xFFFFEC00  }
0xf3: {  	_ =	swait.ge [sflag:s11], $0x7D0  }
0xf4: {  	[sflag:s11] =	ssyncset.done $0x0  }
0xf5: {  	[sflag:s11] =	ssyncadd.s32 $0xFFFFF830  }
0xf6: {  	_ =	swait.ge [sflag:s11], $0x7D0  }
0xf7: {  	[sflag:s11] =	ssyncset.done $0x0  }
0xf8: {  	s24 =	simm.s32 $0x0;
	s25 =	rddreg [dreg:$0xa];
	[sflag:s11] =	ssyncadd.s32 $0xFFFFF830  }
0xf9: {  	[tilespmem:s12], [sflag:$0x4] =	stream.linear.gather [hbm4b:s25+s24], $0x7D0, $0x38;
	[tilespmem:$0x10A90] =	vst v63  }
0xfa: {  	s29 =	rddreg [dreg:$0xb]  }
0xfb: {  	[tilespmem:s13], [sflag:$0x4] =	stream.linear.gather [hbm4b:s29+s24], $0x7D0, $0x38;
	[tilespmem:$0x10A90] =	vst v63  }
0xfc: {  	s25 =	simm.s32 $0x7D0  }
0xfd: {  	[tilespmem:s9], [sflag:$0x1] =	stream.indirect.gather [hbm4b:s4+s23], $0x40, s24, s23, $0xb8;
	[tilespmem:$0x10A90] =	vst v63  }
.LBB2_10:
0xfe: {  	s26 =	sand.u32 $0x1, s24  }
0xff: {  	p1 =	seq.s32 s26, $0x1  }
0x100: {  	p2 =	seq.s32 s26, $0x0;
	s28 =	simm.s32 @!p1 $0x50;
	s29 =	simm.s32 @!p1 $0x3340  }
0x101: {  	[tilespmem:s29], [sflag:$0x2] =	stream.indirect.gather @!p1 [hbm4b:s4+s28], $0x40, s23, s28, $0xb8;
	[tilespmem:$0x10A90] =	vst v63  }
0x102: {  	s28 =	simm.s32 @!p2 $0x50;
	s29 =	simm.s32 @!p2 $0x1F40  }
0x103: {  	[tilespmem:s29], [sflag:$0x1] =	stream.indirect.gather @!p2 [hbm4b:s4+s28], $0x40, s23, s28, $0xb8;
	[tilespmem:$0x10A90] =	vst v63  }
0x104: {  	v3 =	vld [tilespmem:s25+$0x0];
	_ =	sdelay $0x7  }
0x105: {  	[tilespmem:v3+s14+$0x0] =	vst.idx.add.f32.msk $0xffff, v2  }
0x106: {  	v3 =	vld [tilespmem:s25+$0x10];
	_ =	sdelay $0x7  }
0x107: {  	[tilespmem:v3+s14+$0x0] =	vst.idx.add.f32.msk $0xffff, v2  }
0x108: {  	v3 =	vld [tilespmem:s25+$0x20];
	_ =	sdelay $0x7  }
0x109: {  	[tilespmem:v3+s14+$0x0] =	vst.idx.add.f32.msk $0xffff, v2  }
0x10a: {  	v3 =	vld [tilespmem:s25+$0x30];
	_ =	sdelay $0x7  }
0x10b: {  	[tilespmem:v3+s14+$0x0] =	vst.idx.add.f32.msk $0xffff, v2  }
0x10c: {  	v3 =	vld [tilespmem:s25+$0x40];
	_ =	sdelay $0x6  }
0x10d: {  	p2 =	sne.s32 s26, $0x0  }
0x10e: {  	s26 =	simm.s32 @!p2 $0x1;
	[tilespmem:v3+s14+$0x0] =	vst.idx.add.f32.msk $0xffff, v2  }
0x10f: {  	_ =	swait.ge @!p2 [sflag:s26], $0x1400  }
0x110: {  	[sflag:s26] =	ssyncset.done @!p2 $0x0  }
0x111: {  	s28 =	simm.s32 @!p2 $0x1F40;
	[sflag:s26] =	ssyncadd.s32 @!p2 $0xFFFFEC00;
	s26 =	simm.s32 @!p2 $0x50  }
0x112: {  	[spmem:s2] =	stream.indirect.scatter.add.bf16 @!p2 [tilespmem:s28], [sflag:$0x6], $0x40, s25, s26, $0xb8;
	[tilespmem:$0x10A90] =	vst v63  }
0x113: {  	s26 =	simm.s32 @!p2 $0x6  }
0x114: {  	_ =	swait.ge @!p2 [sflag:s26], $0x1400  }
0x115: {  	[sflag:s26] =	ssyncset.done @!p2 $0x0  }
0x116: {  	[sflag:s26] =	ssyncadd.s32 @!p2 $0xFFFFEC00;
	s26 =	simm.s32 @p1 $0x2  }
0x117: {  	_ =	swait.ge @p1 [sflag:s26], $0x1400  }
0x118: {  	s24 =	sadd.s32 $0x1, s24;
	s28 =	simm.s32 @p1 $0x3340;
	[sflag:s26] =	ssyncset.done @p1 $0x0  }
0x119: {  	p2 =	sne.s32 s24, $0x18;
	[sflag:s26] =	ssyncadd.s32 @p1 $0xFFFFEC00;
	s26 =	simm.s32 @p1 $0x50  }
0x11a: {  	[spmem:s2] =	stream.indirect.scatter.add.bf16 @p1 [tilespmem:s28], [sflag:$0x5], $0x40, s25, s26, $0xb8;
	[tilespmem:$0x10A90] =	vst v63  }
.Ltmp4:
0x11b: {  	_ = 	snop;
	(pc) =	sbr.rel @p2 .LBB2_10-.Ltmp4, $4  }
0x11c: {  	s26 =	simm.s32 @p1 $0x5  }
0x11d: {  	_ =	swait.ge @p1 [sflag:s26], $0x1400  }
0x11e: {  	[sflag:s26] =	ssyncset.done @p1 $0x0  }
0x11f: {  	s23 =	sadd.s32 $0x50, s23;
	s25 =	sadd.s32 $0x50, s25;
	[sflag:s26] =	ssyncadd.s32 @p1 $0xFFFFEC00  }
0x120: {  	v3 =	vld [tilespmem:$0xF50];
	_ =	sdelay $0x7  }
0x121: {  	[tilespmem:v3+s14+$0x0] =	vst.idx.add.f32.msk $0xffff, v2  }
0x122: {  	v3 =	vld [tilespmem:$0xF60];
	_ =	sdelay $0x7  }
0x123: {  	[tilespmem:v3+s14+$0x0] =	vst.idx.add.f32.msk $0xffff, v2  }
0x124: {  	v3 =	vld [tilespmem:$0xF70];
	_ =	sdelay $0x7  }
0x125: {  	[tilespmem:v3+s14+$0x0] =	vst.idx.add.f32.msk $0xffff, v2  }
0x126: {  	v3 =	vld [tilespmem:$0xF80];
	_ =	sdelay $0x7  }
0x127: {  	[tilespmem:v3+s14+$0x0] =	vst.idx.add.f32.msk $0xffff, v2  }
0x128: {  	v3 =	vld [tilespmem:$0xF90];
	_ =	sdelay $0x7  }
0x129: {  	[tilespmem:v3+s14+$0x0] =	vst.idx.add.f32.msk $0xffff, v2  }
0x12a: {  	_ =	swait.ge [sflag:s15], $0x1400  }
0x12b: {  	[sflag:s15] =	ssyncset.done $0x0  }
0x12c: {  	[sflag:s15] =	ssyncadd.s32 $0xFFFFEC00  }
0x12d: {  	[spmem:s2] =	stream.indirect.scatter.add.bf16 [tilespmem:s9], [sflag:$0x6], $0x40, s17, s16, $0xb8;
	[tilespmem:$0x10A90] =	vst v63  }
0x12e: {  	_ =	swait.ge [sflag:s18], $0x1400  }
0x12f: {  	[sflag:s18] =	ssyncset.done $0x0  }
0x130: {  	[sflag:s18] =	ssyncadd.s32 $0xFFFFEC00  }
0x131: {  	_ =	swait.ge [sflag:s19], $0x7D0  }
0x132: {  	[sflag:s19] =	ssyncset.done $0x0  }
0x133: {  	[sflag:s19] =	ssyncadd.s32 $0xFFFFF830  }
0x134: {  	_ =	swait.ge [sflag:s19], $0x7D0  }
0x135: {  	[sflag:s19] =	ssyncset.done $0x0  }
0x136: {  	s23 =	simm.s32 $0x0;
	s24 =	rddreg [dreg:$0xc];
	[sflag:s19] =	ssyncadd.s32 $0xFFFFF830  }
0x137: {  	[tilespmem:s23], [sflag:$0x3] =	stream.linear.gather [hbm4b:s24+s23], $0x7D0, $0x38;
	[tilespmem:$0x10A90] =	vst v63  }
0x138: {  	s29 =	rddreg [dreg:$0xd]  }
0x139: {  	[tilespmem:s20], [sflag:$0x3] =	stream.linear.gather [hbm4b:s29+s23], $0x7D0, $0x38;
	[tilespmem:$0x10A90] =	vst v63  }
0x13a: {  	s25 =	simm.s32 $0x1770;
	s24 =	simm.s32 $0xFF0  }
0x13b: {  	[tilespmem:s9], [sflag:$0x1] =	stream.indirect.gather [hbm4b:s4+s16], $0x40, s12, s16, $0xb8;
	[tilespmem:$0x10A90] =	vst v63  }
.LBB2_12:
0x13c: {  	s26 =	sand.u32 $0x1, s23  }
0x13d: {  	p1 =	seq.s32 s26, $0x1  }
0x13e: {  	p2 =	seq.s32 s26, $0x0;
	s28 =	simm.s32 @!p1 $0x50;
	s29 =	simm.s32 @!p1 $0x3340  }
0x13f: {  	[tilespmem:s29], [sflag:$0x2] =	stream.indirect.gather @!p1 [hbm4b:s4+s28], $0x40, s24, s28, $0xb8;
	[tilespmem:$0x10A90] =	vst v63  }
0x140: {  	s28 =	simm.s32 @!p2 $0x50;
	s29 =	simm.s32 @!p2 $0x1F40  }
0x141: {  	[tilespmem:s29], [sflag:$0x1] =	stream.indirect.gather @!p2 [hbm4b:s4+s28], $0x40, s24, s28, $0xb8;
	[tilespmem:$0x10A90] =	vst v63  }
0x142: {  	v3 =	vld [tilespmem:s25+$0x0];
	_ =	sdelay $0x7  }
0x143: {  	[tilespmem:v3+s14+$0x0] =	vst.idx.add.f32.msk $0xffff, v2  }
0x144: {  	v3 =	vld [tilespmem:s25+$0x10];
	_ =	sdelay $0x7  }
0x145: {  	[tilespmem:v3+s14+$0x0] =	vst.idx.add.f32.msk $0xffff, v2  }
0x146: {  	v3 =	vld [tilespmem:s25+$0x20];
	_ =	sdelay $0x7  }
0x147: {  	[tilespmem:v3+s14+$0x0] =	vst.idx.add.f32.msk $0xffff, v2  }
0x148: {  	v3 =	vld [tilespmem:s25+$0x30];
	_ =	sdelay $0x7  }
0x149: {  	[tilespmem:v3+s14+$0x0] =	vst.idx.add.f32.msk $0xffff, v2  }
0x14a: {  	v3 =	vld [tilespmem:s25+$0x40];
	_ =	sdelay $0x6  }
0x14b: {  	p2 =	sne.s32 s26, $0x0  }
0x14c: {  	s26 =	simm.s32 @!p2 $0x1;
	[tilespmem:v3+s14+$0x0] =	vst.idx.add.f32.msk $0xffff, v2  }
0x14d: {  	_ =	swait.ge @!p2 [sflag:s26], $0x1400  }
0x14e: {  	[sflag:s26] =	ssyncset.done @!p2 $0x0  }
0x14f: {  	s28 =	simm.s32 @!p2 $0x1F40;
	[sflag:s26] =	ssyncadd.s32 @!p2 $0xFFFFEC00;
	s26 =	simm.s32 @!p2 $0x50  }
0x150: {  	[spmem:s2] =	stream.indirect.scatter.add.bf16 @!p2 [tilespmem:s28], [sflag:$0x6], $0x40, s25, s26, $0xb8;
	[tilespmem:$0x10A90] =	vst v63  }
0x151: {  	s26 =	simm.s32 @!p2 $0x6  }
0x152: {  	_ =	swait.ge @!p2 [sflag:s26], $0x1400  }
0x153: {  	[sflag:s26] =	ssyncset.done @!p2 $0x0  }
0x154: {  	[sflag:s26] =	ssyncadd.s32 @!p2 $0xFFFFEC00;
	s26 =	simm.s32 @p1 $0x2  }
0x155: {  	_ =	swait.ge @p1 [sflag:s26], $0x1400  }
0x156: {  	s23 =	sadd.s32 $0x1, s23;
	s28 =	simm.s32 @p1 $0x3340;
	[sflag:s26] =	ssyncset.done @p1 $0x0  }
0x157: {  	p2 =	sne.s32 s23, $0x18;
	[sflag:s26] =	ssyncadd.s32 @p1 $0xFFFFEC00;
	s26 =	simm.s32 @p1 $0x50  }
0x158: {  	[spmem:s2] =	stream.indirect.scatter.add.bf16 @p1 [tilespmem:s28], [sflag:$0x5], $0x40, s25, s26, $0xb8;
	[tilespmem:$0x10A90] =	vst v63  }
.Ltmp5:
0x159: {  	_ = 	snop;
	(pc) =	sbr.rel @p2 .LBB2_12-.Ltmp5, $4  }
0x15a: {  	s26 =	simm.s32 @p1 $0x5  }
0x15b: {  	_ =	swait.ge @p1 [sflag:s26], $0x1400  }
0x15c: {  	[sflag:s26] =	ssyncset.done @p1 $0x0  }
0x15d: {  	s24 =	sadd.s32 $0x50, s24;
	s25 =	sadd.s32 $0x50, s25;
	[sflag:s26] =	ssyncadd.s32 @p1 $0xFFFFEC00  }
0x15e: {  	v3 =	vld [tilespmem:$0x1EF0];
	_ =	sdelay $0x7  }
0x15f: {  	[tilespmem:v3+s14+$0x0] =	vst.idx.add.f32.msk $0xffff, v2  }
0x160: {  	v3 =	vld [tilespmem:$0x1F00];
	_ =	sdelay $0x7  }
0x161: {  	[tilespmem:v3+s14+$0x0] =	vst.idx.add.f32.msk $0xffff, v2  }
0x162: {  	v3 =	vld [tilespmem:$0x1F10];
	_ =	sdelay $0x7  }
0x163: {  	[tilespmem:v3+s14+$0x0] =	vst.idx.add.f32.msk $0xffff, v2  }
0x164: {  	v3 =	vld [tilespmem:$0x1F20];
	_ =	sdelay $0x7  }
0x165: {  	[tilespmem:v3+s14+$0x0] =	vst.idx.add.f32.msk $0xffff, v2  }
0x166: {  	v3 =	vld [tilespmem:$0x1F30];
	_ =	sdelay $0x7  }
0x167: {  	[tilespmem:v3+s14+$0x0] =	vst.idx.add.f32.msk $0xffff, v2  }
0x168: {  	_ =	swait.ge [sflag:s15], $0x1400  }
0x169: {  	[sflag:s15] =	ssyncset.done $0x0  }
0x16a: {  	s23 =	simm.s32 $0x50;
	[sflag:s15] =	ssyncadd.s32 $0xFFFFEC00  }
0x16b: {  	[spmem:s2] =	stream.indirect.scatter.add.bf16 [tilespmem:s9], [sflag:$0x6], $0x40, s21, s23, $0xb8;
	[tilespmem:$0x10A90] =	vst v63  }
0x16c: {  	_ =	swait.ge [sflag:s18], $0x1400  }
0x16d: {  	[sflag:s18] =	ssyncset.done $0x0  }
0x16e: {  	[sflag:s18] =	ssyncadd.s32 $0xFFFFEC00  }
0x16f: {  	_ =	swait.ge [sflag:s11], $0x7D0  }
0x170: {  	[sflag:s11] =	ssyncset.done $0x0  }
0x171: {  	[sflag:s11] =	ssyncadd.s32 $0xFFFFF830  }
0x172: {  	_ =	swait.ge [sflag:s11], $0x7D0  }
0x173: {  	[sflag:s11] =	ssyncset.done $0x0  }
0x174: {  	s24 =	simm.s32 $0x0;
	s25 =	simm.s32 $0x7D0;
	[sflag:s11] =	ssyncadd.s32 $0xFFFFF830  }
0x175: {  	[tilespmem:s9], [sflag:$0x1] =	stream.indirect.gather [hbm4b:s4+s23], $0x40, s24, s23, $0xb8;
	[tilespmem:$0x10A90] =	vst v63  }
.LBB2_14:
0x176: {  	s26 =	sand.u32 $0x1, s24  }
0x177: {  	p1 =	seq.s32 s26, $0x1  }
0x178: {  	p2 =	seq.s32 s26, $0x0;
	s28 =	simm.s32 @!p1 $0x50;
	s29 =	simm.s32 @!p1 $0x3340  }
0x179: {  	[tilespmem:s29], [sflag:$0x2] =	stream.indirect.gather @!p1 [hbm4b:s4+s28], $0x40, s23, s28, $0xb8;
	[tilespmem:$0x10A90] =	vst v63  }
0x17a: {  	s28 =	simm.s32 @!p2 $0x50;
	s29 =	simm.s32 @!p2 $0x1F40  }
0x17b: {  	[tilespmem:s29], [sflag:$0x1] =	stream.indirect.gather @!p2 [hbm4b:s4+s28], $0x40, s23, s28, $0xb8;
	[tilespmem:$0x10A90] =	vst v63  }
0x17c: {  	v3 =	vld [tilespmem:s25+$0x0];
	_ =	sdelay $0x7  }
0x17d: {  	[tilespmem:v3+s14+$0x0] =	vst.idx.add.f32.msk $0xffff, v2  }
0x17e: {  	v3 =	vld [tilespmem:s25+$0x10];
	_ =	sdelay $0x7  }
0x17f: {  	[tilespmem:v3+s14+$0x0] =	vst.idx.add.f32.msk $0xffff, v2  }
0x180: {  	v3 =	vld [tilespmem:s25+$0x20];
	_ =	sdelay $0x7  }
0x181: {  	[tilespmem:v3+s14+$0x0] =	vst.idx.add.f32.msk $0xffff, v2  }
0x182: {  	v3 =	vld [tilespmem:s25+$0x30];
	_ =	sdelay $0x7  }
0x183: {  	[tilespmem:v3+s14+$0x0] =	vst.idx.add.f32.msk $0xffff, v2  }
0x184: {  	v3 =	vld [tilespmem:s25+$0x40];
	_ =	sdelay $0x6  }
0x185: {  	p2 =	sne.s32 s26, $0x0  }
0x186: {  	s26 =	simm.s32 @!p2 $0x1;
	[tilespmem:v3+s14+$0x0] =	vst.idx.add.f32.msk $0xffff, v2  }
0x187: {  	_ =	swait.ge @!p2 [sflag:s26], $0x1400  }
0x188: {  	[sflag:s26] =	ssyncset.done @!p2 $0x0  }
0x189: {  	s28 =	simm.s32 @!p2 $0x1F40;
	[sflag:s26] =	ssyncadd.s32 @!p2 $0xFFFFEC00;
	s26 =	simm.s32 @!p2 $0x50  }
0x18a: {  	[spmem:s2] =	stream.indirect.scatter.add.bf16 @!p2 [tilespmem:s28], [sflag:$0x6], $0x40, s25, s26, $0xb8;
	[tilespmem:$0x10A90] =	vst v63  }
0x18b: {  	s26 =	simm.s32 @!p2 $0x6  }
0x18c: {  	_ =	swait.ge @!p2 [sflag:s26], $0x1400  }
0x18d: {  	[sflag:s26] =	ssyncset.done @!p2 $0x0  }
0x18e: {  	[sflag:s26] =	ssyncadd.s32 @!p2 $0xFFFFEC00;
	s26 =	simm.s32 @p1 $0x2  }
0x18f: {  	_ =	swait.ge @p1 [sflag:s26], $0x1400  }
0x190: {  	s24 =	sadd.s32 $0x1, s24;
	s28 =	simm.s32 @p1 $0x3340;
	[sflag:s26] =	ssyncset.done @p1 $0x0  }
0x191: {  	p2 =	sne.s32 s24, $0x18;
	[sflag:s26] =	ssyncadd.s32 @p1 $0xFFFFEC00;
	s26 =	simm.s32 @p1 $0x50  }
0x192: {  	[spmem:s2] =	stream.indirect.scatter.add.bf16 @p1 [tilespmem:s28], [sflag:$0x5], $0x40, s25, s26, $0xb8;
	[tilespmem:$0x10A90] =	vst v63  }
.Ltmp6:
0x193: {  	_ = 	snop;
	(pc) =	sbr.rel @p2 .LBB2_14-.Ltmp6, $4  }
0x194: {  	s26 =	simm.s32 @p1 $0x5  }
0x195: {  	_ =	swait.ge @p1 [sflag:s26], $0x1400  }
0x196: {  	[sflag:s26] =	ssyncset.done @p1 $0x0  }
0x197: {  	s23 =	sadd.s32 $0x50, s23;
	s25 =	sadd.s32 $0x50, s25;
	[sflag:s26] =	ssyncadd.s32 @p1 $0xFFFFEC00  }
0x198: {  	v3 =	vld [tilespmem:$0xF50];
	_ =	sdelay $0x7  }
0x199: {  	[tilespmem:v3+s14+$0x0] =	vst.idx.add.f32.msk $0xffff, v2  }
0x19a: {  	v3 =	vld [tilespmem:$0xF60];
	_ =	sdelay $0x7  }
0x19b: {  	[tilespmem:v3+s14+$0x0] =	vst.idx.add.f32.msk $0xffff, v2  }
0x19c: {  	v3 =	vld [tilespmem:$0xF70];
	_ =	sdelay $0x7  }
0x19d: {  	[tilespmem:v3+s14+$0x0] =	vst.idx.add.f32.msk $0xffff, v2  }
0x19e: {  	v3 =	vld [tilespmem:$0xF80];
	_ =	sdelay $0x7  }
0x19f: {  	[tilespmem:v3+s14+$0x0] =	vst.idx.add.f32.msk $0xffff, v2  }
0x1a0: {  	v3 =	vld [tilespmem:$0xF90];
	_ =	sdelay $0x7  }
0x1a1: {  	[tilespmem:v3+s14+$0x0] =	vst.idx.add.f32.msk $0xffff, v2  }
0x1a2: {  	_ =	swait.ge [sflag:s15], $0x1400  }
0x1a3: {  	[sflag:s15] =	ssyncset.done $0x0  }
0x1a4: {  	[sflag:s15] =	ssyncadd.s32 $0xFFFFEC00  }
0x1a5: {  	[spmem:s2] =	stream.indirect.scatter.add.bf16 [tilespmem:s9], [sflag:$0x6], $0x40, s17, s16, $0xb8;
	[tilespmem:$0x10A90] =	vst v63  }
0x1a6: {  	_ =	swait.ge [sflag:s18], $0x1400  }
0x1a7: {  	[sflag:s18] =	ssyncset.done $0x0  }
0x1a8: {  	s23 =	stileid.u32;
	[sflag:s18] =	ssyncadd.s32 $0xFFFFEC00  }
0x1a9: {  	s23 =	sshll.u32 s23, $0x6;
	[bflag:$0x0] =	sbarrier.arrive $0xFFFF  }
0x1aa: {  	s24 =	sshrl.u32 s5, $0x3;
	s23 =	sor.u32 $0x1C05, s23;
	s25 =	rddreg [dreg:$0xe]  }
0x1ab: {  	[hbm:s25], [sflag:s23] =	dma.local [spmem:s24], $0x680  }
0x1ac: {  	_ =	swait.ge [sflag:s10], $0x680  }
0x1ad: {  	[sflag:s10] =	ssyncset.done $0x0  }
0x1ae: {  	s26 =	rddreg [dreg:$0xf];
	[sflag:s10] =	ssyncadd.s32 $0xFFFFF980  }
0x1af: {  	[hbm:s26], [sflag:s23] =	dma.local [spmem:s6], $0x680  }
0x1b0: {  	_ =	swait.ge [sflag:s10], $0x680  }
0x1b1: {  	[sflag:s10] =	ssyncset.done $0x0  }
0x1b2: {  	s28 =	rddreg [dreg:$0x10];
	[sflag:s10] =	ssyncadd.s32 $0xFFFFF980  }
0x1b3: {  	[hbm:s28], [sflag:s23] =	dma.local [spmem:s7], $0x680  }
0x1b4: {  	_ =	swait.ge [sflag:s10], $0x680  }
0x1b5: {  	[sflag:s10] =	ssyncset.done $0x0  }
0x1b6: {  	s24 =	sshrl.u32 @!p0 s8, $0x3;
	[sflag:s10] =	ssyncadd.s32 $0xFFFFF980  }
0x1b7: {  	[hbm:s0], [sflag:s23] =	dma.local @!p0 [spmem:s24], $0x80  }
0x1b8: {  	s23 =	simm.s32 @!p0 $0x5  }
0x1b9: {  	s22 =	sadd.s32 $0x1, s22;
	_ =	swait.ge @!p0 [sflag:s23], $0x80  }
0x1ba: {  	p1 =	sne.s32 s22, s1;
	[sflag:s23] =	ssyncset.done @!p0 $0x0  }
.Ltmp7:
0x1bb: {  	s29 =	simm.s32 $0x0;
	[sflag:s23] =	ssyncadd.s32 @!p0 $0xFFFFFF80;
	(pc) =	sbr.rel @p1 .LBB2_1-.Ltmp7, $4  }
0x1bc: {  	[hbm4b:s3+s29] =	stream.linear.scatter [tilespmem:s14], [sflag:$0x5], $0x2710, $0x38;
	[tilespmem:$0x10A90] =	vst v63  }
0x1bd: {  	_ =	swait.ge [sflag:s10], $0x2710  }
0x1be: {  	[sflag:s10] =	ssyncset.done $0x0  }
0x1bf: {  	[sflag:s10] =	ssyncadd.s32 $0xFFFFD8F0  }
0x1c0: {  	_ =	sfence.sel $0x180000  }
0x1c1: {  	[bflag:$0x0] =	sbarrier.arrive $0xFFFF  }
0x1c2: {  	_ =	strace $0x90000047  }
0x1c3: {  	s0 =	stileid.u32;
	[bflag:$0x2] =	sbarrier.arrive $0xFFFF  }
0x1c4: {  	p0 =	sne.s32 s0, $0x0;
	s0 =	rddreg [dreg:$0x3]  }
0x1c5: {  	s0 =	sadd.s32 @!p0 $0x100000, s0  }
0x1c6: {  	[sflag:s0] =	ssyncadd.tile.s32 @!p0 $0x1;
	_ =	shalt  }
.Lfunc_end2:
_tile_overlayer_lowered:
.L_overlay_start_2:
0x1c7: {  	(tag) =	ssettag $0x2  }
0x1c8: {  	s0 =	rddreg [dreg:$0x0];
	s2 =	stileid.u32  }
0x1c9: {  	s1 =	rddreg [dreg:$0x1];
	p0 =	sne.s32 s2, $0x0  }
0x1ca: {  	s3 =	rddreg [dreg:$0x2];
	[bflag:$0x3] =	sbarrier.arrive $0xFFFF;
	s2 =	simm.s32 @!p0 $0x1C05  }
0x1cb: {  	[timem:s3], [sflag:s2] =	dma.local @!p0 [hbm:s0], s1  }
0x1cc: {  	s0 =	simm.s32 @!p0 $0x5  }
0x1cd: {  	_ =	swait.ge @!p0 [sflag:s0], s1  }
0x1ce: {  	s1 =	ssub.s32 @!p0 $0x0, s1;
	[sflag:s0] =	ssyncset.done @!p0 $0x0  }
0x1cf: {  	[sflag:s0] =	ssyncadd.s32 @!p0 s1  }
0x1d0: {  	[bflag:$0x3] =	sbarrier.arrive $0xFFFF  }
0x1d1: {  	_ =	shalt  }

</sc_bundles>
